<compile_context>
chip_gen: v7x
topology: tpu7x:2x2x1
jax: 0.10.2.dev20260603
libtpu: 0.0.44.dev20260713+nightly
codegen_flags: <defaults>
</compile_context>

<pallas_src>
import functools

import jax
import jax.numpy as jnp
from jax import lax
from jax.experimental import pallas as pl
from jax.experimental.pallas import tpu as pltpu
from jax.experimental.pallas import tpu_sc as plsc

N = 10000
E = 320000
D = 128
H = 128
O = 5

NC = 2
NS = 16
NW = NC * NS

C = 128
CHUNKS = 2 * (-(-E // (NW * C * 2)))
E_PW = CHUNKS * C
E_PAD = E_PW * NW
N_PAD = 10240
ROWS_PS = N_PAD // NS


def _sc_mesh():
    return plsc.VectorSubcoreMesh(core_axis_name="c", subcore_axis_name="s",
                                  num_cores=NC, num_subcores=NS)


def _sc_segment_sum(y, e_src, e_dst):
    scratch = [
        pltpu.VMEM((1, C), jnp.int32),
        pltpu.VMEM((1, C), jnp.int32),
        pltpu.VMEM((1, C), jnp.int32),
        pltpu.VMEM((1, C), jnp.int32),
        pltpu.VMEM((C, 128), jnp.float32),
        pltpu.VMEM((C, 128), jnp.float32),
        pltpu.VMEM_SHARED((N_PAD, 128), jnp.float32),
        pltpu.SemaphoreType.DMA,
        pltpu.SemaphoreType.DMA,
    ]

    def body(y_hbm, src_hbm, dst_hbm, z128_hbm, agg_out,
             sa, sb, da, db, rows_a, rows_b, agg_sh, sem_a, sem_b):
        c = lax.axis_index("c")
        s = lax.axis_index("s")
        gw = c * NS + s
        row0 = s * ROWS_PS
        base = gw * E_PW

        pltpu.sync_copy(z128_hbm, rows_a)
        for j in range(ROWS_PS // C):
            pltpu.sync_copy(rows_a, agg_sh.at[pl.ds(row0 + j * C, C)])
        plsc.subcore_barrier()

        pltpu.sync_copy(src_hbm.at[pl.ds(base, C)], sa.at[0])
        pltpu.async_copy(y_hbm.at[sa.at[0]], rows_a, sem_a)

        @pl.loop(0, CHUNKS // 2)
        def _(i):
            k0 = 2 * i
            pltpu.sync_copy(src_hbm.at[pl.ds(base + (k0 + 1) * C, C)],
                            sb.at[0])
            pltpu.sync_copy(dst_hbm.at[pl.ds(base + k0 * C, C)], da.at[0])
            pltpu.make_async_copy(y_hbm.at[sa.at[0]], rows_a, sem_a).wait()
            pltpu.async_copy(y_hbm.at[sb.at[0]], rows_b, sem_b)
            pltpu.sync_copy(rows_a, agg_sh.at[da.at[0]], add=True)
            pltpu.sync_copy(dst_hbm.at[pl.ds(base + (k0 + 1) * C, C)],
                            db.at[0])

            @pl.when(k0 + 2 < CHUNKS)
            def _():
                pltpu.sync_copy(src_hbm.at[pl.ds(base + (k0 + 2) * C, C)],
                                sa.at[0])

            pltpu.make_async_copy(y_hbm.at[sb.at[0]], rows_b, sem_b).wait()

            @pl.when(k0 + 2 < CHUNKS)
            def _():
                pltpu.async_copy(y_hbm.at[sa.at[0]], rows_a, sem_a)

            pltpu.sync_copy(rows_b, agg_sh.at[db.at[0]], add=True)

        plsc.subcore_barrier()
        for j in range(ROWS_PS // C):
            buf = rows_a if j % 2 == 0 else rows_b
            pltpu.sync_copy(agg_sh.at[pl.ds(row0 + j * C, C)], buf)
            pltpu.sync_copy(buf, agg_out.at[c].at[pl.ds(row0 + j * C, C)])

    z128 = jnp.zeros((C, 128), jnp.float32)
    k = pl.kernel(body,
                  out_type=jax.ShapeDtypeStruct((NC, N_PAD, 128), jnp.float32),
                  mesh=_sc_mesh(), scratch_types=scratch)
    return k(y, e_src, e_dst, z128)


def _sc_degree_count(e_dst):
    scratch = [
        pltpu.VMEM((1, C), jnp.int32),
        pltpu.VMEM((C, 128), jnp.float32),
        pltpu.VMEM_SHARED((N_PAD, 128), jnp.float32),
        pltpu.SemaphoreType.DMA,
    ]

    def body(dst_hbm, z16_hbm, ones_hbm, cnt_out, dv, ones_v, cnt_sh, sem):
        c = lax.axis_index("c")
        s = lax.axis_index("s")
        gw = c * NS + s
        row0 = s * ROWS_PS
        base = gw * E_PW

        pltpu.sync_copy(z16_hbm, ones_v)
        for j in range(ROWS_PS // C):
            pltpu.sync_copy(ones_v, cnt_sh.at[pl.ds(row0 + j * C, C)])
        pltpu.sync_copy(ones_hbm, ones_v)
        plsc.subcore_barrier()

        @pl.loop(0, CHUNKS)
        def _(k):
            pltpu.sync_copy(dst_hbm.at[pl.ds(base + k * C, C)], dv.at[0])
            pltpu.sync_copy(ones_v, cnt_sh.at[dv.at[0]], add=True)

        plsc.subcore_barrier()
        for j in range(ROWS_PS // C):
            pltpu.sync_copy(cnt_sh.at[pl.ds(row0 + j * C, C)], ones_v)
            pltpu.sync_copy(ones_v, cnt_out.at[c].at[pl.ds(row0 + j * C, C)])

    z16 = jnp.zeros((C, 128), jnp.float32)
    ones16 = jnp.ones((C, 128), jnp.float32)
    k = pl.kernel(body,
                  out_type=jax.ShapeDtypeStruct((NC, N_PAD, 128), jnp.float32),
                  mesh=_sc_mesh(), scratch_types=scratch)
    return k(e_dst, z16, ones16)


BLK = 1000


def _sage_tc_kernel(with_head, x_ref, a0, a1, c0, c1, wl, bl, wr, *rest):
    if with_head:
        w3, b3, o_ref = rest
    else:
        (o_ref,) = rest
    cnt = jnp.maximum(c0[:, :1] + c1[:, :1], 1.0)
    mean = (a0[...] + a1[...]) / cnt
    dn = (((1,), (1,)), ((), ()))
    t = lax.dot_general(mean, wl[...], dn, preferred_element_type=jnp.float32)
    r = lax.dot_general(x_ref[...], wr[...], dn,
                        preferred_element_type=jnp.float32)
    h = jnp.maximum(t + r + bl[...], 0.0)
    if with_head:
        o_ref[...] = lax.dot_general(
            h, w3[...], dn, preferred_element_type=jnp.float32) + b3[...]
    else:
        o_ref[...] = h


def _sage_tc(x, agg, cnt16, Wl, bl, Wr, head=None):
    row_spec = pl.BlockSpec((BLK, 128), lambda i: (i, 0))
    w_spec = pl.BlockSpec((128, 128), lambda i: (0, 0))
    b_spec = pl.BlockSpec((1, 128), lambda i: (0, 0))
    in_specs = [row_spec, row_spec, row_spec, row_spec, row_spec,
                w_spec, b_spec, w_spec]
    args = [x, agg[0, :N], agg[1, :N], cnt16[0, :N], cnt16[1, :N],
            Wl, bl.reshape(1, 128), Wr]
    if head is not None:
        W3p, b3p = head
        in_specs += [w_spec, b_spec]
        args += [W3p, b3p]
    return pl.pallas_call(
        functools.partial(_sage_tc_kernel, head is not None),
        grid=(N // BLK,),
        in_specs=in_specs,
        out_specs=row_spec,
        out_shape=jax.ShapeDtypeStruct((N, 128), jnp.float32),
    )(*args)


def kernel(x, edge_index, W1l, b1l, W1r, W2l, b2l, W2r, W3, b3):
    src = edge_index[0]
    dst = edge_index[1]
    pad_i = jnp.arange(E_PAD - E, dtype=jnp.int32)
    e_src = jnp.concatenate([src, pad_i % N])
    e_dst = jnp.concatenate([dst, N + pad_i % (N_PAD - N)])

    cnt16 = _sc_degree_count(e_dst)
    agg1 = _sc_segment_sum(x, e_src, e_dst)
    h = _sage_tc(x, agg1, cnt16, W1l, b1l, W1r)
    agg2 = _sc_segment_sum(h, e_src, e_dst)

    W3p = jnp.zeros((128, 128), jnp.float32).at[:O].set(W3)
    b3p = jnp.zeros((1, 128), jnp.float32).at[0, :O].set(b3)
    out = _sage_tc(h, agg2, cnt16, W2l, b2l, W2r, head=(W3p, b3p))
    return out[:, :O]

# --- scband reference (transcript-rebuilt; emitter-appended) ---
"""Pipeline reference for scband-node-regressor-80023830659433 (READ-ONLY COPY).

The authoritative reference and input builder live on the scoring server;
editing this copy changes nothing except your own understanding.
"""

import jax, jax.numpy as jnp
import numpy as np

N = 10000
E = 320000
D = 128
H = 128
O = 5


def setup_inputs(seed: int = 0) -> dict:
    key = jax.random.key(seed)
    ks = jax.random.split(key, 12)
    x = jax.random.normal(ks[0], (N, D), dtype=jnp.float32)
    edge_index = jax.random.randint(ks[1], (2, E), 0, N, dtype=jnp.int32)
    s1 = 1.0 / np.sqrt(D)
    s2 = 1.0 / np.sqrt(H)
    # SAGEConv params: lin_l (neighbor aggregate, with bias), lin_r (root, no bias)
    W1l = jax.random.uniform(ks[2], (H, D), jnp.float32, -s1, s1)
    b1l = jax.random.uniform(ks[3], (H,), jnp.float32, -s1, s1)
    W1r = jax.random.uniform(ks[4], (H, D), jnp.float32, -s1, s1)
    W2l = jax.random.uniform(ks[5], (H, H), jnp.float32, -s2, s2)
    b2l = jax.random.uniform(ks[6], (H,), jnp.float32, -s2, s2)
    W2r = jax.random.uniform(ks[7], (H, H), jnp.float32, -s2, s2)
    W3 = jax.random.uniform(ks[8], (O, H), jnp.float32, -s2, s2)
    b3 = jax.random.uniform(ks[9], (O,), jnp.float32, -s2, s2)
    return {"x": x, "edge_index": edge_index, "W1l": W1l, "b1l": b1l, "W1r": W1r,
            "W2l": W2l, "b2l": b2l, "W2r": W2r, "W3": W3, "b3": b3}


def _sage_conv(x, src, dst, Wl, bl, Wr):
    msgs = jnp.take(x, src, axis=0)                      # gather source node feats
    agg = jax.ops.segment_sum(msgs, dst, num_segments=N)  # scatter-add to dst
    cnt = jax.ops.segment_sum(jnp.ones((src.shape[0],), jnp.float32), dst, num_segments=N)
    mean = agg / jnp.clip(cnt, 1.0)[:, None]
    return mean @ Wl.T + bl + x @ Wr.T


def reference(x, edge_index, W1l, b1l, W1r, W2l, b2l, W2r, W3, b3):
    src = edge_index[0]
    dst = edge_index[1]
    h = _sage_conv(x, src, dst, W1l, b1l, W1r)
    h = jax.nn.relu(h)
    h = _sage_conv(h, src, dst, W2l, b2l, W2r)
    h = jax.nn.relu(h)
    out = h @ W3.T + b3
    return out

if __name__ == "__main__":
    import jax
    _d = setup_inputs()
    print(jax.jit(kernel)(*tuple(_d.values())))

</pallas_src>

<mosaic_0001>
#map = affine_map<(d0, d1) -> (0, 0)>
#map1 = affine_map<(d0, d1) -> (0)>
#map2 = affine_map<(d0, d1) -> (0, 0, 0)>
module attributes {stable_mosaic.version = 14 : i64} {
  func.func @body(%arg0: i32, %arg1: i32, %arg2: memref<10000x128xf32, #tpu.memory_space<hbm>>, %arg3: memref<327680xi32, #tpu.memory_space<hbm>>, %arg4: memref<327680xi32, #tpu.memory_space<hbm>>, %arg5: memref<128x128xf32, #tpu.memory_space<hbm>>, %arg6: memref<2x10240x128xf32, #tpu.memory_space<hbm>>, %arg7: memref<1x128xi32, #tpu.memory_space<vmem>>, %arg8: memref<1x128xi32, #tpu.memory_space<vmem>>, %arg9: memref<1x128xi32, #tpu.memory_space<vmem>>, %arg10: memref<1x128xi32, #tpu.memory_space<vmem>>, %arg11: memref<128x128xf32, #tpu.memory_space<vmem>>, %arg12: memref<128x128xf32, #tpu.memory_space<vmem>>, %arg13: memref<10240x128xf32, #tpu.memory_space<vmem_shared>>, %arg14: memref<!tpu.dma_semaphore, #tpu.memory_space<semaphore_mem>>, %arg15: memref<!tpu.dma_semaphore, #tpu.memory_space<semaphore_mem>>) attributes {dimension_semantics = [#tpu.dimension_semantics<core_parallel>, #tpu.dimension_semantics<subcore_parallel>], iteration_bounds = array<i64: 2, 16>, scalar_prefetch = 0 : i64, scratch_operands = 9 : i64, tpu.core_type = #tpu.core_type<sc_vector_subcore>, window_params = [{transform_indices = #map}, {transform_indices = #map1}, {transform_indices = #map1}, {transform_indices = #map}, {transform_indices = #map2}]} {
    %mul3A = arith.constant 16 : i32
    %mul3A_0 = arith.muli %arg0, %mul3A : i32
    %add3A = arith.addi %mul3A_0, %arg1 : i32
    %mul3A_1 = arith.constant 640 : i32
    %mul3A_2 = arith.muli %arg1, %mul3A_1 : i32
    %mul3A_3 = arith.constant 10240 : i32
    %mul3A_4 = arith.muli %add3A, %mul3A_3 : i32
    "tpu.region"() ({
      %run_scoped3A_46 = tpu.sem_alloc : memref<!tpu.dma_semaphore, #tpu.memory_space<semaphore_mem>>
      tpu.enqueue_dma source(%arg5 : memref<128x128xf32, #tpu.memory_space<hbm>>) target(%arg11 : memref<128x128xf32, #tpu.memory_space<vmem>>) target_semaphore(%run_scoped3A_46 : memref<!tpu.dma_semaphore, #tpu.memory_space<semaphore_mem>>)
      tpu.wait_dma2 semaphore(%run_scoped3A_46 : memref<!tpu.dma_semaphore, #tpu.memory_space<semaphore_mem>>) src(%arg5 : memref<128x128xf32, #tpu.memory_space<hbm>>) dst(%arg11 : memref<128x128xf32, #tpu.memory_space<vmem>>)
      tpu.yield
    }) : () -> ()
    %add3A_5 = arith.constant 0 : i32
    %add3A_6 = arith.addi %mul3A_2, %add3A_5 : i32
    "tpu.region"() ({
      %run_scoped3A_46 = tpu.sem_alloc : memref<!tpu.dma_semaphore, #tpu.memory_space<semaphore_mem>>
      %dma_start3A_47 = arith.constant 0 : i32
      %dma_start3A_48 = tpu.memref_slice %arg13[%add3A_6, %dma_start3A_47] : memref<10240x128xf32, #tpu.memory_space<vmem_shared>> -> memref<128x128xf32, #tpu.memory_space<vmem_shared>>
      %dma_start3A_49 = arith.constant 0 : i32
      %dma_start3A_50 = tpu.memref_slice %arg13[%add3A_6, %dma_start3A_49] : memref<10240x128xf32, #tpu.memory_space<vmem_shared>> -> memref<128x128xf32, #tpu.memory_space<vmem_shared>>
      tpu.enqueue_dma source(%arg11 : memref<128x128xf32, #tpu.memory_space<vmem>>) target(%dma_start3A_50 : memref<128x128xf32, #tpu.memory_space<vmem_shared>>) target_semaphore(%run_scoped3A_46 : memref<!tpu.dma_semaphore, #tpu.memory_space<semaphore_mem>>)
      %dma_wait3A = arith.constant 0 : i32
      %dma_wait3A_51 = tpu.memref_slice %arg13[%add3A_6, %dma_wait3A] : memref<10240x128xf32, #tpu.memory_space<vmem_shared>> -> memref<128x128xf32, #tpu.memory_space<vmem_shared>>
      %dma_wait3A_52 = arith.constant 0 : i32
      %dma_wait3A_53 = tpu.memref_slice %arg13[%add3A_6, %dma_wait3A_52] : memref<10240x128xf32, #tpu.memory_space<vmem_shared>> -> memref<128x128xf32, #tpu.memory_space<vmem_shared>>
      tpu.wait_dma2 semaphore(%run_scoped3A_46 : memref<!tpu.dma_semaphore, #tpu.memory_space<semaphore_mem>>) src(%arg11 : memref<128x128xf32, #tpu.memory_space<vmem>>) dst(%dma_wait3A_53 : memref<128x128xf32, #tpu.memory_space<vmem_shared>>)
      tpu.yield
    }) : () -> ()
    %add3A_7 = arith.constant 128 : i32
    %add3A_8 = arith.addi %mul3A_2, %add3A_7 : i32
    "tpu.region"() ({
      %run_scoped3A_46 = tpu.sem_alloc : memref<!tpu.dma_semaphore, #tpu.memory_space<semaphore_mem>>
      %dma_start3A_47 = arith.constant 0 : i32
      %dma_start3A_48 = tpu.memref_slice %arg13[%add3A_8, %dma_start3A_47] : memref<10240x128xf32, #tpu.memory_space<vmem_shared>> -> memref<128x128xf32, #tpu.memory_space<vmem_shared>>
      %dma_start3A_49 = arith.constant 0 : i32
      %dma_start3A_50 = tpu.memref_slice %arg13[%add3A_8, %dma_start3A_49] : memref<10240x128xf32, #tpu.memory_space<vmem_shared>> -> memref<128x128xf32, #tpu.memory_space<vmem_shared>>
      tpu.enqueue_dma source(%arg11 : memref<128x128xf32, #tpu.memory_space<vmem>>) target(%dma_start3A_50 : memref<128x128xf32, #tpu.memory_space<vmem_shared>>) target_semaphore(%run_scoped3A_46 : memref<!tpu.dma_semaphore, #tpu.memory_space<semaphore_mem>>)
      %dma_wait3A = arith.constant 0 : i32
      %dma_wait3A_51 = tpu.memref_slice %arg13[%add3A_8, %dma_wait3A] : memref<10240x128xf32, #tpu.memory_space<vmem_shared>> -> memref<128x128xf32, #tpu.memory_space<vmem_shared>>
      %dma_wait3A_52 = arith.constant 0 : i32
      %dma_wait3A_53 = tpu.memref_slice %arg13[%add3A_8, %dma_wait3A_52] : memref<10240x128xf32, #tpu.memory_space<vmem_shared>> -> memref<128x128xf32, #tpu.memory_space<vmem_shared>>
      tpu.wait_dma2 semaphore(%run_scoped3A_46 : memref<!tpu.dma_semaphore, #tpu.memory_space<semaphore_mem>>) src(%arg11 : memref<128x128xf32, #tpu.memory_space<vmem>>) dst(%dma_wait3A_53 : memref<128x128xf32, #tpu.memory_space<vmem_shared>>)
      tpu.yield
    }) : () -> ()
    %add3A_9 = arith.constant 256 : i32
    %add3A_10 = arith.addi %mul3A_2, %add3A_9 : i32
    "tpu.region"() ({
      %run_scoped3A_46 = tpu.sem_alloc : memref<!tpu.dma_semaphore, #tpu.memory_space<semaphore_mem>>
      %dma_start3A_47 = arith.constant 0 : i32
      %dma_start3A_48 = tpu.memref_slice %arg13[%add3A_10, %dma_start3A_47] : memref<10240x128xf32, #tpu.memory_space<vmem_shared>> -> memref<128x128xf32, #tpu.memory_space<vmem_shared>>
      %dma_start3A_49 = arith.constant 0 : i32
      %dma_start3A_50 = tpu.memref_slice %arg13[%add3A_10, %dma_start3A_49] : memref<10240x128xf32, #tpu.memory_space<vmem_shared>> -> memref<128x128xf32, #tpu.memory_space<vmem_shared>>
      tpu.enqueue_dma source(%arg11 : memref<128x128xf32, #tpu.memory_space<vmem>>) target(%dma_start3A_50 : memref<128x128xf32, #tpu.memory_space<vmem_shared>>) target_semaphore(%run_scoped3A_46 : memref<!tpu.dma_semaphore, #tpu.memory_space<semaphore_mem>>)
      %dma_wait3A = arith.constant 0 : i32
      %dma_wait3A_51 = tpu.memref_slice %arg13[%add3A_10, %dma_wait3A] : memref<10240x128xf32, #tpu.memory_space<vmem_shared>> -> memref<128x128xf32, #tpu.memory_space<vmem_shared>>
      %dma_wait3A_52 = arith.constant 0 : i32
      %dma_wait3A_53 = tpu.memref_slice %arg13[%add3A_10, %dma_wait3A_52] : memref<10240x128xf32, #tpu.memory_space<vmem_shared>> -> memref<128x128xf32, #tpu.memory_space<vmem_shared>>
      tpu.wait_dma2 semaphore(%run_scoped3A_46 : memref<!tpu.dma_semaphore, #tpu.memory_space<semaphore_mem>>) src(%arg11 : memref<128x128xf32, #tpu.memory_space<vmem>>) dst(%dma_wait3A_53 : memref<128x128xf32, #tpu.memory_space<vmem_shared>>)
      tpu.yield
    }) : () -> ()
    %add3A_11 = arith.constant 384 : i32
    %add3A_12 = arith.addi %mul3A_2, %add3A_11 : i32
    "tpu.region"() ({
      %run_scoped3A_46 = tpu.sem_alloc : memref<!tpu.dma_semaphore, #tpu.memory_space<semaphore_mem>>
      %dma_start3A_47 = arith.constant 0 : i32
      %dma_start3A_48 = tpu.memref_slice %arg13[%add3A_12, %dma_start3A_47] : memref<10240x128xf32, #tpu.memory_space<vmem_shared>> -> memref<128x128xf32, #tpu.memory_space<vmem_shared>>
      %dma_start3A_49 = arith.constant 0 : i32
      %dma_start3A_50 = tpu.memref_slice %arg13[%add3A_12, %dma_start3A_49] : memref<10240x128xf32, #tpu.memory_space<vmem_shared>> -> memref<128x128xf32, #tpu.memory_space<vmem_shared>>
      tpu.enqueue_dma source(%arg11 : memref<128x128xf32, #tpu.memory_space<vmem>>) target(%dma_start3A_50 : memref<128x128xf32, #tpu.memory_space<vmem_shared>>) target_semaphore(%run_scoped3A_46 : memref<!tpu.dma_semaphore, #tpu.memory_space<semaphore_mem>>)
      %dma_wait3A = arith.constant 0 : i32
      %dma_wait3A_51 = tpu.memref_slice %arg13[%add3A_12, %dma_wait3A] : memref<10240x128xf32, #tpu.memory_space<vmem_shared>> -> memref<128x128xf32, #tpu.memory_space<vmem_shared>>
      %dma_wait3A_52 = arith.constant 0 : i32
      %dma_wait3A_53 = tpu.memref_slice %arg13[%add3A_12, %dma_wait3A_52] : memref<10240x128xf32, #tpu.memory_space<vmem_shared>> -> memref<128x128xf32, #tpu.memory_space<vmem_shared>>
      tpu.wait_dma2 semaphore(%run_scoped3A_46 : memref<!tpu.dma_semaphore, #tpu.memory_space<semaphore_mem>>) src(%arg11 : memref<128x128xf32, #tpu.memory_space<vmem>>) dst(%dma_wait3A_53 : memref<128x128xf32, #tpu.memory_space<vmem_shared>>)
      tpu.yield
    }) : () -> ()
    %add3A_13 = arith.constant 512 : i32
    %add3A_14 = arith.addi %mul3A_2, %add3A_13 : i32
    "tpu.region"() ({
      %run_scoped3A_46 = tpu.sem_alloc : memref<!tpu.dma_semaphore, #tpu.memory_space<semaphore_mem>>
      %dma_start3A_47 = arith.constant 0 : i32
      %dma_start3A_48 = tpu.memref_slice %arg13[%add3A_14, %dma_start3A_47] : memref<10240x128xf32, #tpu.memory_space<vmem_shared>> -> memref<128x128xf32, #tpu.memory_space<vmem_shared>>
      %dma_start3A_49 = arith.constant 0 : i32
      %dma_start3A_50 = tpu.memref_slice %arg13[%add3A_14, %dma_start3A_49] : memref<10240x128xf32, #tpu.memory_space<vmem_shared>> -> memref<128x128xf32, #tpu.memory_space<vmem_shared>>
      tpu.enqueue_dma source(%arg11 : memref<128x128xf32, #tpu.memory_space<vmem>>) target(%dma_start3A_50 : memref<128x128xf32, #tpu.memory_space<vmem_shared>>) target_semaphore(%run_scoped3A_46 : memref<!tpu.dma_semaphore, #tpu.memory_space<semaphore_mem>>)
      %dma_wait3A = arith.constant 0 : i32
      %dma_wait3A_51 = tpu.memref_slice %arg13[%add3A_14, %dma_wait3A] : memref<10240x128xf32, #tpu.memory_space<vmem_shared>> -> memref<128x128xf32, #tpu.memory_space<vmem_shared>>
      %dma_wait3A_52 = arith.constant 0 : i32
      %dma_wait3A_53 = tpu.memref_slice %arg13[%add3A_14, %dma_wait3A_52] : memref<10240x128xf32, #tpu.memory_space<vmem_shared>> -> memref<128x128xf32, #tpu.memory_space<vmem_shared>>
      tpu.wait_dma2 semaphore(%run_scoped3A_46 : memref<!tpu.dma_semaphore, #tpu.memory_space<semaphore_mem>>) src(%arg11 : memref<128x128xf32, #tpu.memory_space<vmem>>) dst(%dma_wait3A_53 : memref<128x128xf32, #tpu.memory_space<vmem_shared>>)
      tpu.yield
    }) : () -> ()
    %barrier3A = arith.constant 0 : index
    tpu.barrier barrier_id(%barrier3A)
    %run_scoped3A = arith.constant 0 : i32
    "tpu.region"() ({
      %run_scoped3A_46 = tpu.sem_alloc : memref<!tpu.dma_semaphore, #tpu.memory_space<semaphore_mem>>
      %dma_start3A_47 = arith.constant 0 : i32
      %dma_start3A_48 = tpu.memref_slice %arg7[%run_scoped3A, %dma_start3A_47] : memref<1x128xi32, #tpu.memory_space<vmem>> -> memref<1x128xi32, #tpu.memory_space<vmem>>
      %dma_start3A_49 = tpu.memref_squeeze %dma_start3A_48 : memref<1x128xi32, #tpu.memory_space<vmem>> -> memref<128xi32, #tpu.memory_space<vmem>>
      %dma_start3A_50 = tpu.memref_slice %arg3[%mul3A_4] : memref<327680xi32, #tpu.memory_space<hbm>> -> memref<128xi32, #tpu.memory_space<hbm>>
      %dma_start3A_51 = arith.constant 0 : i32
      %dma_start3A_52 = tpu.memref_slice %arg7[%run_scoped3A, %dma_start3A_51] : memref<1x128xi32, #tpu.memory_space<vmem>> -> memref<1x128xi32, #tpu.memory_space<vmem>>
      %dma_start3A_53 = tpu.memref_squeeze %dma_start3A_52 : memref<1x128xi32, #tpu.memory_space<vmem>> -> memref<128xi32, #tpu.memory_space<vmem>>
      %dma_start3A_54 = tpu.memref_slice %arg3[%mul3A_4] : memref<327680xi32, #tpu.memory_space<hbm>> -> memref<128xi32, #tpu.memory_space<hbm>>
      tpu.enqueue_dma source(%dma_start3A_54 : memref<128xi32, #tpu.memory_space<hbm>>) target(%dma_start3A_53 : memref<128xi32, #tpu.memory_space<vmem>>) target_semaphore(%run_scoped3A_46 : memref<!tpu.dma_semaphore, #tpu.memory_space<semaphore_mem>>)
      %dma_wait3A = arith.constant 0 : i32
      %dma_wait3A_55 = tpu.memref_slice %arg7[%run_scoped3A, %dma_wait3A] : memref<1x128xi32, #tpu.memory_space<vmem>> -> memref<1x128xi32, #tpu.memory_space<vmem>>
      %dma_wait3A_56 = tpu.memref_squeeze %dma_wait3A_55 : memref<1x128xi32, #tpu.memory_space<vmem>> -> memref<128xi32, #tpu.memory_space<vmem>>
      %dma_wait3A_57 = tpu.memref_slice %arg3[%mul3A_4] : memref<327680xi32, #tpu.memory_space<hbm>> -> memref<128xi32, #tpu.memory_space<hbm>>
      %dma_wait3A_58 = arith.constant 0 : i32
      %dma_wait3A_59 = tpu.memref_slice %arg7[%run_scoped3A, %dma_wait3A_58] : memref<1x128xi32, #tpu.memory_space<vmem>> -> memref<1x128xi32, #tpu.memory_space<vmem>>
      %dma_wait3A_60 = tpu.memref_squeeze %dma_wait3A_59 : memref<1x128xi32, #tpu.memory_space<vmem>> -> memref<128xi32, #tpu.memory_space<vmem>>
      %dma_wait3A_61 = tpu.memref_slice %arg3[%mul3A_4] : memref<327680xi32, #tpu.memory_space<hbm>> -> memref<128xi32, #tpu.memory_space<hbm>>
      tpu.wait_dma2 semaphore(%run_scoped3A_46 : memref<!tpu.dma_semaphore, #tpu.memory_space<semaphore_mem>>) src(%dma_wait3A_61 : memref<128xi32, #tpu.memory_space<hbm>>) dst(%dma_wait3A_60 : memref<128xi32, #tpu.memory_space<vmem>>)
      tpu.yield
    }) : () -> ()
    %dma_start3A = arith.constant 0 : i32
    %dma_start3A_15 = arith.constant 0 : i32
    %dma_start3A_16 = tpu.memref_slice %arg7[%dma_start3A, %dma_start3A_15] : memref<1x128xi32, #tpu.memory_space<vmem>> -> memref<1x128xi32, #tpu.memory_space<vmem>>
    %dma_start3A_17 = tpu.memref_squeeze %dma_start3A_16 : memref<1x128xi32, #tpu.memory_space<vmem>> -> memref<128xi32, #tpu.memory_space<vmem>>
    %dma_start3A_18 = arith.constant 0 : i32
    %dma_start3A_19 = arith.constant 0 : i32
    %dma_start3A_20 = tpu.memref_slice %arg2[%dma_start3A_18, %dma_start3A_19] : memref<10000x128xf32, #tpu.memory_space<hbm>> -> memref<10000x128xf32, #tpu.memory_space<hbm>>
    tpu.enqueue_indirect_dma source(%dma_start3A_20 : memref<10000x128xf32, #tpu.memory_space<hbm>>) target(%arg11 : memref<128x128xf32, #tpu.memory_space<vmem>>) offsets(%dma_start3A_17 : memref<128xi32, #tpu.memory_space<vmem>>) semaphore(%arg14 : memref<!tpu.dma_semaphore, #tpu.memory_space<semaphore_mem>>)
    %scan3A = arith.constant 0 : i32
    %scan3A_21 = arith.constant 40 : i32
    %scan3A_22 = arith.addi %scan3A, %scan3A_21 : i32
    %scan3A_23 = arith.constant 1 : i32
    scf.for %scan3A_46 = %scan3A to %scan3A_22 step %scan3A_23  : i32 {
      %mul3A_47 = arith.constant 1 : i32
      %mul3A_48 = arith.muli %scan3A_46, %mul3A_47 : i32
      %add3A_49 = arith.constant 0 : i32
      %add3A_50 = arith.addi %add3A_49, %mul3A_48 : i32
      %mul3A_51 = arith.constant 2 : i32
      %mul3A_52 = arith.muli %mul3A_51, %add3A_50 : i32
      %add3A_53 = arith.constant 1 : i32
      %add3A_54 = arith.addi %mul3A_52, %add3A_53 : i32
      %mul3A_55 = arith.constant 128 : i32
      %mul3A_56 = arith.muli %add3A_54, %mul3A_55 : i32
      %add3A_57 = arith.addi %mul3A_4, %mul3A_56 : i32
      %run_scoped3A_58 = arith.constant 0 : i32
      "tpu.region"() ({
        %run_scoped3A_102 = tpu.sem_alloc : memref<!tpu.dma_semaphore, #tpu.memory_space<semaphore_mem>>
        %dma_start3A_103 = arith.constant 0 : i32
        %dma_start3A_104 = tpu.memref_slice %arg8[%run_scoped3A_58, %dma_start3A_103] : memref<1x128xi32, #tpu.memory_space<vmem>> -> memref<1x128xi32, #tpu.memory_space<vmem>>
        %dma_start3A_105 = tpu.memref_squeeze %dma_start3A_104 : memref<1x128xi32, #tpu.memory_space<vmem>> -> memref<128xi32, #tpu.memory_space<vmem>>
        %dma_start3A_106 = tpu.memref_slice %arg3[%add3A_57] : memref<327680xi32, #tpu.memory_space<hbm>> -> memref<128xi32, #tpu.memory_space<hbm>>
        %dma_start3A_107 = arith.constant 0 : i32
        %dma_start3A_108 = tpu.memref_slice %arg8[%run_scoped3A_58, %dma_start3A_107] : memref<1x128xi32, #tpu.memory_space<vmem>> -> memref<1x128xi32, #tpu.memory_space<vmem>>
        %dma_start3A_109 = tpu.memref_squeeze %dma_start3A_108 : memref<1x128xi32, #tpu.memory_space<vmem>> -> memref<128xi32, #tpu.memory_space<vmem>>
        %dma_start3A_110 = tpu.memref_slice %arg3[%add3A_57] : memref<327680xi32, #tpu.memory_space<hbm>> -> memref<128xi32, #tpu.memory_space<hbm>>
        tpu.enqueue_dma source(%dma_start3A_110 : memref<128xi32, #tpu.memory_space<hbm>>) target(%dma_start3A_109 : memref<128xi32, #tpu.memory_space<vmem>>) target_semaphore(%run_scoped3A_102 : memref<!tpu.dma_semaphore, #tpu.memory_space<semaphore_mem>>)
        %dma_wait3A_111 = arith.constant 0 : i32
        %dma_wait3A_112 = tpu.memref_slice %arg8[%run_scoped3A_58, %dma_wait3A_111] : memref<1x128xi32, #tpu.memory_space<vmem>> -> memref<1x128xi32, #tpu.memory_space<vmem>>
        %dma_wait3A_113 = tpu.memref_squeeze %dma_wait3A_112 : memref<1x128xi32, #tpu.memory_space<vmem>> -> memref<128xi32, #tpu.memory_space<vmem>>
        %dma_wait3A_114 = tpu.memref_slice %arg3[%add3A_57] : memref<327680xi32, #tpu.memory_space<hbm>> -> memref<128xi32, #tpu.memory_space<hbm>>
        %dma_wait3A_115 = arith.constant 0 : i32
        %dma_wait3A_116 = tpu.memref_slice %arg8[%run_scoped3A_58, %dma_wait3A_115] : memref<1x128xi32, #tpu.memory_space<vmem>> -> memref<1x128xi32, #tpu.memory_space<vmem>>
        %dma_wait3A_117 = tpu.memref_squeeze %dma_wait3A_116 : memref<1x128xi32, #tpu.memory_space<vmem>> -> memref<128xi32, #tpu.memory_space<vmem>>
        %dma_wait3A_118 = tpu.memref_slice %arg3[%add3A_57] : memref<327680xi32, #tpu.memory_space<hbm>> -> memref<128xi32, #tpu.memory_space<hbm>>
        tpu.wait_dma2 semaphore(%run_scoped3A_102 : memref<!tpu.dma_semaphore, #tpu.memory_space<semaphore_mem>>) src(%dma_wait3A_118 : memref<128xi32, #tpu.memory_space<hbm>>) dst(%dma_wait3A_117 : memref<128xi32, #tpu.memory_space<vmem>>)
        tpu.yield
      }) : () -> ()
      %mul3A_59 = arith.constant 128 : i32
      %mul3A_60 = arith.muli %mul3A_52, %mul3A_59 : i32
      %add3A_61 = arith.addi %mul3A_4, %mul3A_60 : i32
      %run_scoped3A_62 = arith.constant 0 : i32
      "tpu.region"() ({
        %run_scoped3A_102 = tpu.sem_alloc : memref<!tpu.dma_semaphore, #tpu.memory_space<semaphore_mem>>
        %dma_start3A_103 = arith.constant 0 : i32
        %dma_start3A_104 = tpu.memref_slice %arg9[%run_scoped3A_62, %dma_start3A_103] : memref<1x128xi32, #tpu.memory_space<vmem>> -> memref<1x128xi32, #tpu.memory_space<vmem>>
        %dma_start3A_105 = tpu.memref_squeeze %dma_start3A_104 : memref<1x128xi32, #tpu.memory_space<vmem>> -> memref<128xi32, #tpu.memory_space<vmem>>
        %dma_start3A_106 = tpu.memref_slice %arg4[%add3A_61] : memref<327680xi32, #tpu.memory_space<hbm>> -> memref<128xi32, #tpu.memory_space<hbm>>
        %dma_start3A_107 = arith.constant 0 : i32
        %dma_start3A_108 = tpu.memref_slice %arg9[%run_scoped3A_62, %dma_start3A_107] : memref<1x128xi32, #tpu.memory_space<vmem>> -> memref<1x128xi32, #tpu.memory_space<vmem>>
        %dma_start3A_109 = tpu.memref_squeeze %dma_start3A_108 : memref<1x128xi32, #tpu.memory_space<vmem>> -> memref<128xi32, #tpu.memory_space<vmem>>
        %dma_start3A_110 = tpu.memref_slice %arg4[%add3A_61] : memref<327680xi32, #tpu.memory_space<hbm>> -> memref<128xi32, #tpu.memory_space<hbm>>
        tpu.enqueue_dma source(%dma_start3A_110 : memref<128xi32, #tpu.memory_space<hbm>>) target(%dma_start3A_109 : memref<128xi32, #tpu.memory_space<vmem>>) target_semaphore(%run_scoped3A_102 : memref<!tpu.dma_semaphore, #tpu.memory_space<semaphore_mem>>)
        %dma_wait3A_111 = arith.constant 0 : i32
        %dma_wait3A_112 = tpu.memref_slice %arg9[%run_scoped3A_62, %dma_wait3A_111] : memref<1x128xi32, #tpu.memory_space<vmem>> -> memref<1x128xi32, #tpu.memory_space<vmem>>
        %dma_wait3A_113 = tpu.memref_squeeze %dma_wait3A_112 : memref<1x128xi32, #tpu.memory_space<vmem>> -> memref<128xi32, #tpu.memory_space<vmem>>
        %dma_wait3A_114 = tpu.memref_slice %arg4[%add3A_61] : memref<327680xi32, #tpu.memory_space<hbm>> -> memref<128xi32, #tpu.memory_space<hbm>>
        %dma_wait3A_115 = arith.constant 0 : i32
        %dma_wait3A_116 = tpu.memref_slice %arg9[%run_scoped3A_62, %dma_wait3A_115] : memref<1x128xi32, #tpu.memory_space<vmem>> -> memref<1x128xi32, #tpu.memory_space<vmem>>
        %dma_wait3A_117 = tpu.memref_squeeze %dma_wait3A_116 : memref<1x128xi32, #tpu.memory_space<vmem>> -> memref<128xi32, #tpu.memory_space<vmem>>
        %dma_wait3A_118 = tpu.memref_slice %arg4[%add3A_61] : memref<327680xi32, #tpu.memory_space<hbm>> -> memref<128xi32, #tpu.memory_space<hbm>>
        tpu.wait_dma2 semaphore(%run_scoped3A_102 : memref<!tpu.dma_semaphore, #tpu.memory_space<semaphore_mem>>) src(%dma_wait3A_118 : memref<128xi32, #tpu.memory_space<hbm>>) dst(%dma_wait3A_117 : memref<128xi32, #tpu.memory_space<vmem>>)
        tpu.yield
      }) : () -> ()
      %dma_wait3A = arith.constant 0 : i32
      %dma_wait3A_63 = arith.constant 0 : i32
      %dma_wait3A_64 = tpu.memref_slice %arg7[%dma_wait3A, %dma_wait3A_63] : memref<1x128xi32, #tpu.memory_space<vmem>> -> memref<1x128xi32, #tpu.memory_space<vmem>>
      %dma_wait3A_65 = tpu.memref_squeeze %dma_wait3A_64 : memref<1x128xi32, #tpu.memory_space<vmem>> -> memref<128xi32, #tpu.memory_space<vmem>>
      %dma_wait3A_66 = arith.constant 0 : i32
      %dma_wait3A_67 = arith.constant 0 : i32
      %dma_wait3A_68 = tpu.memref_slice %arg2[%dma_wait3A_66, %dma_wait3A_67] : memref<10000x128xf32, #tpu.memory_space<hbm>> -> memref<10000x128xf32, #tpu.memory_space<hbm>>
      tpu.wait_indirect_dma semaphore(%arg14 : memref<!tpu.dma_semaphore, #tpu.memory_space<semaphore_mem>>) src(%dma_wait3A_68 : memref<10000x128xf32, #tpu.memory_space<hbm>>) dst(%arg11 : memref<128x128xf32, #tpu.memory_space<vmem>>)
      %dma_start3A_69 = arith.constant 0 : i32
      %dma_start3A_70 = arith.constant 0 : i32
      %dma_start3A_71 = tpu.memref_slice %arg8[%dma_start3A_69, %dma_start3A_70] : memref<1x128xi32, #tpu.memory_space<vmem>> -> memref<1x128xi32, #tpu.memory_space<vmem>>
      %dma_start3A_72 = tpu.memref_squeeze %dma_start3A_71 : memref<1x128xi32, #tpu.memory_space<vmem>> -> memref<128xi32, #tpu.memory_space<vmem>>
      %dma_start3A_73 = arith.constant 0 : i32
      %dma_start3A_74 = arith.constant 0 : i32
      %dma_start3A_75 = tpu.memref_slice %arg2[%dma_start3A_73, %dma_start3A_74] : memref<10000x128xf32, #tpu.memory_space<hbm>> -> memref<10000x128xf32, #tpu.memory_space<hbm>>
      tpu.enqueue_indirect_dma source(%dma_start3A_75 : memref<10000x128xf32, #tpu.memory_space<hbm>>) target(%arg12 : memref<128x128xf32, #tpu.memory_space<vmem>>) offsets(%dma_start3A_72 : memref<128xi32, #tpu.memory_space<vmem>>) semaphore(%arg15 : memref<!tpu.dma_semaphore, #tpu.memory_space<semaphore_mem>>)
      %run_scoped3A_76 = arith.constant 0 : i32
      "tpu.region"() ({
        %run_scoped3A_102 = tpu.sem_alloc : memref<!tpu.dma_semaphore, #tpu.memory_space<semaphore_mem>>
        %dma_start3A_103 = arith.constant 0 : i32
        %dma_start3A_104 = tpu.memref_slice %arg9[%run_scoped3A_76, %dma_start3A_103] : memref<1x128xi32, #tpu.memory_space<vmem>> -> memref<1x128xi32, #tpu.memory_space<vmem>>
        %dma_start3A_105 = tpu.memref_squeeze %dma_start3A_104 : memref<1x128xi32, #tpu.memory_space<vmem>> -> memref<128xi32, #tpu.memory_space<vmem>>
        %dma_start3A_106 = arith.constant 0 : i32
        %dma_start3A_107 = arith.constant 0 : i32
        %dma_start3A_108 = tpu.memref_slice %arg13[%dma_start3A_106, %dma_start3A_107] : memref<10240x128xf32, #tpu.memory_space<vmem_shared>> -> memref<10240x128xf32, #tpu.memory_space<vmem_shared>>
        tpu.enqueue_indirect_dma source(%arg11 : memref<128x128xf32, #tpu.memory_space<vmem>>) target(%dma_start3A_108 : memref<10240x128xf32, #tpu.memory_space<vmem_shared>>) offsets(%dma_start3A_105 : memref<128xi32, #tpu.memory_space<vmem>>) semaphore(%run_scoped3A_102 : memref<!tpu.dma_semaphore, #tpu.memory_space<semaphore_mem>>) {add = true}
        %dma_wait3A_109 = arith.constant 0 : i32
        %dma_wait3A_110 = tpu.memref_slice %arg9[%run_scoped3A_76, %dma_wait3A_109] : memref<1x128xi32, #tpu.memory_space<vmem>> -> memref<1x128xi32, #tpu.memory_space<vmem>>
        %dma_wait3A_111 = tpu.memref_squeeze %dma_wait3A_110 : memref<1x128xi32, #tpu.memory_space<vmem>> -> memref<128xi32, #tpu.memory_space<vmem>>
        %dma_wait3A_112 = arith.constant 0 : i32
        %dma_wait3A_113 = arith.constant 0 : i32
        %dma_wait3A_114 = tpu.memref_slice %arg13[%dma_wait3A_112, %dma_wait3A_113] : memref<10240x128xf32, #tpu.memory_space<vmem_shared>> -> memref<10240x128xf32, #tpu.memory_space<vmem_shared>>
        tpu.wait_indirect_dma semaphore(%run_scoped3A_102 : memref<!tpu.dma_semaphore, #tpu.memory_space<semaphore_mem>>) src(%arg11 : memref<128x128xf32, #tpu.memory_space<vmem>>) dst(%dma_wait3A_114 : memref<10240x128xf32, #tpu.memory_space<vmem_shared>>)
        tpu.yield
      }) : () -> ()
      %add3A_77 = arith.constant 1 : i32
      %add3A_78 = arith.addi %mul3A_52, %add3A_77 : i32
      %mul3A_79 = arith.constant 128 : i32
      %mul3A_80 = arith.muli %add3A_78, %mul3A_79 : i32
      %add3A_81 = arith.addi %mul3A_4, %mul3A_80 : i32
      %run_scoped3A_82 = arith.constant 0 : i32
      "tpu.region"() ({
        %run_scoped3A_102 = tpu.sem_alloc : memref<!tpu.dma_semaphore, #tpu.memory_space<semaphore_mem>>
        %dma_start3A_103 = arith.constant 0 : i32
        %dma_start3A_104 = tpu.memref_slice %arg10[%run_scoped3A_82, %dma_start3A_103] : memref<1x128xi32, #tpu.memory_space<vmem>> -> memref<1x128xi32, #tpu.memory_space<vmem>>
        %dma_start3A_105 = tpu.memref_squeeze %dma_start3A_104 : memref<1x128xi32, #tpu.memory_space<vmem>> -> memref<128xi32, #tpu.memory_space<vmem>>
        %dma_start3A_106 = tpu.memref_slice %arg4[%add3A_81] : memref<327680xi32, #tpu.memory_space<hbm>> -> memref<128xi32, #tpu.memory_space<hbm>>
        %dma_start3A_107 = arith.constant 0 : i32
        %dma_start3A_108 = tpu.memref_slice %arg10[%run_scoped3A_82, %dma_start3A_107] : memref<1x128xi32, #tpu.memory_space<vmem>> -> memref<1x128xi32, #tpu.memory_space<vmem>>
        %dma_start3A_109 = tpu.memref_squeeze %dma_start3A_108 : memref<1x128xi32, #tpu.memory_space<vmem>> -> memref<128xi32, #tpu.memory_space<vmem>>
        %dma_start3A_110 = tpu.memref_slice %arg4[%add3A_81] : memref<327680xi32, #tpu.memory_space<hbm>> -> memref<128xi32, #tpu.memory_space<hbm>>
        tpu.enqueue_dma source(%dma_start3A_110 : memref<128xi32, #tpu.memory_space<hbm>>) target(%dma_start3A_109 : memref<128xi32, #tpu.memory_space<vmem>>) target_semaphore(%run_scoped3A_102 : memref<!tpu.dma_semaphore, #tpu.memory_space<semaphore_mem>>)
        %dma_wait3A_111 = arith.constant 0 : i32
        %dma_wait3A_112 = tpu.memref_slice %arg10[%run_scoped3A_82, %dma_wait3A_111] : memref<1x128xi32, #tpu.memory_space<vmem>> -> memref<1x128xi32, #tpu.memory_space<vmem>>
        %dma_wait3A_113 = tpu.memref_squeeze %dma_wait3A_112 : memref<1x128xi32, #tpu.memory_space<vmem>> -> memref<128xi32, #tpu.memory_space<vmem>>
        %dma_wait3A_114 = tpu.memref_slice %arg4[%add3A_81] : memref<327680xi32, #tpu.memory_space<hbm>> -> memref<128xi32, #tpu.memory_space<hbm>>
        %dma_wait3A_115 = arith.constant 0 : i32
        %dma_wait3A_116 = tpu.memref_slice %arg10[%run_scoped3A_82, %dma_wait3A_115] : memref<1x128xi32, #tpu.memory_space<vmem>> -> memref<1x128xi32, #tpu.memory_space<vmem>>
        %dma_wait3A_117 = tpu.memref_squeeze %dma_wait3A_116 : memref<1x128xi32, #tpu.memory_space<vmem>> -> memref<128xi32, #tpu.memory_space<vmem>>
        %dma_wait3A_118 = tpu.memref_slice %arg4[%add3A_81] : memref<327680xi32, #tpu.memory_space<hbm>> -> memref<128xi32, #tpu.memory_space<hbm>>
        tpu.wait_dma2 semaphore(%run_scoped3A_102 : memref<!tpu.dma_semaphore, #tpu.memory_space<semaphore_mem>>) src(%dma_wait3A_118 : memref<128xi32, #tpu.memory_space<hbm>>) dst(%dma_wait3A_117 : memref<128xi32, #tpu.memory_space<vmem>>)
        tpu.yield
      }) : () -> ()
      %add3A_83 = arith.constant 2 : i32
      %add3A_84 = arith.addi %mul3A_52, %add3A_83 : i32
      %lt3A = arith.constant 80 : i32
      %lt3A_85 = arith.cmpi slt, %add3A_84, %lt3A : i32
      %convert_element_type3A = arith.extui %lt3A_85 : i1 to i32
      %cond3A = arith.constant 0 : i32
      %cond3A_86 = arith.cmpi ne, %convert_element_type3A, %cond3A : i32
      scf.if %cond3A_86 {
        %add3A_102 = arith.constant 2 : i32
        %add3A_103 = arith.addi %mul3A_52, %add3A_102 : i32
        %mul3A_104 = arith.constant 128 : i32
        %mul3A_105 = arith.muli %add3A_103, %mul3A_104 : i32
        %add3A_106 = arith.addi %mul3A_4, %mul3A_105 : i32
        %run_scoped3A_107 = arith.constant 0 : i32
        "tpu.region"() ({
          %run_scoped3A_108 = tpu.sem_alloc : memref<!tpu.dma_semaphore, #tpu.memory_space<semaphore_mem>>
          %dma_start3A_109 = arith.constant 0 : i32
          %dma_start3A_110 = tpu.memref_slice %arg7[%run_scoped3A_107, %dma_start3A_109] : memref<1x128xi32, #tpu.memory_space<vmem>> -> memref<1x128xi32, #tpu.memory_space<vmem>>
          %dma_start3A_111 = tpu.memref_squeeze %dma_start3A_110 : memref<1x128xi32, #tpu.memory_space<vmem>> -> memref<128xi32, #tpu.memory_space<vmem>>
          %dma_start3A_112 = tpu.memref_slice %arg3[%add3A_106] : memref<327680xi32, #tpu.memory_space<hbm>> -> memref<128xi32, #tpu.memory_space<hbm>>
          %dma_start3A_113 = arith.constant 0 : i32
          %dma_start3A_114 = tpu.memref_slice %arg7[%run_scoped3A_107, %dma_start3A_113] : memref<1x128xi32, #tpu.memory_space<vmem>> -> memref<1x128xi32, #tpu.memory_space<vmem>>
          %dma_start3A_115 = tpu.memref_squeeze %dma_start3A_114 : memref<1x128xi32, #tpu.memory_space<vmem>> -> memref<128xi32, #tpu.memory_space<vmem>>
          %dma_start3A_116 = tpu.memref_slice %arg3[%add3A_106] : memref<327680xi32, #tpu.memory_space<hbm>> -> memref<128xi32, #tpu.memory_space<hbm>>
          tpu.enqueue_dma source(%dma_start3A_116 : memref<128xi32, #tpu.memory_space<hbm>>) target(%dma_start3A_115 : memref<128xi32, #tpu.memory_space<vmem>>) target_semaphore(%run_scoped3A_108 : memref<!tpu.dma_semaphore, #tpu.memory_space<semaphore_mem>>)
          %dma_wait3A_117 = arith.constant 0 : i32
          %dma_wait3A_118 = tpu.memref_slice %arg7[%run_scoped3A_107, %dma_wait3A_117] : memref<1x128xi32, #tpu.memory_space<vmem>> -> memref<1x128xi32, #tpu.memory_space<vmem>>
          %dma_wait3A_119 = tpu.memref_squeeze %dma_wait3A_118 : memref<1x128xi32, #tpu.memory_space<vmem>> -> memref<128xi32, #tpu.memory_space<vmem>>
          %dma_wait3A_120 = tpu.memref_slice %arg3[%add3A_106] : memref<327680xi32, #tpu.memory_space<hbm>> -> memref<128xi32, #tpu.memory_space<hbm>>
          %dma_wait3A_121 = arith.constant 0 : i32
          %dma_wait3A_122 = tpu.memref_slice %arg7[%run_scoped3A_107, %dma_wait3A_121] : memref<1x128xi32, #tpu.memory_space<vmem>> -> memref<1x128xi32, #tpu.memory_space<vmem>>
          %dma_wait3A_123 = tpu.memref_squeeze %dma_wait3A_122 : memref<1x128xi32, #tpu.memory_space<vmem>> -> memref<128xi32, #tpu.memory_space<vmem>>
          %dma_wait3A_124 = tpu.memref_slice %arg3[%add3A_106] : memref<327680xi32, #tpu.memory_space<hbm>> -> memref<128xi32, #tpu.memory_space<hbm>>
          tpu.wait_dma2 semaphore(%run_scoped3A_108 : memref<!tpu.dma_semaphore, #tpu.memory_space<semaphore_mem>>) src(%dma_wait3A_124 : memref<128xi32, #tpu.memory_space<hbm>>) dst(%dma_wait3A_123 : memref<128xi32, #tpu.memory_space<vmem>>)
          tpu.yield
        }) : () -> ()
      } else {
      }
      %dma_wait3A_87 = arith.constant 0 : i32
      %dma_wait3A_88 = arith.constant 0 : i32
      %dma_wait3A_89 = tpu.memref_slice %arg8[%dma_wait3A_87, %dma_wait3A_88] : memref<1x128xi32, #tpu.memory_space<vmem>> -> memref<1x128xi32, #tpu.memory_space<vmem>>
      %dma_wait3A_90 = tpu.memref_squeeze %dma_wait3A_89 : memref<1x128xi32, #tpu.memory_space<vmem>> -> memref<128xi32, #tpu.memory_space<vmem>>
      %dma_wait3A_91 = arith.constant 0 : i32
      %dma_wait3A_92 = arith.constant 0 : i32
      %dma_wait3A_93 = tpu.memref_slice %arg2[%dma_wait3A_91, %dma_wait3A_92] : memref<10000x128xf32, #tpu.memory_space<hbm>> -> memref<10000x128xf32, #tpu.memory_space<hbm>>
      tpu.wait_indirect_dma semaphore(%arg15 : memref<!tpu.dma_semaphore, #tpu.memory_space<semaphore_mem>>) src(%dma_wait3A_93 : memref<10000x128xf32, #tpu.memory_space<hbm>>) dst(%arg12 : memref<128x128xf32, #tpu.memory_space<vmem>>)
      %add3A_94 = arith.constant 2 : i32
      %add3A_95 = arith.addi %mul3A_52, %add3A_94 : i32
      %lt3A_96 = arith.constant 80 : i32
      %lt3A_97 = arith.cmpi slt, %add3A_95, %lt3A_96 : i32
      %convert_element_type3A_98 = arith.extui %lt3A_97 : i1 to i32
      %cond3A_99 = arith.constant 0 : i32
      %cond3A_100 = arith.cmpi ne, %convert_element_type3A_98, %cond3A_99 : i32
      scf.if %cond3A_100 {
        %dma_start3A_102 = arith.constant 0 : i32
        %dma_start3A_103 = arith.constant 0 : i32
        %dma_start3A_104 = tpu.memref_slice %arg7[%dma_start3A_102, %dma_start3A_103] : memref<1x128xi32, #tpu.memory_space<vmem>> -> memref<1x128xi32, #tpu.memory_space<vmem>>
        %dma_start3A_105 = tpu.memref_squeeze %dma_start3A_104 : memref<1x128xi32, #tpu.memory_space<vmem>> -> memref<128xi32, #tpu.memory_space<vmem>>
        %dma_start3A_106 = arith.constant 0 : i32
        %dma_start3A_107 = arith.constant 0 : i32
        %dma_start3A_108 = tpu.memref_slice %arg2[%dma_start3A_106, %dma_start3A_107] : memref<10000x128xf32, #tpu.memory_space<hbm>> -> memref<10000x128xf32, #tpu.memory_space<hbm>>
        tpu.enqueue_indirect_dma source(%dma_start3A_108 : memref<10000x128xf32, #tpu.memory_space<hbm>>) target(%arg11 : memref<128x128xf32, #tpu.memory_space<vmem>>) offsets(%dma_start3A_105 : memref<128xi32, #tpu.memory_space<vmem>>) semaphore(%arg14 : memref<!tpu.dma_semaphore, #tpu.memory_space<semaphore_mem>>)
      } else {
      }
      %run_scoped3A_101 = arith.constant 0 : i32
      "tpu.region"() ({
        %run_scoped3A_102 = tpu.sem_alloc : memref<!tpu.dma_semaphore, #tpu.memory_space<semaphore_mem>>
        %dma_start3A_103 = arith.constant 0 : i32
        %dma_start3A_104 = tpu.memref_slice %arg10[%run_scoped3A_101, %dma_start3A_103] : memref<1x128xi32, #tpu.memory_space<vmem>> -> memref<1x128xi32, #tpu.memory_space<vmem>>
        %dma_start3A_105 = tpu.memref_squeeze %dma_start3A_104 : memref<1x128xi32, #tpu.memory_space<vmem>> -> memref<128xi32, #tpu.memory_space<vmem>>
        %dma_start3A_106 = arith.constant 0 : i32
        %dma_start3A_107 = arith.constant 0 : i32
        %dma_start3A_108 = tpu.memref_slice %arg13[%dma_start3A_106, %dma_start3A_107] : memref<10240x128xf32, #tpu.memory_space<vmem_shared>> -> memref<10240x128xf32, #tpu.memory_space<vmem_shared>>
        tpu.enqueue_indirect_dma source(%arg12 : memref<128x128xf32, #tpu.memory_space<vmem>>) target(%dma_start3A_108 : memref<10240x128xf32, #tpu.memory_space<vmem_shared>>) offsets(%dma_start3A_105 : memref<128xi32, #tpu.memory_space<vmem>>) semaphore(%run_scoped3A_102 : memref<!tpu.dma_semaphore, #tpu.memory_space<semaphore_mem>>) {add = true}
        %dma_wait3A_109 = arith.constant 0 : i32
        %dma_wait3A_110 = tpu.memref_slice %arg10[%run_scoped3A_101, %dma_wait3A_109] : memref<1x128xi32, #tpu.memory_space<vmem>> -> memref<1x128xi32, #tpu.memory_space<vmem>>
        %dma_wait3A_111 = tpu.memref_squeeze %dma_wait3A_110 : memref<1x128xi32, #tpu.memory_space<vmem>> -> memref<128xi32, #tpu.memory_space<vmem>>
        %dma_wait3A_112 = arith.constant 0 : i32
        %dma_wait3A_113 = arith.constant 0 : i32
        %dma_wait3A_114 = tpu.memref_slice %arg13[%dma_wait3A_112, %dma_wait3A_113] : memref<10240x128xf32, #tpu.memory_space<vmem_shared>> -> memref<10240x128xf32, #tpu.memory_space<vmem_shared>>
        tpu.wait_indirect_dma semaphore(%run_scoped3A_102 : memref<!tpu.dma_semaphore, #tpu.memory_space<semaphore_mem>>) src(%arg12 : memref<128x128xf32, #tpu.memory_space<vmem>>) dst(%dma_wait3A_114 : memref<10240x128xf32, #tpu.memory_space<vmem_shared>>)
        tpu.yield
      }) : () -> ()
    }
    %scan3A_24 = arith.constant 40 : i32
    %barrier3A_25 = arith.constant 0 : index
    tpu.barrier barrier_id(%barrier3A_25)
    %add3A_26 = arith.constant 0 : i32
    %add3A_27 = arith.addi %mul3A_2, %add3A_26 : i32
    "tpu.region"() ({
      %run_scoped3A_46 = tpu.sem_alloc : memref<!tpu.dma_semaphore, #tpu.memory_space<semaphore_mem>>
      %dma_start3A_47 = arith.constant 0 : i32
      %dma_start3A_48 = tpu.memref_slice %arg13[%add3A_27, %dma_start3A_47] : memref<10240x128xf32, #tpu.memory_space<vmem_shared>> -> memref<128x128xf32, #tpu.memory_space<vmem_shared>>
      %dma_start3A_49 = arith.constant 0 : i32
      %dma_start3A_50 = tpu.memref_slice %arg13[%add3A_27, %dma_start3A_49] : memref<10240x128xf32, #tpu.memory_space<vmem_shared>> -> memref<128x128xf32, #tpu.memory_space<vmem_shared>>
      tpu.enqueue_dma source(%dma_start3A_50 : memref<128x128xf32, #tpu.memory_space<vmem_shared>>) target(%arg11 : memref<128x128xf32, #tpu.memory_space<vmem>>) target_semaphore(%run_scoped3A_46 : memref<!tpu.dma_semaphore, #tpu.memory_space<semaphore_mem>>)
      %dma_wait3A = arith.constant 0 : i32
      %dma_wait3A_51 = tpu.memref_slice %arg13[%add3A_27, %dma_wait3A] : memref<10240x128xf32, #tpu.memory_space<vmem_shared>> -> memref<128x128xf32, #tpu.memory_space<vmem_shared>>
      %dma_wait3A_52 = arith.constant 0 : i32
      %dma_wait3A_53 = tpu.memref_slice %arg13[%add3A_27, %dma_wait3A_52] : memref<10240x128xf32, #tpu.memory_space<vmem_shared>> -> memref<128x128xf32, #tpu.memory_space<vmem_shared>>
      tpu.wait_dma2 semaphore(%run_scoped3A_46 : memref<!tpu.dma_semaphore, #tpu.memory_space<semaphore_mem>>) src(%dma_wait3A_53 : memref<128x128xf32, #tpu.memory_space<vmem_shared>>) dst(%arg11 : memref<128x128xf32, #tpu.memory_space<vmem>>)
      tpu.yield
    }) : () -> ()
    %add3A_28 = arith.constant 0 : i32
    %add3A_29 = arith.addi %mul3A_2, %add3A_28 : i32
    "tpu.region"() ({
      %run_scoped3A_46 = tpu.sem_alloc : memref<!tpu.dma_semaphore, #tpu.memory_space<semaphore_mem>>
      %dma_start3A_47 = arith.constant 0 : i32
      %dma_start3A_48 = arith.constant 0 : i32
      %dma_start3A_49 = tpu.memref_slice %arg6[%arg0, %dma_start3A_47, %dma_start3A_48] : memref<2x10240x128xf32, #tpu.memory_space<hbm>> -> memref<1x10240x128xf32, #tpu.memory_space<hbm>>
      %dma_start3A_50 = tpu.memref_squeeze %dma_start3A_49 : memref<1x10240x128xf32, #tpu.memory_space<hbm>> -> memref<10240x128xf32, #tpu.memory_space<hbm>>
      %dma_start3A_51 = arith.constant 0 : i32
      %dma_start3A_52 = tpu.memref_slice %dma_start3A_50[%add3A_29, %dma_start3A_51] : memref<10240x128xf32, #tpu.memory_space<hbm>> -> memref<128x128xf32, #tpu.memory_space<hbm>>
      %dma_start3A_53 = arith.constant 0 : i32
      %dma_start3A_54 = arith.constant 0 : i32
      %dma_start3A_55 = tpu.memref_slice %arg6[%arg0, %dma_start3A_53, %dma_start3A_54] : memref<2x10240x128xf32, #tpu.memory_space<hbm>> -> memref<1x10240x128xf32, #tpu.memory_space<hbm>>
      %dma_start3A_56 = tpu.memref_squeeze %dma_start3A_55 : memref<1x10240x128xf32, #tpu.memory_space<hbm>> -> memref<10240x128xf32, #tpu.memory_space<hbm>>
      %dma_start3A_57 = arith.constant 0 : i32
      %dma_start3A_58 = tpu.memref_slice %dma_start3A_56[%add3A_29, %dma_start3A_57] : memref<10240x128xf32, #tpu.memory_space<hbm>> -> memref<128x128xf32, #tpu.memory_space<hbm>>
      tpu.enqueue_dma source(%arg11 : memref<128x128xf32, #tpu.memory_space<vmem>>) target(%dma_start3A_58 : memref<128x128xf32, #tpu.memory_space<hbm>>) target_semaphore(%run_scoped3A_46 : memref<!tpu.dma_semaphore, #tpu.memory_space<semaphore_mem>>)
      %dma_wait3A = arith.constant 0 : i32
      %dma_wait3A_59 = arith.constant 0 : i32
      %dma_wait3A_60 = tpu.memref_slice %arg6[%arg0, %dma_wait3A, %dma_wait3A_59] : memref<2x10240x128xf32, #tpu.memory_space<hbm>> -> memref<1x10240x128xf32, #tpu.memory_space<hbm>>
      %dma_wait3A_61 = tpu.memref_squeeze %dma_wait3A_60 : memref<1x10240x128xf32, #tpu.memory_space<hbm>> -> memref<10240x128xf32, #tpu.memory_space<hbm>>
      %dma_wait3A_62 = arith.constant 0 : i32
      %dma_wait3A_63 = tpu.memref_slice %dma_wait3A_61[%add3A_29, %dma_wait3A_62] : memref<10240x128xf32, #tpu.memory_space<hbm>> -> memref<128x128xf32, #tpu.memory_space<hbm>>
      %dma_wait3A_64 = arith.constant 0 : i32
      %dma_wait3A_65 = arith.constant 0 : i32
      %dma_wait3A_66 = tpu.memref_slice %arg6[%arg0, %dma_wait3A_64, %dma_wait3A_65] : memref<2x10240x128xf32, #tpu.memory_space<hbm>> -> memref<1x10240x128xf32, #tpu.memory_space<hbm>>
      %dma_wait3A_67 = tpu.memref_squeeze %dma_wait3A_66 : memref<1x10240x128xf32, #tpu.memory_space<hbm>> -> memref<10240x128xf32, #tpu.memory_space<hbm>>
      %dma_wait3A_68 = arith.constant 0 : i32
      %dma_wait3A_69 = tpu.memref_slice %dma_wait3A_67[%add3A_29, %dma_wait3A_68] : memref<10240x128xf32, #tpu.memory_space<hbm>> -> memref<128x128xf32, #tpu.memory_space<hbm>>
      tpu.wait_dma2 semaphore(%run_scoped3A_46 : memref<!tpu.dma_semaphore, #tpu.memory_space<semaphore_mem>>) src(%arg11 : memref<128x128xf32, #tpu.memory_space<vmem>>) dst(%dma_wait3A_69 : memref<128x128xf32, #tpu.memory_space<hbm>>)
      tpu.yield
    }) : () -> ()
    %add3A_30 = arith.constant 128 : i32
    %add3A_31 = arith.addi %mul3A_2, %add3A_30 : i32
    "tpu.region"() ({
      %run_scoped3A_46 = tpu.sem_alloc : memref<!tpu.dma_semaphore, #tpu.memory_space<semaphore_mem>>
      %dma_start3A_47 = arith.constant 0 : i32
      %dma_start3A_48 = tpu.memref_slice %arg13[%add3A_31, %dma_start3A_47] : memref<10240x128xf32, #tpu.memory_space<vmem_shared>> -> memref<128x128xf32, #tpu.memory_space<vmem_shared>>
      %dma_start3A_49 = arith.constant 0 : i32
      %dma_start3A_50 = tpu.memref_slice %arg13[%add3A_31, %dma_start3A_49] : memref<10240x128xf32, #tpu.memory_space<vmem_shared>> -> memref<128x128xf32, #tpu.memory_space<vmem_shared>>
      tpu.enqueue_dma source(%dma_start3A_50 : memref<128x128xf32, #tpu.memory_space<vmem_shared>>) target(%arg12 : memref<128x128xf32, #tpu.memory_space<vmem>>) target_semaphore(%run_scoped3A_46 : memref<!tpu.dma_semaphore, #tpu.memory_space<semaphore_mem>>)
      %dma_wait3A = arith.constant 0 : i32
      %dma_wait3A_51 = tpu.memref_slice %arg13[%add3A_31, %dma_wait3A] : memref<10240x128xf32, #tpu.memory_space<vmem_shared>> -> memref<128x128xf32, #tpu.memory_space<vmem_shared>>
      %dma_wait3A_52 = arith.constant 0 : i32
      %dma_wait3A_53 = tpu.memref_slice %arg13[%add3A_31, %dma_wait3A_52] : memref<10240x128xf32, #tpu.memory_space<vmem_shared>> -> memref<128x128xf32, #tpu.memory_space<vmem_shared>>
      tpu.wait_dma2 semaphore(%run_scoped3A_46 : memref<!tpu.dma_semaphore, #tpu.memory_space<semaphore_mem>>) src(%dma_wait3A_53 : memref<128x128xf32, #tpu.memory_space<vmem_shared>>) dst(%arg12 : memref<128x128xf32, #tpu.memory_space<vmem>>)
      tpu.yield
    }) : () -> ()
    %add3A_32 = arith.constant 128 : i32
    %add3A_33 = arith.addi %mul3A_2, %add3A_32 : i32
    "tpu.region"() ({
      %run_scoped3A_46 = tpu.sem_alloc : memref<!tpu.dma_semaphore, #tpu.memory_space<semaphore_mem>>
      %dma_start3A_47 = arith.constant 0 : i32
      %dma_start3A_48 = arith.constant 0 : i32
      %dma_start3A_49 = tpu.memref_slice %arg6[%arg0, %dma_start3A_47, %dma_start3A_48] : memref<2x10240x128xf32, #tpu.memory_space<hbm>> -> memref<1x10240x128xf32, #tpu.memory_space<hbm>>
      %dma_start3A_50 = tpu.memref_squeeze %dma_start3A_49 : memref<1x10240x128xf32, #tpu.memory_space<hbm>> -> memref<10240x128xf32, #tpu.memory_space<hbm>>
      %dma_start3A_51 = arith.constant 0 : i32
      %dma_start3A_52 = tpu.memref_slice %dma_start3A_50[%add3A_33, %dma_start3A_51] : memref<10240x128xf32, #tpu.memory_space<hbm>> -> memref<128x128xf32, #tpu.memory_space<hbm>>
      %dma_start3A_53 = arith.constant 0 : i32
      %dma_start3A_54 = arith.constant 0 : i32
      %dma_start3A_55 = tpu.memref_slice %arg6[%arg0, %dma_start3A_53, %dma_start3A_54] : memref<2x10240x128xf32, #tpu.memory_space<hbm>> -> memref<1x10240x128xf32, #tpu.memory_space<hbm>>
      %dma_start3A_56 = tpu.memref_squeeze %dma_start3A_55 : memref<1x10240x128xf32, #tpu.memory_space<hbm>> -> memref<10240x128xf32, #tpu.memory_space<hbm>>
      %dma_start3A_57 = arith.constant 0 : i32
      %dma_start3A_58 = tpu.memref_slice %dma_start3A_56[%add3A_33, %dma_start3A_57] : memref<10240x128xf32, #tpu.memory_space<hbm>> -> memref<128x128xf32, #tpu.memory_space<hbm>>
      tpu.enqueue_dma source(%arg12 : memref<128x128xf32, #tpu.memory_space<vmem>>) target(%dma_start3A_58 : memref<128x128xf32, #tpu.memory_space<hbm>>) target_semaphore(%run_scoped3A_46 : memref<!tpu.dma_semaphore, #tpu.memory_space<semaphore_mem>>)
      %dma_wait3A = arith.constant 0 : i32
      %dma_wait3A_59 = arith.constant 0 : i32
      %dma_wait3A_60 = tpu.memref_slice %arg6[%arg0, %dma_wait3A, %dma_wait3A_59] : memref<2x10240x128xf32, #tpu.memory_space<hbm>> -> memref<1x10240x128xf32, #tpu.memory_space<hbm>>
      %dma_wait3A_61 = tpu.memref_squeeze %dma_wait3A_60 : memref<1x10240x128xf32, #tpu.memory_space<hbm>> -> memref<10240x128xf32, #tpu.memory_space<hbm>>
      %dma_wait3A_62 = arith.constant 0 : i32
      %dma_wait3A_63 = tpu.memref_slice %dma_wait3A_61[%add3A_33, %dma_wait3A_62] : memref<10240x128xf32, #tpu.memory_space<hbm>> -> memref<128x128xf32, #tpu.memory_space<hbm>>
      %dma_wait3A_64 = arith.constant 0 : i32
      %dma_wait3A_65 = arith.constant 0 : i32
      %dma_wait3A_66 = tpu.memref_slice %arg6[%arg0, %dma_wait3A_64, %dma_wait3A_65] : memref<2x10240x128xf32, #tpu.memory_space<hbm>> -> memref<1x10240x128xf32, #tpu.memory_space<hbm>>
      %dma_wait3A_67 = tpu.memref_squeeze %dma_wait3A_66 : memref<1x10240x128xf32, #tpu.memory_space<hbm>> -> memref<10240x128xf32, #tpu.memory_space<hbm>>
      %dma_wait3A_68 = arith.constant 0 : i32
      %dma_wait3A_69 = tpu.memref_slice %dma_wait3A_67[%add3A_33, %dma_wait3A_68] : memref<10240x128xf32, #tpu.memory_space<hbm>> -> memref<128x128xf32, #tpu.memory_space<hbm>>
      tpu.wait_dma2 semaphore(%run_scoped3A_46 : memref<!tpu.dma_semaphore, #tpu.memory_space<semaphore_mem>>) src(%arg12 : memref<128x128xf32, #tpu.memory_space<vmem>>) dst(%dma_wait3A_69 : memref<128x128xf32, #tpu.memory_space<hbm>>)
      tpu.yield
    }) : () -> ()
    %add3A_34 = arith.constant 256 : i32
    %add3A_35 = arith.addi %mul3A_2, %add3A_34 : i32
    "tpu.region"() ({
      %run_scoped3A_46 = tpu.sem_alloc : memref<!tpu.dma_semaphore, #tpu.memory_space<semaphore_mem>>
      %dma_start3A_47 = arith.constant 0 : i32
      %dma_start3A_48 = tpu.memref_slice %arg13[%add3A_35, %dma_start3A_47] : memref<10240x128xf32, #tpu.memory_space<vmem_shared>> -> memref<128x128xf32, #tpu.memory_space<vmem_shared>>
      %dma_start3A_49 = arith.constant 0 : i32
      %dma_start3A_50 = tpu.memref_slice %arg13[%add3A_35, %dma_start3A_49] : memref<10240x128xf32, #tpu.memory_space<vmem_shared>> -> memref<128x128xf32, #tpu.memory_space<vmem_shared>>
      tpu.enqueue_dma source(%dma_start3A_50 : memref<128x128xf32, #tpu.memory_space<vmem_shared>>) target(%arg11 : memref<128x128xf32, #tpu.memory_space<vmem>>) target_semaphore(%run_scoped3A_46 : memref<!tpu.dma_semaphore, #tpu.memory_space<semaphore_mem>>)
      %dma_wait3A = arith.constant 0 : i32
      %dma_wait3A_51 = tpu.memref_slice %arg13[%add3A_35, %dma_wait3A] : memref<10240x128xf32, #tpu.memory_space<vmem_shared>> -> memref<128x128xf32, #tpu.memory_space<vmem_shared>>
      %dma_wait3A_52 = arith.constant 0 : i32
      %dma_wait3A_53 = tpu.memref_slice %arg13[%add3A_35, %dma_wait3A_52] : memref<10240x128xf32, #tpu.memory_space<vmem_shared>> -> memref<128x128xf32, #tpu.memory_space<vmem_shared>>
      tpu.wait_dma2 semaphore(%run_scoped3A_46 : memref<!tpu.dma_semaphore, #tpu.memory_space<semaphore_mem>>) src(%dma_wait3A_53 : memref<128x128xf32, #tpu.memory_space<vmem_shared>>) dst(%arg11 : memref<128x128xf32, #tpu.memory_space<vmem>>)
      tpu.yield
    }) : () -> ()
    %add3A_36 = arith.constant 256 : i32
    %add3A_37 = arith.addi %mul3A_2, %add3A_36 : i32
    "tpu.region"() ({
      %run_scoped3A_46 = tpu.sem_alloc : memref<!tpu.dma_semaphore, #tpu.memory_space<semaphore_mem>>
      %dma_start3A_47 = arith.constant 0 : i32
      %dma_start3A_48 = arith.constant 0 : i32
      %dma_start3A_49 = tpu.memref_slice %arg6[%arg0, %dma_start3A_47, %dma_start3A_48] : memref<2x10240x128xf32, #tpu.memory_space<hbm>> -> memref<1x10240x128xf32, #tpu.memory_space<hbm>>
      %dma_start3A_50 = tpu.memref_squeeze %dma_start3A_49 : memref<1x10240x128xf32, #tpu.memory_space<hbm>> -> memref<10240x128xf32, #tpu.memory_space<hbm>>
      %dma_start3A_51 = arith.constant 0 : i32
      %dma_start3A_52 = tpu.memref_slice %dma_start3A_50[%add3A_37, %dma_start3A_51] : memref<10240x128xf32, #tpu.memory_space<hbm>> -> memref<128x128xf32, #tpu.memory_space<hbm>>
      %dma_start3A_53 = arith.constant 0 : i32
      %dma_start3A_54 = arith.constant 0 : i32
      %dma_start3A_55 = tpu.memref_slice %arg6[%arg0, %dma_start3A_53, %dma_start3A_54] : memref<2x10240x128xf32, #tpu.memory_space<hbm>> -> memref<1x10240x128xf32, #tpu.memory_space<hbm>>
      %dma_start3A_56 = tpu.memref_squeeze %dma_start3A_55 : memref<1x10240x128xf32, #tpu.memory_space<hbm>> -> memref<10240x128xf32, #tpu.memory_space<hbm>>
      %dma_start3A_57 = arith.constant 0 : i32
      %dma_start3A_58 = tpu.memref_slice %dma_start3A_56[%add3A_37, %dma_start3A_57] : memref<10240x128xf32, #tpu.memory_space<hbm>> -> memref<128x128xf32, #tpu.memory_space<hbm>>
      tpu.enqueue_dma source(%arg11 : memref<128x128xf32, #tpu.memory_space<vmem>>) target(%dma_start3A_58 : memref<128x128xf32, #tpu.memory_space<hbm>>) target_semaphore(%run_scoped3A_46 : memref<!tpu.dma_semaphore, #tpu.memory_space<semaphore_mem>>)
      %dma_wait3A = arith.constant 0 : i32
      %dma_wait3A_59 = arith.constant 0 : i32
      %dma_wait3A_60 = tpu.memref_slice %arg6[%arg0, %dma_wait3A, %dma_wait3A_59] : memref<2x10240x128xf32, #tpu.memory_space<hbm>> -> memref<1x10240x128xf32, #tpu.memory_space<hbm>>
      %dma_wait3A_61 = tpu.memref_squeeze %dma_wait3A_60 : memref<1x10240x128xf32, #tpu.memory_space<hbm>> -> memref<10240x128xf32, #tpu.memory_space<hbm>>
      %dma_wait3A_62 = arith.constant 0 : i32
      %dma_wait3A_63 = tpu.memref_slice %dma_wait3A_61[%add3A_37, %dma_wait3A_62] : memref<10240x128xf32, #tpu.memory_space<hbm>> -> memref<128x128xf32, #tpu.memory_space<hbm>>
      %dma_wait3A_64 = arith.constant 0 : i32
      %dma_wait3A_65 = arith.constant 0 : i32
      %dma_wait3A_66 = tpu.memref_slice %arg6[%arg0, %dma_wait3A_64, %dma_wait3A_65] : memref<2x10240x128xf32, #tpu.memory_space<hbm>> -> memref<1x10240x128xf32, #tpu.memory_space<hbm>>
      %dma_wait3A_67 = tpu.memref_squeeze %dma_wait3A_66 : memref<1x10240x128xf32, #tpu.memory_space<hbm>> -> memref<10240x128xf32, #tpu.memory_space<hbm>>
      %dma_wait3A_68 = arith.constant 0 : i32
      %dma_wait3A_69 = tpu.memref_slice %dma_wait3A_67[%add3A_37, %dma_wait3A_68] : memref<10240x128xf32, #tpu.memory_space<hbm>> -> memref<128x128xf32, #tpu.memory_space<hbm>>
      tpu.wait_dma2 semaphore(%run_scoped3A_46 : memref<!tpu.dma_semaphore, #tpu.memory_space<semaphore_mem>>) src(%arg11 : memref<128x128xf32, #tpu.memory_space<vmem>>) dst(%dma_wait3A_69 : memref<128x128xf32, #tpu.memory_space<hbm>>)
      tpu.yield
    }) : () -> ()
    %add3A_38 = arith.constant 384 : i32
    %add3A_39 = arith.addi %mul3A_2, %add3A_38 : i32
    "tpu.region"() ({
      %run_scoped3A_46 = tpu.sem_alloc : memref<!tpu.dma_semaphore, #tpu.memory_space<semaphore_mem>>
      %dma_start3A_47 = arith.constant 0 : i32
      %dma_start3A_48 = tpu.memref_slice %arg13[%add3A_39, %dma_start3A_47] : memref<10240x128xf32, #tpu.memory_space<vmem_shared>> -> memref<128x128xf32, #tpu.memory_space<vmem_shared>>
      %dma_start3A_49 = arith.constant 0 : i32
      %dma_start3A_50 = tpu.memref_slice %arg13[%add3A_39, %dma_start3A_49] : memref<10240x128xf32, #tpu.memory_space<vmem_shared>> -> memref<128x128xf32, #tpu.memory_space<vmem_shared>>
      tpu.enqueue_dma source(%dma_start3A_50 : memref<128x128xf32, #tpu.memory_space<vmem_shared>>) target(%arg12 : memref<128x128xf32, #tpu.memory_space<vmem>>) target_semaphore(%run_scoped3A_46 : memref<!tpu.dma_semaphore, #tpu.memory_space<semaphore_mem>>)
      %dma_wait3A = arith.constant 0 : i32
      %dma_wait3A_51 = tpu.memref_slice %arg13[%add3A_39, %dma_wait3A] : memref<10240x128xf32, #tpu.memory_space<vmem_shared>> -> memref<128x128xf32, #tpu.memory_space<vmem_shared>>
      %dma_wait3A_52 = arith.constant 0 : i32
      %dma_wait3A_53 = tpu.memref_slice %arg13[%add3A_39, %dma_wait3A_52] : memref<10240x128xf32, #tpu.memory_space<vmem_shared>> -> memref<128x128xf32, #tpu.memory_space<vmem_shared>>
      tpu.wait_dma2 semaphore(%run_scoped3A_46 : memref<!tpu.dma_semaphore, #tpu.memory_space<semaphore_mem>>) src(%dma_wait3A_53 : memref<128x128xf32, #tpu.memory_space<vmem_shared>>) dst(%arg12 : memref<128x128xf32, #tpu.memory_space<vmem>>)
      tpu.yield
    }) : () -> ()
    %add3A_40 = arith.constant 384 : i32
    %add3A_41 = arith.addi %mul3A_2, %add3A_40 : i32
    "tpu.region"() ({
      %run_scoped3A_46 = tpu.sem_alloc : memref<!tpu.dma_semaphore, #tpu.memory_space<semaphore_mem>>
      %dma_start3A_47 = arith.constant 0 : i32
      %dma_start3A_48 = arith.constant 0 : i32
      %dma_start3A_49 = tpu.memref_slice %arg6[%arg0, %dma_start3A_47, %dma_start3A_48] : memref<2x10240x128xf32, #tpu.memory_space<hbm>> -> memref<1x10240x128xf32, #tpu.memory_space<hbm>>
      %dma_start3A_50 = tpu.memref_squeeze %dma_start3A_49 : memref<1x10240x128xf32, #tpu.memory_space<hbm>> -> memref<10240x128xf32, #tpu.memory_space<hbm>>
      %dma_start3A_51 = arith.constant 0 : i32
      %dma_start3A_52 = tpu.memref_slice %dma_start3A_50[%add3A_41, %dma_start3A_51] : memref<10240x128xf32, #tpu.memory_space<hbm>> -> memref<128x128xf32, #tpu.memory_space<hbm>>
      %dma_start3A_53 = arith.constant 0 : i32
      %dma_start3A_54 = arith.constant 0 : i32
      %dma_start3A_55 = tpu.memref_slice %arg6[%arg0, %dma_start3A_53, %dma_start3A_54] : memref<2x10240x128xf32, #tpu.memory_space<hbm>> -> memref<1x10240x128xf32, #tpu.memory_space<hbm>>
      %dma_start3A_56 = tpu.memref_squeeze %dma_start3A_55 : memref<1x10240x128xf32, #tpu.memory_space<hbm>> -> memref<10240x128xf32, #tpu.memory_space<hbm>>
      %dma_start3A_57 = arith.constant 0 : i32
      %dma_start3A_58 = tpu.memref_slice %dma_start3A_56[%add3A_41, %dma_start3A_57] : memref<10240x128xf32, #tpu.memory_space<hbm>> -> memref<128x128xf32, #tpu.memory_space<hbm>>
      tpu.enqueue_dma source(%arg12 : memref<128x128xf32, #tpu.memory_space<vmem>>) target(%dma_start3A_58 : memref<128x128xf32, #tpu.memory_space<hbm>>) target_semaphore(%run_scoped3A_46 : memref<!tpu.dma_semaphore, #tpu.memory_space<semaphore_mem>>)
      %dma_wait3A = arith.constant 0 : i32
      %dma_wait3A_59 = arith.constant 0 : i32
      %dma_wait3A_60 = tpu.memref_slice %arg6[%arg0, %dma_wait3A, %dma_wait3A_59] : memref<2x10240x128xf32, #tpu.memory_space<hbm>> -> memref<1x10240x128xf32, #tpu.memory_space<hbm>>
      %dma_wait3A_61 = tpu.memref_squeeze %dma_wait3A_60 : memref<1x10240x128xf32, #tpu.memory_space<hbm>> -> memref<10240x128xf32, #tpu.memory_space<hbm>>
      %dma_wait3A_62 = arith.constant 0 : i32
      %dma_wait3A_63 = tpu.memref_slice %dma_wait3A_61[%add3A_41, %dma_wait3A_62] : memref<10240x128xf32, #tpu.memory_space<hbm>> -> memref<128x128xf32, #tpu.memory_space<hbm>>
      %dma_wait3A_64 = arith.constant 0 : i32
      %dma_wait3A_65 = arith.constant 0 : i32
      %dma_wait3A_66 = tpu.memref_slice %arg6[%arg0, %dma_wait3A_64, %dma_wait3A_65] : memref<2x10240x128xf32, #tpu.memory_space<hbm>> -> memref<1x10240x128xf32, #tpu.memory_space<hbm>>
      %dma_wait3A_67 = tpu.memref_squeeze %dma_wait3A_66 : memref<1x10240x128xf32, #tpu.memory_space<hbm>> -> memref<10240x128xf32, #tpu.memory_space<hbm>>
      %dma_wait3A_68 = arith.constant 0 : i32
      %dma_wait3A_69 = tpu.memref_slice %dma_wait3A_67[%add3A_41, %dma_wait3A_68] : memref<10240x128xf32, #tpu.memory_space<hbm>> -> memref<128x128xf32, #tpu.memory_space<hbm>>
      tpu.wait_dma2 semaphore(%run_scoped3A_46 : memref<!tpu.dma_semaphore, #tpu.memory_space<semaphore_mem>>) src(%arg12 : memref<128x128xf32, #tpu.memory_space<vmem>>) dst(%dma_wait3A_69 : memref<128x128xf32, #tpu.memory_space<hbm>>)
      tpu.yield
    }) : () -> ()
    %add3A_42 = arith.constant 512 : i32
    %add3A_43 = arith.addi %mul3A_2, %add3A_42 : i32
    "tpu.region"() ({
      %run_scoped3A_46 = tpu.sem_alloc : memref<!tpu.dma_semaphore, #tpu.memory_space<semaphore_mem>>
      %dma_start3A_47 = arith.constant 0 : i32
      %dma_start3A_48 = tpu.memref_slice %arg13[%add3A_43, %dma_start3A_47] : memref<10240x128xf32, #tpu.memory_space<vmem_shared>> -> memref<128x128xf32, #tpu.memory_space<vmem_shared>>
      %dma_start3A_49 = arith.constant 0 : i32
      %dma_start3A_50 = tpu.memref_slice %arg13[%add3A_43, %dma_start3A_49] : memref<10240x128xf32, #tpu.memory_space<vmem_shared>> -> memref<128x128xf32, #tpu.memory_space<vmem_shared>>
      tpu.enqueue_dma source(%dma_start3A_50 : memref<128x128xf32, #tpu.memory_space<vmem_shared>>) target(%arg11 : memref<128x128xf32, #tpu.memory_space<vmem>>) target_semaphore(%run_scoped3A_46 : memref<!tpu.dma_semaphore, #tpu.memory_space<semaphore_mem>>)
      %dma_wait3A = arith.constant 0 : i32
      %dma_wait3A_51 = tpu.memref_slice %arg13[%add3A_43, %dma_wait3A] : memref<10240x128xf32, #tpu.memory_space<vmem_shared>> -> memref<128x128xf32, #tpu.memory_space<vmem_shared>>
      %dma_wait3A_52 = arith.constant 0 : i32
      %dma_wait3A_53 = tpu.memref_slice %arg13[%add3A_43, %dma_wait3A_52] : memref<10240x128xf32, #tpu.memory_space<vmem_shared>> -> memref<128x128xf32, #tpu.memory_space<vmem_shared>>
      tpu.wait_dma2 semaphore(%run_scoped3A_46 : memref<!tpu.dma_semaphore, #tpu.memory_space<semaphore_mem>>) src(%dma_wait3A_53 : memref<128x128xf32, #tpu.memory_space<vmem_shared>>) dst(%arg11 : memref<128x128xf32, #tpu.memory_space<vmem>>)
      tpu.yield
    }) : () -> ()
    %add3A_44 = arith.constant 512 : i32
    %add3A_45 = arith.addi %mul3A_2, %add3A_44 : i32
    "tpu.region"() ({
      %run_scoped3A_46 = tpu.sem_alloc : memref<!tpu.dma_semaphore, #tpu.memory_space<semaphore_mem>>
      %dma_start3A_47 = arith.constant 0 : i32
      %dma_start3A_48 = arith.constant 0 : i32
      %dma_start3A_49 = tpu.memref_slice %arg6[%arg0, %dma_start3A_47, %dma_start3A_48] : memref<2x10240x128xf32, #tpu.memory_space<hbm>> -> memref<1x10240x128xf32, #tpu.memory_space<hbm>>
      %dma_start3A_50 = tpu.memref_squeeze %dma_start3A_49 : memref<1x10240x128xf32, #tpu.memory_space<hbm>> -> memref<10240x128xf32, #tpu.memory_space<hbm>>
      %dma_start3A_51 = arith.constant 0 : i32
      %dma_start3A_52 = tpu.memref_slice %dma_start3A_50[%add3A_45, %dma_start3A_51] : memref<10240x128xf32, #tpu.memory_space<hbm>> -> memref<128x128xf32, #tpu.memory_space<hbm>>
      %dma_start3A_53 = arith.constant 0 : i32
      %dma_start3A_54 = arith.constant 0 : i32
      %dma_start3A_55 = tpu.memref_slice %arg6[%arg0, %dma_start3A_53, %dma_start3A_54] : memref<2x10240x128xf32, #tpu.memory_space<hbm>> -> memref<1x10240x128xf32, #tpu.memory_space<hbm>>
      %dma_start3A_56 = tpu.memref_squeeze %dma_start3A_55 : memref<1x10240x128xf32, #tpu.memory_space<hbm>> -> memref<10240x128xf32, #tpu.memory_space<hbm>>
      %dma_start3A_57 = arith.constant 0 : i32
      %dma_start3A_58 = tpu.memref_slice %dma_start3A_56[%add3A_45, %dma_start3A_57] : memref<10240x128xf32, #tpu.memory_space<hbm>> -> memref<128x128xf32, #tpu.memory_space<hbm>>
      tpu.enqueue_dma source(%arg11 : memref<128x128xf32, #tpu.memory_space<vmem>>) target(%dma_start3A_58 : memref<128x128xf32, #tpu.memory_space<hbm>>) target_semaphore(%run_scoped3A_46 : memref<!tpu.dma_semaphore, #tpu.memory_space<semaphore_mem>>)
      %dma_wait3A = arith.constant 0 : i32
      %dma_wait3A_59 = arith.constant 0 : i32
      %dma_wait3A_60 = tpu.memref_slice %arg6[%arg0, %dma_wait3A, %dma_wait3A_59] : memref<2x10240x128xf32, #tpu.memory_space<hbm>> -> memref<1x10240x128xf32, #tpu.memory_space<hbm>>
      %dma_wait3A_61 = tpu.memref_squeeze %dma_wait3A_60 : memref<1x10240x128xf32, #tpu.memory_space<hbm>> -> memref<10240x128xf32, #tpu.memory_space<hbm>>
      %dma_wait3A_62 = arith.constant 0 : i32
      %dma_wait3A_63 = tpu.memref_slice %dma_wait3A_61[%add3A_45, %dma_wait3A_62] : memref<10240x128xf32, #tpu.memory_space<hbm>> -> memref<128x128xf32, #tpu.memory_space<hbm>>
      %dma_wait3A_64 = arith.constant 0 : i32
      %dma_wait3A_65 = arith.constant 0 : i32
      %dma_wait3A_66 = tpu.memref_slice %arg6[%arg0, %dma_wait3A_64, %dma_wait3A_65] : memref<2x10240x128xf32, #tpu.memory_space<hbm>> -> memref<1x10240x128xf32, #tpu.memory_space<hbm>>
      %dma_wait3A_67 = tpu.memref_squeeze %dma_wait3A_66 : memref<1x10240x128xf32, #tpu.memory_space<hbm>> -> memref<10240x128xf32, #tpu.memory_space<hbm>>
      %dma_wait3A_68 = arith.constant 0 : i32
      %dma_wait3A_69 = tpu.memref_slice %dma_wait3A_67[%add3A_45, %dma_wait3A_68] : memref<10240x128xf32, #tpu.memory_space<hbm>> -> memref<128x128xf32, #tpu.memory_space<hbm>>
      tpu.wait_dma2 semaphore(%run_scoped3A_46 : memref<!tpu.dma_semaphore, #tpu.memory_space<semaphore_mem>>) src(%arg11 : memref<128x128xf32, #tpu.memory_space<vmem>>) dst(%dma_wait3A_69 : memref<128x128xf32, #tpu.memory_space<hbm>>)
      tpu.yield
    }) : () -> ()
    return
  }
}

#map = affine_map<(d0, d1) -> (0, 0)>
#map1 = affine_map<(d0, d1) -> (0)>
#map2 = affine_map<(d0, d1) -> (0, 0, 0)>
module attributes {stable_mosaic.version = 14 : i64} {
  func.func @body(%arg0: i32, %arg1: i32, %arg2: memref<10000x128xf32, #tpu.memory_space<hbm>>, %arg3: memref<327680xi32, #tpu.memory_space<hbm>>, %arg4: memref<327680xi32, #tpu.memory_space<hbm>>, %arg5: memref<128x128xf32, #tpu.memory_space<hbm>>, %arg6: memref<2x10240x128xf32, #tpu.memory_space<hbm>>, %arg7: memref<1x128xi32, #tpu.memory_space<vmem>>, %arg8: memref<1x128xi32, #tpu.memory_space<vmem>>, %arg9: memref<1x128xi32, #tpu.memory_space<vmem>>, %arg10: memref<1x128xi32, #tpu.memory_space<vmem>>, %arg11: memref<128x128xf32, #tpu.memory_space<vmem>>, %arg12: memref<128x128xf32, #tpu.memory_space<vmem>>, %arg13: memref<10240x128xf32, #tpu.memory_space<vmem_shared>>, %arg14: memref<!tpu.dma_semaphore, #tpu.memory_space<semaphore_mem>>, %arg15: memref<!tpu.dma_semaphore, #tpu.memory_space<semaphore_mem>>) attributes {dimension_semantics = [#tpu.dimension_semantics<core_parallel>, #tpu.dimension_semantics<subcore_parallel>], iteration_bounds = array<i64: 2, 16>, scalar_prefetch = 0 : i64, scratch_operands = 9 : i64, tpu.core_type = #tpu.core_type<sc_vector_subcore>, window_params = [{transform_indices = #map}, {transform_indices = #map1}, {transform_indices = #map1}, {transform_indices = #map}, {transform_indices = #map2}]} {
    %mul3A = arith.constant 16 : i32
    %mul3A_0 = arith.muli %arg0, %mul3A : i32
    %add3A = arith.addi %mul3A_0, %arg1 : i32
    %mul3A_1 = arith.constant 640 : i32
    %mul3A_2 = arith.muli %arg1, %mul3A_1 : i32
    %mul3A_3 = arith.constant 10240 : i32
    %mul3A_4 = arith.muli %add3A, %mul3A_3 : i32
    "tpu.region"() ({
      %run_scoped3A_46 = tpu.sem_alloc : memref<!tpu.dma_semaphore, #tpu.memory_space<semaphore_mem>>
      tpu.enqueue_dma source(%arg5 : memref<128x128xf32, #tpu.memory_space<hbm>>) target(%arg11 : memref<128x128xf32, #tpu.memory_space<vmem>>) target_semaphore(%run_scoped3A_46 : memref<!tpu.dma_semaphore, #tpu.memory_space<semaphore_mem>>)
      tpu.wait_dma2 semaphore(%run_scoped3A_46 : memref<!tpu.dma_semaphore, #tpu.memory_space<semaphore_mem>>) src(%arg5 : memref<128x128xf32, #tpu.memory_space<hbm>>) dst(%arg11 : memref<128x128xf32, #tpu.memory_space<vmem>>)
      tpu.yield
    }) : () -> ()
    %add3A_5 = arith.constant 0 : i32
    %add3A_6 = arith.addi %mul3A_2, %add3A_5 : i32
    "tpu.region"() ({
      %run_scoped3A_46 = tpu.sem_alloc : memref<!tpu.dma_semaphore, #tpu.memory_space<semaphore_mem>>
      %dma_start3A_47 = arith.constant 0 : i32
      %dma_start3A_48 = tpu.memref_slice %arg13[%add3A_6, %dma_start3A_47] : memref<10240x128xf32, #tpu.memory_space<vmem_shared>> -> memref<128x128xf32, #tpu.memory_space<vmem_shared>>
      %dma_start3A_49 = arith.constant 0 : i32
      %dma_start3A_50 = tpu.memref_slice %arg13[%add3A_6, %dma_start3A_49] : memref<10240x128xf32, #tpu.memory_space<vmem_shared>> -> memref<128x128xf32, #tpu.memory_space<vmem_shared>>
      tpu.enqueue_dma source(%arg11 : memref<128x128xf32, #tpu.memory_space<vmem>>) target(%dma_start3A_50 : memref<128x128xf32, #tpu.memory_space<vmem_shared>>) target_semaphore(%run_scoped3A_46 : memref<!tpu.dma_semaphore, #tpu.memory_space<semaphore_mem>>)
      %dma_wait3A = arith.constant 0 : i32
      %dma_wait3A_51 = tpu.memref_slice %arg13[%add3A_6, %dma_wait3A] : memref<10240x128xf32, #tpu.memory_space<vmem_shared>> -> memref<128x128xf32, #tpu.memory_space<vmem_shared>>
      %dma_wait3A_52 = arith.constant 0 : i32
      %dma_wait3A_53 = tpu.memref_slice %arg13[%add3A_6, %dma_wait3A_52] : memref<10240x128xf32, #tpu.memory_space<vmem_shared>> -> memref<128x128xf32, #tpu.memory_space<vmem_shared>>
      tpu.wait_dma2 semaphore(%run_scoped3A_46 : memref<!tpu.dma_semaphore, #tpu.memory_space<semaphore_mem>>) src(%arg11 : memref<128x128xf32, #tpu.memory_space<vmem>>) dst(%dma_wait3A_53 : memref<128x128xf32, #tpu.memory_space<vmem_shared>>)
      tpu.yield
    }) : () -> ()
    %add3A_7 = arith.constant 128 : i32
    %add3A_8 = arith.addi %mul3A_2, %add3A_7 : i32
    "tpu.region"() ({
      %run_scoped3A_46 = tpu.sem_alloc : memref<!tpu.dma_semaphore, #tpu.memory_space<semaphore_mem>>
      %dma_start3A_47 = arith.constant 0 : i32
      %dma_start3A_48 = tpu.memref_slice %arg13[%add3A_8, %dma_start3A_47] : memref<10240x128xf32, #tpu.memory_space<vmem_shared>> -> memref<128x128xf32, #tpu.memory_space<vmem_shared>>
      %dma_start3A_49 = arith.constant 0 : i32
      %dma_start3A_50 = tpu.memref_slice %arg13[%add3A_8, %dma_start3A_49] : memref<10240x128xf32, #tpu.memory_space<vmem_shared>> -> memref<128x128xf32, #tpu.memory_space<vmem_shared>>
      tpu.enqueue_dma source(%arg11 : memref<128x128xf32, #tpu.memory_space<vmem>>) target(%dma_start3A_50 : memref<128x128xf32, #tpu.memory_space<vmem_shared>>) target_semaphore(%run_scoped3A_46 : memref<!tpu.dma_semaphore, #tpu.memory_space<semaphore_mem>>)
      %dma_wait3A = arith.constant 0 : i32
      %dma_wait3A_51 = tpu.memref_slice %arg13[%add3A_8, %dma_wait3A] : memref<10240x128xf32, #tpu.memory_space<vmem_shared>> -> memref<128x128xf32, #tpu.memory_space<vmem_shared>>
      %dma_wait3A_52 = arith.constant 0 : i32
      %dma_wait3A_53 = tpu.memref_slice %arg13[%add3A_8, %dma_wait3A_52] : memref<10240x128xf32, #tpu.memory_space<vmem_shared>> -> memref<128x128xf32, #tpu.memory_space<vmem_shared>>
      tpu.wait_dma2 semaphore(%run_scoped3A_46 : memref<!tpu.dma_semaphore, #tpu.memory_space<semaphore_mem>>) src(%arg11 : memref<128x128xf32, #tpu.memory_space<vmem>>) dst(%dma_wait3A_53 : memref<128x128xf32, #tpu.memory_space<vmem_shared>>)
      tpu.yield
    }) : () -> ()
    %add3A_9 = arith.constant 256 : i32
    %add3A_10 = arith.addi %mul3A_2, %add3A_9 : i32
    "tpu.region"() ({
      %run_scoped3A_46 = tpu.sem_alloc : memref<!tpu.dma_semaphore, #tpu.memory_space<semaphore_mem>>
      %dma_start3A_47 = arith.constant 0 : i32
      %dma_start3A_48 = tpu.memref_slice %arg13[%add3A_10, %dma_start3A_47] : memref<10240x128xf32, #tpu.memory_space<vmem_shared>> -> memref<128x128xf32, #tpu.memory_space<vmem_shared>>
      %dma_start3A_49 = arith.constant 0 : i32
      %dma_start3A_50 = tpu.memref_slice %arg13[%add3A_10, %dma_start3A_49] : memref<10240x128xf32, #tpu.memory_space<vmem_shared>> -> memref<128x128xf32, #tpu.memory_space<vmem_shared>>
      tpu.enqueue_dma source(%arg11 : memref<128x128xf32, #tpu.memory_space<vmem>>) target(%dma_start3A_50 : memref<128x128xf32, #tpu.memory_space<vmem_shared>>) target_semaphore(%run_scoped3A_46 : memref<!tpu.dma_semaphore, #tpu.memory_space<semaphore_mem>>)
      %dma_wait3A = arith.constant 0 : i32
      %dma_wait3A_51 = tpu.memref_slice %arg13[%add3A_10, %dma_wait3A] : memref<10240x128xf32, #tpu.memory_space<vmem_shared>> -> memref<128x128xf32, #tpu.memory_space<vmem_shared>>
      %dma_wait3A_52 = arith.constant 0 : i32
      %dma_wait3A_53 = tpu.memref_slice %arg13[%add3A_10, %dma_wait3A_52] : memref<10240x128xf32, #tpu.memory_space<vmem_shared>> -> memref<128x128xf32, #tpu.memory_space<vmem_shared>>
      tpu.wait_dma2 semaphore(%run_scoped3A_46 : memref<!tpu.dma_semaphore, #tpu.memory_space<semaphore_mem>>) src(%arg11 : memref<128x128xf32, #tpu.memory_space<vmem>>) dst(%dma_wait3A_53 : memref<128x128xf32, #tpu.memory_space<vmem_shared>>)
      tpu.yield
    }) : () -> ()
    %add3A_11 = arith.constant 384 : i32
    %add3A_12 = arith.addi %mul3A_2, %add3A_11 : i32
    "tpu.region"() ({
      %run_scoped3A_46 = tpu.sem_alloc : memref<!tpu.dma_semaphore, #tpu.memory_space<semaphore_mem>>
      %dma_start3A_47 = arith.constant 0 : i32
      %dma_start3A_48 = tpu.memref_slice %arg13[%add3A_12, %dma_start3A_47] : memref<10240x128xf32, #tpu.memory_space<vmem_shared>> -> memref<128x128xf32, #tpu.memory_space<vmem_shared>>
      %dma_start3A_49 = arith.constant 0 : i32
      %dma_start3A_50 = tpu.memref_slice %arg13[%add3A_12, %dma_start3A_49] : memref<10240x128xf32, #tpu.memory_space<vmem_shared>> -> memref<128x128xf32, #tpu.memory_space<vmem_shared>>
      tpu.enqueue_dma source(%arg11 : memref<128x128xf32, #tpu.memory_space<vmem>>) target(%dma_start3A_50 : memref<128x128xf32, #tpu.memory_space<vmem_shared>>) target_semaphore(%run_scoped3A_46 : memref<!tpu.dma_semaphore, #tpu.memory_space<semaphore_mem>>)
      %dma_wait3A = arith.constant 0 : i32
      %dma_wait3A_51 = tpu.memref_slice %arg13[%add3A_12, %dma_wait3A] : memref<10240x128xf32, #tpu.memory_space<vmem_shared>> -> memref<128x128xf32, #tpu.memory_space<vmem_shared>>
      %dma_wait3A_52 = arith.constant 0 : i32
      %dma_wait3A_53 = tpu.memref_slice %arg13[%add3A_12, %dma_wait3A_52] : memref<10240x128xf32, #tpu.memory_space<vmem_shared>> -> memref<128x128xf32, #tpu.memory_space<vmem_shared>>
      tpu.wait_dma2 semaphore(%run_scoped3A_46 : memref<!tpu.dma_semaphore, #tpu.memory_space<semaphore_mem>>) src(%arg11 : memref<128x128xf32, #tpu.memory_space<vmem>>) dst(%dma_wait3A_53 : memref<128x128xf32, #tpu.memory_space<vmem_shared>>)
      tpu.yield
    }) : () -> ()
    %add3A_13 = arith.constant 512 : i32
    %add3A_14 = arith.addi %mul3A_2, %add3A_13 : i32
    "tpu.region"() ({
      %run_scoped3A_46 = tpu.sem_alloc : memref<!tpu.dma_semaphore, #tpu.memory_space<semaphore_mem>>
      %dma_start3A_47 = arith.constant 0 : i32
      %dma_start3A_48 = tpu.memref_slice %arg13[%add3A_14, %dma_start3A_47] : memref<10240x128xf32, #tpu.memory_space<vmem_shared>> -> memref<128x128xf32, #tpu.memory_space<vmem_shared>>
      %dma_start3A_49 = arith.constant 0 : i32
      %dma_start3A_50 = tpu.memref_slice %arg13[%add3A_14, %dma_start3A_49] : memref<10240x128xf32, #tpu.memory_space<vmem_shared>> -> memref<128x128xf32, #tpu.memory_space<vmem_shared>>
      tpu.enqueue_dma source(%arg11 : memref<128x128xf32, #tpu.memory_space<vmem>>) target(%dma_start3A_50 : memref<128x128xf32, #tpu.memory_space<vmem_shared>>) target_semaphore(%run_scoped3A_46 : memref<!tpu.dma_semaphore, #tpu.memory_space<semaphore_mem>>)
      %dma_wait3A = arith.constant 0 : i32
      %dma_wait3A_51 = tpu.memref_slice %arg13[%add3A_14, %dma_wait3A] : memref<10240x128xf32, #tpu.memory_space<vmem_shared>> -> memref<128x128xf32, #tpu.memory_space<vmem_shared>>
      %dma_wait3A_52 = arith.constant 0 : i32
      %dma_wait3A_53 = tpu.memref_slice %arg13[%add3A_14, %dma_wait3A_52] : memref<10240x128xf32, #tpu.memory_space<vmem_shared>> -> memref<128x128xf32, #tpu.memory_space<vmem_shared>>
      tpu.wait_dma2 semaphore(%run_scoped3A_46 : memref<!tpu.dma_semaphore, #tpu.memory_space<semaphore_mem>>) src(%arg11 : memref<128x128xf32, #tpu.memory_space<vmem>>) dst(%dma_wait3A_53 : memref<128x128xf32, #tpu.memory_space<vmem_shared>>)
      tpu.yield
    }) : () -> ()
    %barrier3A = arith.constant 0 : index
    tpu.barrier barrier_id(%barrier3A)
    %run_scoped3A = arith.constant 0 : i32
    "tpu.region"() ({
      %run_scoped3A_46 = tpu.sem_alloc : memref<!tpu.dma_semaphore, #tpu.memory_space<semaphore_mem>>
      %dma_start3A_47 = arith.constant 0 : i32
      %dma_start3A_48 = tpu.memref_slice %arg7[%run_scoped3A, %dma_start3A_47] : memref<1x128xi32, #tpu.memory_space<vmem>> -> memref<1x128xi32, #tpu.memory_space<vmem>>
      %dma_start3A_49 = tpu.memref_squeeze %dma_start3A_48 : memref<1x128xi32, #tpu.memory_space<vmem>> -> memref<128xi32, #tpu.memory_space<vmem>>
      %dma_start3A_50 = tpu.memref_slice %arg3[%mul3A_4] : memref<327680xi32, #tpu.memory_space<hbm>> -> memref<128xi32, #tpu.memory_space<hbm>>
      %dma_start3A_51 = arith.constant 0 : i32
      %dma_start3A_52 = tpu.memref_slice %arg7[%run_scoped3A, %dma_start3A_51] : memref<1x128xi32, #tpu.memory_space<vmem>> -> memref<1x128xi32, #tpu.memory_space<vmem>>
      %dma_start3A_53 = tpu.memref_squeeze %dma_start3A_52 : memref<1x128xi32, #tpu.memory_space<vmem>> -> memref<128xi32, #tpu.memory_space<vmem>>
      %dma_start3A_54 = tpu.memref_slice %arg3[%mul3A_4] : memref<327680xi32, #tpu.memory_space<hbm>> -> memref<128xi32, #tpu.memory_space<hbm>>
      tpu.enqueue_dma source(%dma_start3A_54 : memref<128xi32, #tpu.memory_space<hbm>>) target(%dma_start3A_53 : memref<128xi32, #tpu.memory_space<vmem>>) target_semaphore(%run_scoped3A_46 : memref<!tpu.dma_semaphore, #tpu.memory_space<semaphore_mem>>)
      %dma_wait3A = arith.constant 0 : i32
      %dma_wait3A_55 = tpu.memref_slice %arg7[%run_scoped3A, %dma_wait3A] : memref<1x128xi32, #tpu.memory_space<vmem>> -> memref<1x128xi32, #tpu.memory_space<vmem>>
      %dma_wait3A_56 = tpu.memref_squeeze %dma_wait3A_55 : memref<1x128xi32, #tpu.memory_space<vmem>> -> memref<128xi32, #tpu.memory_space<vmem>>
      %dma_wait3A_57 = tpu.memref_slice %arg3[%mul3A_4] : memref<327680xi32, #tpu.memory_space<hbm>> -> memref<128xi32, #tpu.memory_space<hbm>>
      %dma_wait3A_58 = arith.constant 0 : i32
      %dma_wait3A_59 = tpu.memref_slice %arg7[%run_scoped3A, %dma_wait3A_58] : memref<1x128xi32, #tpu.memory_space<vmem>> -> memref<1x128xi32, #tpu.memory_space<vmem>>
      %dma_wait3A_60 = tpu.memref_squeeze %dma_wait3A_59 : memref<1x128xi32, #tpu.memory_space<vmem>> -> memref<128xi32, #tpu.memory_space<vmem>>
      %dma_wait3A_61 = tpu.memref_slice %arg3[%mul3A_4] : memref<327680xi32, #tpu.memory_space<hbm>> -> memref<128xi32, #tpu.memory_space<hbm>>
      tpu.wait_dma2 semaphore(%run_scoped3A_46 : memref<!tpu.dma_semaphore, #tpu.memory_space<semaphore_mem>>) src(%dma_wait3A_61 : memref<128xi32, #tpu.memory_space<hbm>>) dst(%dma_wait3A_60 : memref<128xi32, #tpu.memory_space<vmem>>)
      tpu.yield
    }) : () -> ()
    %dma_start3A = arith.constant 0 : i32
    %dma_start3A_15 = arith.constant 0 : i32
    %dma_start3A_16 = tpu.memref_slice %arg7[%dma_start3A, %dma_start3A_15] : memref<1x128xi32, #tpu.memory_space<vmem>> -> memref<1x128xi32, #tpu.memory_space<vmem>>
    %dma_start3A_17 = tpu.memref_squeeze %dma_start3A_16 : memref<1x128xi32, #tpu.memory_space<vmem>> -> memref<128xi32, #tpu.memory_space<vmem>>
    %dma_start3A_18 = arith.constant 0 : i32
    %dma_start3A_19 = arith.constant 0 : i32
    %dma_start3A_20 = tpu.memref_slice %arg2[%dma_start3A_18, %dma_start3A_19] : memref<10000x128xf32, #tpu.memory_space<hbm>> -> memref<10000x128xf32, #tpu.memory_space<hbm>>
    tpu.enqueue_indirect_dma source(%dma_start3A_20 : memref<10000x128xf32, #tpu.memory_space<hbm>>) target(%arg11 : memref<128x128xf32, #tpu.memory_space<vmem>>) offsets(%dma_start3A_17 : memref<128xi32, #tpu.memory_space<vmem>>) semaphore(%arg14 : memref<!tpu.dma_semaphore, #tpu.memory_space<semaphore_mem>>)
    %scan3A = arith.constant 0 : i32
    %scan3A_21 = arith.constant 40 : i32
    %scan3A_22 = arith.addi %scan3A, %scan3A_21 : i32
    %scan3A_23 = arith.constant 1 : i32
    scf.for %scan3A_46 = %scan3A to %scan3A_22 step %scan3A_23  : i32 {
      %mul3A_47 = arith.constant 1 : i32
      %mul3A_48 = arith.muli %scan3A_46, %mul3A_47 : i32
      %add3A_49 = arith.constant 0 : i32
      %add3A_50 = arith.addi %add3A_49, %mul3A_48 : i32
      %mul3A_51 = arith.constant 2 : i32
      %mul3A_52 = arith.muli %mul3A_51, %add3A_50 : i32
      %add3A_53 = arith.constant 1 : i32
      %add3A_54 = arith.addi %mul3A_52, %add3A_53 : i32
      %mul3A_55 = arith.constant 128 : i32
      %mul3A_56 = arith.muli %add3A_54, %mul3A_55 : i32
      %add3A_57 = arith.addi %mul3A_4, %mul3A_56 : i32
      %run_scoped3A_58 = arith.constant 0 : i32
      "tpu.region"() ({
        %run_scoped3A_102 = tpu.sem_alloc : memref<!tpu.dma_semaphore, #tpu.memory_space<semaphore_mem>>
        %dma_start3A_103 = arith.constant 0 : i32
        %dma_start3A_104 = tpu.memref_slice %arg8[%run_scoped3A_58, %dma_start3A_103] : memref<1x128xi32, #tpu.memory_space<vmem>> -> memref<1x128xi32, #tpu.memory_space<vmem>>
        %dma_start3A_105 = tpu.memref_squeeze %dma_start3A_104 : memref<1x128xi32, #tpu.memory_space<vmem>> -> memref<128xi32, #tpu.memory_space<vmem>>
        %dma_start3A_106 = tpu.memref_slice %arg3[%add3A_57] : memref<327680xi32, #tpu.memory_space<hbm>> -> memref<128xi32, #tpu.memory_space<hbm>>
        %dma_start3A_107 = arith.constant 0 : i32
        %dma_start3A_108 = tpu.memref_slice %arg8[%run_scoped3A_58, %dma_start3A_107] : memref<1x128xi32, #tpu.memory_space<vmem>> -> memref<1x128xi32, #tpu.memory_space<vmem>>
        %dma_start3A_109 = tpu.memref_squeeze %dma_start3A_108 : memref<1x128xi32, #tpu.memory_space<vmem>> -> memref<128xi32, #tpu.memory_space<vmem>>
        %dma_start3A_110 = tpu.memref_slice %arg3[%add3A_57] : memref<327680xi32, #tpu.memory_space<hbm>> -> memref<128xi32, #tpu.memory_space<hbm>>
        tpu.enqueue_dma source(%dma_start3A_110 : memref<128xi32, #tpu.memory_space<hbm>>) target(%dma_start3A_109 : memref<128xi32, #tpu.memory_space<vmem>>) target_semaphore(%run_scoped3A_102 : memref<!tpu.dma_semaphore, #tpu.memory_space<semaphore_mem>>)
        %dma_wait3A_111 = arith.constant 0 : i32
        %dma_wait3A_112 = tpu.memref_slice %arg8[%run_scoped3A_58, %dma_wait3A_111] : memref<1x128xi32, #tpu.memory_space<vmem>> -> memref<1x128xi32, #tpu.memory_space<vmem>>
        %dma_wait3A_113 = tpu.memref_squeeze %dma_wait3A_112 : memref<1x128xi32, #tpu.memory_space<vmem>> -> memref<128xi32, #tpu.memory_space<vmem>>
        %dma_wait3A_114 = tpu.memref_slice %arg3[%add3A_57] : memref<327680xi32, #tpu.memory_space<hbm>> -> memref<128xi32, #tpu.memory_space<hbm>>
        %dma_wait3A_115 = arith.constant 0 : i32
        %dma_wait3A_116 = tpu.memref_slice %arg8[%run_scoped3A_58, %dma_wait3A_115] : memref<1x128xi32, #tpu.memory_space<vmem>> -> memref<1x128xi32, #tpu.memory_space<vmem>>
        %dma_wait3A_117 = tpu.memref_squeeze %dma_wait3A_116 : memref<1x128xi32, #tpu.memory_space<vmem>> -> memref<128xi32, #tpu.memory_space<vmem>>
        %dma_wait3A_118 = tpu.memref_slice %arg3[%add3A_57] : memref<327680xi32, #tpu.memory_space<hbm>> -> memref<128xi32, #tpu.memory_space<hbm>>
        tpu.wait_dma2 semaphore(%run_scoped3A_102 : memref<!tpu.dma_semaphore, #tpu.memory_space<semaphore_mem>>) src(%dma_wait3A_118 : memref<128xi32, #tpu.memory_space<hbm>>) dst(%dma_wait3A_117 : memref<128xi32, #tpu.memory_space<vmem>>)
        tpu.yield
      }) : () -> ()
      %mul3A_59 = arith.constant 128 : i32
      %mul3A_60 = arith.muli %mul3A_52, %mul3A_59 : i32
      %add3A_61 = arith.addi %mul3A_4, %mul3A_60 : i32
      %run_scoped3A_62 = arith.constant 0 : i32
      "tpu.region"() ({
        %run_scoped3A_102 = tpu.sem_alloc : memref<!tpu.dma_semaphore, #tpu.memory_space<semaphore_mem>>
        %dma_start3A_103 = arith.constant 0 : i32
        %dma_start3A_104 = tpu.memref_slice %arg9[%run_scoped3A_62, %dma_start3A_103] : memref<1x128xi32, #tpu.memory_space<vmem>> -> memref<1x128xi32, #tpu.memory_space<vmem>>
        %dma_start3A_105 = tpu.memref_squeeze %dma_start3A_104 : memref<1x128xi32, #tpu.memory_space<vmem>> -> memref<128xi32, #tpu.memory_space<vmem>>
        %dma_start3A_106 = tpu.memref_slice %arg4[%add3A_61] : memref<327680xi32, #tpu.memory_space<hbm>> -> memref<128xi32, #tpu.memory_space<hbm>>
        %dma_start3A_107 = arith.constant 0 : i32
        %dma_start3A_108 = tpu.memref_slice %arg9[%run_scoped3A_62, %dma_start3A_107] : memref<1x128xi32, #tpu.memory_space<vmem>> -> memref<1x128xi32, #tpu.memory_space<vmem>>
        %dma_start3A_109 = tpu.memref_squeeze %dma_start3A_108 : memref<1x128xi32, #tpu.memory_space<vmem>> -> memref<128xi32, #tpu.memory_space<vmem>>
        %dma_start3A_110 = tpu.memref_slice %arg4[%add3A_61] : memref<327680xi32, #tpu.memory_space<hbm>> -> memref<128xi32, #tpu.memory_space<hbm>>
        tpu.enqueue_dma source(%dma_start3A_110 : memref<128xi32, #tpu.memory_space<hbm>>) target(%dma_start3A_109 : memref<128xi32, #tpu.memory_space<vmem>>) target_semaphore(%run_scoped3A_102 : memref<!tpu.dma_semaphore, #tpu.memory_space<semaphore_mem>>)
        %dma_wait3A_111 = arith.constant 0 : i32
        %dma_wait3A_112 = tpu.memref_slice %arg9[%run_scoped3A_62, %dma_wait3A_111] : memref<1x128xi32, #tpu.memory_space<vmem>> -> memref<1x128xi32, #tpu.memory_space<vmem>>
        %dma_wait3A_113 = tpu.memref_squeeze %dma_wait3A_112 : memref<1x128xi32, #tpu.memory_space<vmem>> -> memref<128xi32, #tpu.memory_space<vmem>>
        %dma_wait3A_114 = tpu.memref_slice %arg4[%add3A_61] : memref<327680xi32, #tpu.memory_space<hbm>> -> memref<128xi32, #tpu.memory_space<hbm>>
        %dma_wait3A_115 = arith.constant 0 : i32
        %dma_wait3A_116 = tpu.memref_slice %arg9[%run_scoped3A_62, %dma_wait3A_115] : memref<1x128xi32, #tpu.memory_space<vmem>> -> memref<1x128xi32, #tpu.memory_space<vmem>>
        %dma_wait3A_117 = tpu.memref_squeeze %dma_wait3A_116 : memref<1x128xi32, #tpu.memory_space<vmem>> -> memref<128xi32, #tpu.memory_space<vmem>>
        %dma_wait3A_118 = tpu.memref_slice %arg4[%add3A_61] : memref<327680xi32, #tpu.memory_space<hbm>> -> memref<128xi32, #tpu.memory_space<hbm>>
        tpu.wait_dma2 semaphore(%run_scoped3A_102 : memref<!tpu.dma_semaphore, #tpu.memory_space<semaphore_mem>>) src(%dma_wait3A_118 : memref<128xi32, #tpu.memory_space<hbm>>) dst(%dma_wait3A_117 : memref<128xi32, #tpu.memory_space<vmem>>)
        tpu.yield
      }) : () -> ()
      %dma_wait3A = arith.constant 0 : i32
      %dma_wait3A_63 = arith.constant 0 : i32
      %dma_wait3A_64 = tpu.memref_slice %arg7[%dma_wait3A, %dma_wait3A_63] : memref<1x128xi32, #tpu.memory_space<vmem>> -> memref<1x128xi32, #tpu.memory_space<vmem>>
      %dma_wait3A_65 = tpu.memref_squeeze %dma_wait3A_64 : memref<1x128xi32, #tpu.memory_space<vmem>> -> memref<128xi32, #tpu.memory_space<vmem>>
      %dma_wait3A_66 = arith.constant 0 : i32
      %dma_wait3A_67 = arith.constant 0 : i32
      %dma_wait3A_68 = tpu.memref_slice %arg2[%dma_wait3A_66, %dma_wait3A_67] : memref<10000x128xf32, #tpu.memory_space<hbm>> -> memref<10000x128xf32, #tpu.memory_space<hbm>>
      tpu.wait_indirect_dma semaphore(%arg14 : memref<!tpu.dma_semaphore, #tpu.memory_space<semaphore_mem>>) src(%dma_wait3A_68 : memref<10000x128xf32, #tpu.memory_space<hbm>>) dst(%arg11 : memref<128x128xf32, #tpu.memory_space<vmem>>)
      %dma_start3A_69 = arith.constant 0 : i32
      %dma_start3A_70 = arith.constant 0 : i32
      %dma_start3A_71 = tpu.memref_slice %arg8[%dma_start3A_69, %dma_start3A_70] : memref<1x128xi32, #tpu.memory_space<vmem>> -> memref<1x128xi32, #tpu.memory_space<vmem>>
      %dma_start3A_72 = tpu.memref_squeeze %dma_start3A_71 : memref<1x128xi32, #tpu.memory_space<vmem>> -> memref<128xi32, #tpu.memory_space<vmem>>
      %dma_start3A_73 = arith.constant 0 : i32
      %dma_start3A_74 = arith.constant 0 : i32
      %dma_start3A_75 = tpu.memref_slice %arg2[%dma_start3A_73, %dma_start3A_74] : memref<10000x128xf32, #tpu.memory_space<hbm>> -> memref<10000x128xf32, #tpu.memory_space<hbm>>
      tpu.enqueue_indirect_dma source(%dma_start3A_75 : memref<10000x128xf32, #tpu.memory_space<hbm>>) target(%arg12 : memref<128x128xf32, #tpu.memory_space<vmem>>) offsets(%dma_start3A_72 : memref<128xi32, #tpu.memory_space<vmem>>) semaphore(%arg15 : memref<!tpu.dma_semaphore, #tpu.memory_space<semaphore_mem>>)
      %run_scoped3A_76 = arith.constant 0 : i32
      "tpu.region"() ({
        %run_scoped3A_102 = tpu.sem_alloc : memref<!tpu.dma_semaphore, #tpu.memory_space<semaphore_mem>>
        %dma_start3A_103 = arith.constant 0 : i32
        %dma_start3A_104 = tpu.memref_slice %arg9[%run_scoped3A_76, %dma_start3A_103] : memref<1x128xi32, #tpu.memory_space<vmem>> -> memref<1x128xi32, #tpu.memory_space<vmem>>
        %dma_start3A_105 = tpu.memref_squeeze %dma_start3A_104 : memref<1x128xi32, #tpu.memory_space<vmem>> -> memref<128xi32, #tpu.memory_space<vmem>>
        %dma_start3A_106 = arith.constant 0 : i32
        %dma_start3A_107 = arith.constant 0 : i32
        %dma_start3A_108 = tpu.memref_slice %arg13[%dma_start3A_106, %dma_start3A_107] : memref<10240x128xf32, #tpu.memory_space<vmem_shared>> -> memref<10240x128xf32, #tpu.memory_space<vmem_shared>>
        tpu.enqueue_indirect_dma source(%arg11 : memref<128x128xf32, #tpu.memory_space<vmem>>) target(%dma_start3A_108 : memref<10240x128xf32, #tpu.memory_space<vmem_shared>>) offsets(%dma_start3A_105 : memref<128xi32, #tpu.memory_space<vmem>>) semaphore(%run_scoped3A_102 : memref<!tpu.dma_semaphore, #tpu.memory_space<semaphore_mem>>) {add = true}
        %dma_wait3A_109 = arith.constant 0 : i32
        %dma_wait3A_110 = tpu.memref_slice %arg9[%run_scoped3A_76, %dma_wait3A_109] : memref<1x128xi32, #tpu.memory_space<vmem>> -> memref<1x128xi32, #tpu.memory_space<vmem>>
        %dma_wait3A_111 = tpu.memref_squeeze %dma_wait3A_110 : memref<1x128xi32, #tpu.memory_space<vmem>> -> memref<128xi32, #tpu.memory_space<vmem>>
        %dma_wait3A_112 = arith.constant 0 : i32
        %dma_wait3A_113 = arith.constant 0 : i32
        %dma_wait3A_114 = tpu.memref_slice %arg13[%dma_wait3A_112, %dma_wait3A_113] : memref<10240x128xf32, #tpu.memory_space<vmem_shared>> -> memref<10240x128xf32, #tpu.memory_space<vmem_shared>>
        tpu.wait_indirect_dma semaphore(%run_scoped3A_102 : memref<!tpu.dma_semaphore, #tpu.memory_space<semaphore_mem>>) src(%arg11 : memref<128x128xf32, #tpu.memory_space<vmem>>) dst(%dma_wait3A_114 : memref<10240x128xf32, #tpu.memory_space<vmem_shared>>)
        tpu.yield
      }) : () -> ()
      %add3A_77 = arith.constant 1 : i32
      %add3A_78 = arith.addi %mul3A_52, %add3A_77 : i32
      %mul3A_79 = arith.constant 128 : i32
      %mul3A_80 = arith.muli %add3A_78, %mul3A_79 : i32
      %add3A_81 = arith.addi %mul3A_4, %mul3A_80 : i32
      %run_scoped3A_82 = arith.constant 0 : i32
      "tpu.region"() ({
        %run_scoped3A_102 = tpu.sem_alloc : memref<!tpu.dma_semaphore, #tpu.memory_space<semaphore_mem>>
        %dma_start3A_103 = arith.constant 0 : i32
        %dma_start3A_104 = tpu.memref_slice %arg10[%run_scoped3A_82, %dma_start3A_103] : memref<1x128xi32, #tpu.memory_space<vmem>> -> memref<1x128xi32, #tpu.memory_space<vmem>>
        %dma_start3A_105 = tpu.memref_squeeze %dma_start3A_104 : memref<1x128xi32, #tpu.memory_space<vmem>> -> memref<128xi32, #tpu.memory_space<vmem>>
        %dma_start3A_106 = tpu.memref_slice %arg4[%add3A_81] : memref<327680xi32, #tpu.memory_space<hbm>> -> memref<128xi32, #tpu.memory_space<hbm>>
        %dma_start3A_107 = arith.constant 0 : i32
        %dma_start3A_108 = tpu.memref_slice %arg10[%run_scoped3A_82, %dma_start3A_107] : memref<1x128xi32, #tpu.memory_space<vmem>> -> memref<1x128xi32, #tpu.memory_space<vmem>>
        %dma_start3A_109 = tpu.memref_squeeze %dma_start3A_108 : memref<1x128xi32, #tpu.memory_space<vmem>> -> memref<128xi32, #tpu.memory_space<vmem>>
        %dma_start3A_110 = tpu.memref_slice %arg4[%add3A_81] : memref<327680xi32, #tpu.memory_space<hbm>> -> memref<128xi32, #tpu.memory_space<hbm>>
        tpu.enqueue_dma source(%dma_start3A_110 : memref<128xi32, #tpu.memory_space<hbm>>) target(%dma_start3A_109 : memref<128xi32, #tpu.memory_space<vmem>>) target_semaphore(%run_scoped3A_102 : memref<!tpu.dma_semaphore, #tpu.memory_space<semaphore_mem>>)
        %dma_wait3A_111 = arith.constant 0 : i32
        %dma_wait3A_112 = tpu.memref_slice %arg10[%run_scoped3A_82, %dma_wait3A_111] : memref<1x128xi32, #tpu.memory_space<vmem>> -> memref<1x128xi32, #tpu.memory_space<vmem>>
        %dma_wait3A_113 = tpu.memref_squeeze %dma_wait3A_112 : memref<1x128xi32, #tpu.memory_space<vmem>> -> memref<128xi32, #tpu.memory_space<vmem>>
        %dma_wait3A_114 = tpu.memref_slice %arg4[%add3A_81] : memref<327680xi32, #tpu.memory_space<hbm>> -> memref<128xi32, #tpu.memory_space<hbm>>
        %dma_wait3A_115 = arith.constant 0 : i32
        %dma_wait3A_116 = tpu.memref_slice %arg10[%run_scoped3A_82, %dma_wait3A_115] : memref<1x128xi32, #tpu.memory_space<vmem>> -> memref<1x128xi32, #tpu.memory_space<vmem>>
        %dma_wait3A_117 = tpu.memref_squeeze %dma_wait3A_116 : memref<1x128xi32, #tpu.memory_space<vmem>> -> memref<128xi32, #tpu.memory_space<vmem>>
        %dma_wait3A_118 = tpu.memref_slice %arg4[%add3A_81] : memref<327680xi32, #tpu.memory_space<hbm>> -> memref<128xi32, #tpu.memory_space<hbm>>
        tpu.wait_dma2 semaphore(%run_scoped3A_102 : memref<!tpu.dma_semaphore, #tpu.memory_space<semaphore_mem>>) src(%dma_wait3A_118 : memref<128xi32, #tpu.memory_space<hbm>>) dst(%dma_wait3A_117 : memref<128xi32, #tpu.memory_space<vmem>>)
        tpu.yield
      }) : () -> ()
      %add3A_83 = arith.constant 2 : i32
      %add3A_84 = arith.addi %mul3A_52, %add3A_83 : i32
      %lt3A = arith.constant 80 : i32
      %lt3A_85 = arith.cmpi slt, %add3A_84, %lt3A : i32
      %convert_element_type3A = arith.extui %lt3A_85 : i1 to i32
      %cond3A = arith.constant 0 : i32
      %cond3A_86 = arith.cmpi ne, %convert_element_type3A, %cond3A : i32
      scf.if %cond3A_86 {
        %add3A_102 = arith.constant 2 : i32
        %add3A_103 = arith.addi %mul3A_52, %add3A_102 : i32
        %mul3A_104 = arith.constant 128 : i32
        %mul3A_105 = arith.muli %add3A_103, %mul3A_104 : i32
        %add3A_106 = arith.addi %mul3A_4, %mul3A_105 : i32
        %run_scoped3A_107 = arith.constant 0 : i32
        "tpu.region"() ({
          %run_scoped3A_108 = tpu.sem_alloc : memref<!tpu.dma_semaphore, #tpu.memory_space<semaphore_mem>>
          %dma_start3A_109 = arith.constant 0 : i32
          %dma_start3A_110 = tpu.memref_slice %arg7[%run_scoped3A_107, %dma_start3A_109] : memref<1x128xi32, #tpu.memory_space<vmem>> -> memref<1x128xi32, #tpu.memory_space<vmem>>
          %dma_start3A_111 = tpu.memref_squeeze %dma_start3A_110 : memref<1x128xi32, #tpu.memory_space<vmem>> -> memref<128xi32, #tpu.memory_space<vmem>>
          %dma_start3A_112 = tpu.memref_slice %arg3[%add3A_106] : memref<327680xi32, #tpu.memory_space<hbm>> -> memref<128xi32, #tpu.memory_space<hbm>>
          %dma_start3A_113 = arith.constant 0 : i32
          %dma_start3A_114 = tpu.memref_slice %arg7[%run_scoped3A_107, %dma_start3A_113] : memref<1x128xi32, #tpu.memory_space<vmem>> -> memref<1x128xi32, #tpu.memory_space<vmem>>
          %dma_start3A_115 = tpu.memref_squeeze %dma_start3A_114 : memref<1x128xi32, #tpu.memory_space<vmem>> -> memref<128xi32, #tpu.memory_space<vmem>>
          %dma_start3A_116 = tpu.memref_slice %arg3[%add3A_106] : memref<327680xi32, #tpu.memory_space<hbm>> -> memref<128xi32, #tpu.memory_space<hbm>>
          tpu.enqueue_dma source(%dma_start3A_116 : memref<128xi32, #tpu.memory_space<hbm>>) target(%dma_start3A_115 : memref<128xi32, #tpu.memory_space<vmem>>) target_semaphore(%run_scoped3A_108 : memref<!tpu.dma_semaphore, #tpu.memory_space<semaphore_mem>>)
          %dma_wait3A_117 = arith.constant 0 : i32
          %dma_wait3A_118 = tpu.memref_slice %arg7[%run_scoped3A_107, %dma_wait3A_117] : memref<1x128xi32, #tpu.memory_space<vmem>> -> memref<1x128xi32, #tpu.memory_space<vmem>>
          %dma_wait3A_119 = tpu.memref_squeeze %dma_wait3A_118 : memref<1x128xi32, #tpu.memory_space<vmem>> -> memref<128xi32, #tpu.memory_space<vmem>>
          %dma_wait3A_120 = tpu.memref_slice %arg3[%add3A_106] : memref<327680xi32, #tpu.memory_space<hbm>> -> memref<128xi32, #tpu.memory_space<hbm>>
          %dma_wait3A_121 = arith.constant 0 : i32
          %dma_wait3A_122 = tpu.memref_slice %arg7[%run_scoped3A_107, %dma_wait3A_121] : memref<1x128xi32, #tpu.memory_space<vmem>> -> memref<1x128xi32, #tpu.memory_space<vmem>>
          %dma_wait3A_123 = tpu.memref_squeeze %dma_wait3A_122 : memref<1x128xi32, #tpu.memory_space<vmem>> -> memref<128xi32, #tpu.memory_space<vmem>>
          %dma_wait3A_124 = tpu.memref_slice %arg3[%add3A_106] : memref<327680xi32, #tpu.memory_space<hbm>> -> memref<128xi32, #tpu.memory_space<hbm>>
          tpu.wait_dma2 semaphore(%run_scoped3A_108 : memref<!tpu.dma_semaphore, #tpu.memory_space<semaphore_mem>>) src(%dma_wait3A_124 : memref<128xi32, #tpu.memory_space<hbm>>) dst(%dma_wait3A_123 : memref<128xi32, #tpu.memory_space<vmem>>)
          tpu.yield
        }) : () -> ()
      } else {
      }
      %dma_wait3A_87 = arith.constant 0 : i32
      %dma_wait3A_88 = arith.constant 0 : i32
      %dma_wait3A_89 = tpu.memref_slice %arg8[%dma_wait3A_87, %dma_wait3A_88] : memref<1x128xi32, #tpu.memory_space<vmem>> -> memref<1x128xi32, #tpu.memory_space<vmem>>
      %dma_wait3A_90 = tpu.memref_squeeze %dma_wait3A_89 : memref<1x128xi32, #tpu.memory_space<vmem>> -> memref<128xi32, #tpu.memory_space<vmem>>
      %dma_wait3A_91 = arith.constant 0 : i32
      %dma_wait3A_92 = arith.constant 0 : i32
      %dma_wait3A_93 = tpu.memref_slice %arg2[%dma_wait3A_91, %dma_wait3A_92] : memref<10000x128xf32, #tpu.memory_space<hbm>> -> memref<10000x128xf32, #tpu.memory_space<hbm>>
      tpu.wait_indirect_dma semaphore(%arg15 : memref<!tpu.dma_semaphore, #tpu.memory_space<semaphore_mem>>) src(%dma_wait3A_93 : memref<10000x128xf32, #tpu.memory_space<hbm>>) dst(%arg12 : memref<128x128xf32, #tpu.memory_space<vmem>>)
      %add3A_94 = arith.constant 2 : i32
      %add3A_95 = arith.addi %mul3A_52, %add3A_94 : i32
      %lt3A_96 = arith.constant 80 : i32
      %lt3A_97 = arith.cmpi slt, %add3A_95, %lt3A_96 : i32
      %convert_element_type3A_98 = arith.extui %lt3A_97 : i1 to i32
      %cond3A_99 = arith.constant 0 : i32
      %cond3A_100 = arith.cmpi ne, %convert_element_type3A_98, %cond3A_99 : i32
      scf.if %cond3A_100 {
        %dma_start3A_102 = arith.constant 0 : i32
        %dma_start3A_103 = arith.constant 0 : i32
        %dma_start3A_104 = tpu.memref_slice %arg7[%dma_start3A_102, %dma_start3A_103] : memref<1x128xi32, #tpu.memory_space<vmem>> -> memref<1x128xi32, #tpu.memory_space<vmem>>
        %dma_start3A_105 = tpu.memref_squeeze %dma_start3A_104 : memref<1x128xi32, #tpu.memory_space<vmem>> -> memref<128xi32, #tpu.memory_space<vmem>>
        %dma_start3A_106 = arith.constant 0 : i32
        %dma_start3A_107 = arith.constant 0 : i32
        %dma_start3A_108 = tpu.memref_slice %arg2[%dma_start3A_106, %dma_start3A_107] : memref<10000x128xf32, #tpu.memory_space<hbm>> -> memref<10000x128xf32, #tpu.memory_space<hbm>>
        tpu.enqueue_indirect_dma source(%dma_start3A_108 : memref<10000x128xf32, #tpu.memory_space<hbm>>) target(%arg11 : memref<128x128xf32, #tpu.memory_space<vmem>>) offsets(%dma_start3A_105 : memref<128xi32, #tpu.memory_space<vmem>>) semaphore(%arg14 : memref<!tpu.dma_semaphore, #tpu.memory_space<semaphore_mem>>)
      } else {
      }
      %run_scoped3A_101 = arith.constant 0 : i32
      "tpu.region"() ({
        %run_scoped3A_102 = tpu.sem_alloc : memref<!tpu.dma_semaphore, #tpu.memory_space<semaphore_mem>>
        %dma_start3A_103 = arith.constant 0 : i32
        %dma_start3A_104 = tpu.memref_slice %arg10[%run_scoped3A_101, %dma_start3A_103] : memref<1x128xi32, #tpu.memory_space<vmem>> -> memref<1x128xi32, #tpu.memory_space<vmem>>
        %dma_start3A_105 = tpu.memref_squeeze %dma_start3A_104 : memref<1x128xi32, #tpu.memory_space<vmem>> -> memref<128xi32, #tpu.memory_space<vmem>>
        %dma_start3A_106 = arith.constant 0 : i32
        %dma_start3A_107 = arith.constant 0 : i32
        %dma_start3A_108 = tpu.memref_slice %arg13[%dma_start3A_106, %dma_start3A_107] : memref<10240x128xf32, #tpu.memory_space<vmem_shared>> -> memref<10240x128xf32, #tpu.memory_space<vmem_shared>>
        tpu.enqueue_indirect_dma source(%arg12 : memref<128x128xf32, #tpu.memory_space<vmem>>) target(%dma_start3A_108 : memref<10240x128xf32, #tpu.memory_space<vmem_shared>>) offsets(%dma_start3A_105 : memref<128xi32, #tpu.memory_space<vmem>>) semaphore(%run_scoped3A_102 : memref<!tpu.dma_semaphore, #tpu.memory_space<semaphore_mem>>) {add = true}
        %dma_wait3A_109 = arith.constant 0 : i32
        %dma_wait3A_110 = tpu.memref_slice %arg10[%run_scoped3A_101, %dma_wait3A_109] : memref<1x128xi32, #tpu.memory_space<vmem>> -> memref<1x128xi32, #tpu.memory_space<vmem>>
        %dma_wait3A_111 = tpu.memref_squeeze %dma_wait3A_110 : memref<1x128xi32, #tpu.memory_space<vmem>> -> memref<128xi32, #tpu.memory_space<vmem>>
        %dma_wait3A_112 = arith.constant 0 : i32
        %dma_wait3A_113 = arith.constant 0 : i32
        %dma_wait3A_114 = tpu.memref_slice %arg13[%dma_wait3A_112, %dma_wait3A_113] : memref<10240x128xf32, #tpu.memory_space<vmem_shared>> -> memref<10240x128xf32, #tpu.memory_space<vmem_shared>>
        tpu.wait_indirect_dma semaphore(%run_scoped3A_102 : memref<!tpu.dma_semaphore, #tpu.memory_space<semaphore_mem>>) src(%arg12 : memref<128x128xf32, #tpu.memory_space<vmem>>) dst(%dma_wait3A_114 : memref<10240x128xf32, #tpu.memory_space<vmem_shared>>)
        tpu.yield
      }) : () -> ()
    }
    %scan3A_24 = arith.constant 40 : i32
    %barrier3A_25 = arith.constant 0 : index
    tpu.barrier barrier_id(%barrier3A_25)
    %add3A_26 = arith.constant 0 : i32
    %add3A_27 = arith.addi %mul3A_2, %add3A_26 : i32
    "tpu.region"() ({
      %run_scoped3A_46 = tpu.sem_alloc : memref<!tpu.dma_semaphore, #tpu.memory_space<semaphore_mem>>
      %dma_start3A_47 = arith.constant 0 : i32
      %dma_start3A_48 = tpu.memref_slice %arg13[%add3A_27, %dma_start3A_47] : memref<10240x128xf32, #tpu.memory_space<vmem_shared>> -> memref<128x128xf32, #tpu.memory_space<vmem_shared>>
      %dma_start3A_49 = arith.constant 0 : i32
      %dma_start3A_50 = tpu.memref_slice %arg13[%add3A_27, %dma_start3A_49] : memref<10240x128xf32, #tpu.memory_space<vmem_shared>> -> memref<128x128xf32, #tpu.memory_space<vmem_shared>>
      tpu.enqueue_dma source(%dma_start3A_50 : memref<128x128xf32, #tpu.memory_space<vmem_shared>>) target(%arg11 : memref<128x128xf32, #tpu.memory_space<vmem>>) target_semaphore(%run_scoped3A_46 : memref<!tpu.dma_semaphore, #tpu.memory_space<semaphore_mem>>)
      %dma_wait3A = arith.constant 0 : i32
      %dma_wait3A_51 = tpu.memref_slice %arg13[%add3A_27, %dma_wait3A] : memref<10240x128xf32, #tpu.memory_space<vmem_shared>> -> memref<128x128xf32, #tpu.memory_space<vmem_shared>>
      %dma_wait3A_52 = arith.constant 0 : i32
      %dma_wait3A_53 = tpu.memref_slice %arg13[%add3A_27, %dma_wait3A_52] : memref<10240x128xf32, #tpu.memory_space<vmem_shared>> -> memref<128x128xf32, #tpu.memory_space<vmem_shared>>
      tpu.wait_dma2 semaphore(%run_scoped3A_46 : memref<!tpu.dma_semaphore, #tpu.memory_space<semaphore_mem>>) src(%dma_wait3A_53 : memref<128x128xf32, #tpu.memory_space<vmem_shared>>) dst(%arg11 : memref<128x128xf32, #tpu.memory_space<vmem>>)
      tpu.yield
    }) : () -> ()
    %add3A_28 = arith.constant 0 : i32
    %add3A_29 = arith.addi %mul3A_2, %add3A_28 : i32
    "tpu.region"() ({
      %run_scoped3A_46 = tpu.sem_alloc : memref<!tpu.dma_semaphore, #tpu.memory_space<semaphore_mem>>
      %dma_start3A_47 = arith.constant 0 : i32
      %dma_start3A_48 = arith.constant 0 : i32
      %dma_start3A_49 = tpu.memref_slice %arg6[%arg0, %dma_start3A_47, %dma_start3A_48] : memref<2x10240x128xf32, #tpu.memory_space<hbm>> -> memref<1x10240x128xf32, #tpu.memory_space<hbm>>
      %dma_start3A_50 = tpu.memref_squeeze %dma_start3A_49 : memref<1x10240x128xf32, #tpu.memory_space<hbm>> -> memref<10240x128xf32, #tpu.memory_space<hbm>>
      %dma_start3A_51 = arith.constant 0 : i32
      %dma_start3A_52 = tpu.memref_slice %dma_start3A_50[%add3A_29, %dma_start3A_51] : memref<10240x128xf32, #tpu.memory_space<hbm>> -> memref<128x128xf32, #tpu.memory_space<hbm>>
      %dma_start3A_53 = arith.constant 0 : i32
      %dma_start3A_54 = arith.constant 0 : i32
      %dma_start3A_55 = tpu.memref_slice %arg6[%arg0, %dma_start3A_53, %dma_start3A_54] : memref<2x10240x128xf32, #tpu.memory_space<hbm>> -> memref<1x10240x128xf32, #tpu.memory_space<hbm>>
      %dma_start3A_56 = tpu.memref_squeeze %dma_start3A_55 : memref<1x10240x128xf32, #tpu.memory_space<hbm>> -> memref<10240x128xf32, #tpu.memory_space<hbm>>
      %dma_start3A_57 = arith.constant 0 : i32
      %dma_start3A_58 = tpu.memref_slice %dma_start3A_56[%add3A_29, %dma_start3A_57] : memref<10240x128xf32, #tpu.memory_space<hbm>> -> memref<128x128xf32, #tpu.memory_space<hbm>>
      tpu.enqueue_dma source(%arg11 : memref<128x128xf32, #tpu.memory_space<vmem>>) target(%dma_start3A_58 : memref<128x128xf32, #tpu.memory_space<hbm>>) target_semaphore(%run_scoped3A_46 : memref<!tpu.dma_semaphore, #tpu.memory_space<semaphore_mem>>)
      %dma_wait3A = arith.constant 0 : i32
      %dma_wait3A_59 = arith.constant 0 : i32
      %dma_wait3A_60 = tpu.memref_slice %arg6[%arg0, %dma_wait3A, %dma_wait3A_59] : memref<2x10240x128xf32, #tpu.memory_space<hbm>> -> memref<1x10240x128xf32, #tpu.memory_space<hbm>>
      %dma_wait3A_61 = tpu.memref_squeeze %dma_wait3A_60 : memref<1x10240x128xf32, #tpu.memory_space<hbm>> -> memref<10240x128xf32, #tpu.memory_space<hbm>>
      %dma_wait3A_62 = arith.constant 0 : i32
      %dma_wait3A_63 = tpu.memref_slice %dma_wait3A_61[%add3A_29, %dma_wait3A_62] : memref<10240x128xf32, #tpu.memory_space<hbm>> -> memref<128x128xf32, #tpu.memory_space<hbm>>
      %dma_wait3A_64 = arith.constant 0 : i32
      %dma_wait3A_65 = arith.constant 0 : i32
      %dma_wait3A_66 = tpu.memref_slice %arg6[%arg0, %dma_wait3A_64, %dma_wait3A_65] : memref<2x10240x128xf32, #tpu.memory_space<hbm>> -> memref<1x10240x128xf32, #tpu.memory_space<hbm>>
      %dma_wait3A_67 = tpu.memref_squeeze %dma_wait3A_66 : memref<1x10240x128xf32, #tpu.memory_space<hbm>> -> memref<10240x128xf32, #tpu.memory_space<hbm>>
      %dma_wait3A_68 = arith.constant 0 : i32
      %dma_wait3A_69 = tpu.memref_slice %dma_wait3A_67[%add3A_29, %dma_wait3A_68] : memref<10240x128xf32, #tpu.memory_space<hbm>> -> memref<128x128xf32, #tpu.memory_space<hbm>>
      tpu.wait_dma2 semaphore(%run_scoped3A_46 : memref<!tpu.dma_semaphore, #tpu.memory_space<semaphore_mem>>) src(%arg11 : memref<128x128xf32, #tpu.memory_space<vmem>>) dst(%dma_wait3A_69 : memref<128x128xf32, #tpu.memory_space<hbm>>)
      tpu.yield
    }) : () -> ()
    %add3A_30 = arith.constant 128 : i32
    %add3A_31 = arith.addi %mul3A_2, %add3A_30 : i32
    "tpu.region"() ({
      %run_scoped3A_46 = tpu.sem_alloc : memref<!tpu.dma_semaphore, #tpu.memory_space<semaphore_mem>>
      %dma_start3A_47 = arith.constant 0 : i32
      %dma_start3A_48 = tpu.memref_slice %arg13[%add3A_31, %dma_start3A_47] : memref<10240x128xf32, #tpu.memory_space<vmem_shared>> -> memref<128x128xf32, #tpu.memory_space<vmem_shared>>
      %dma_start3A_49 = arith.constant 0 : i32
      %dma_start3A_50 = tpu.memref_slice %arg13[%add3A_31, %dma_start3A_49] : memref<10240x128xf32, #tpu.memory_space<vmem_shared>> -> memref<128x128xf32, #tpu.memory_space<vmem_shared>>
      tpu.enqueue_dma source(%dma_start3A_50 : memref<128x128xf32, #tpu.memory_space<vmem_shared>>) target(%arg12 : memref<128x128xf32, #tpu.memory_space<vmem>>) target_semaphore(%run_scoped3A_46 : memref<!tpu.dma_semaphore, #tpu.memory_space<semaphore_mem>>)
      %dma_wait3A = arith.constant 0 : i32
      %dma_wait3A_51 = tpu.memref_slice %arg13[%add3A_31, %dma_wait3A] : memref<10240x128xf32, #tpu.memory_space<vmem_shared>> -> memref<128x128xf32, #tpu.memory_space<vmem_shared>>
      %dma_wait3A_52 = arith.constant 0 : i32
      %dma_wait3A_53 = tpu.memref_slice %arg13[%add3A_31, %dma_wait3A_52] : memref<10240x128xf32, #tpu.memory_space<vmem_shared>> -> memref<128x128xf32, #tpu.memory_space<vmem_shared>>
      tpu.wait_dma2 semaphore(%run_scoped3A_46 : memref<!tpu.dma_semaphore, #tpu.memory_space<semaphore_mem>>) src(%dma_wait3A_53 : memref<128x128xf32, #tpu.memory_space<vmem_shared>>) dst(%arg12 : memref<128x128xf32, #tpu.memory_space<vmem>>)
      tpu.yield
    }) : () -> ()
    %add3A_32 = arith.constant 128 : i32
    %add3A_33 = arith.addi %mul3A_2, %add3A_32 : i32
    "tpu.region"() ({
      %run_scoped3A_46 = tpu.sem_alloc : memref<!tpu.dma_semaphore, #tpu.memory_space<semaphore_mem>>
      %dma_start3A_47 = arith.constant 0 : i32
      %dma_start3A_48 = arith.constant 0 : i32
      %dma_start3A_49 = tpu.memref_slice %arg6[%arg0, %dma_start3A_47, %dma_start3A_48] : memref<2x10240x128xf32, #tpu.memory_space<hbm>> -> memref<1x10240x128xf32, #tpu.memory_space<hbm>>
      %dma_start3A_50 = tpu.memref_squeeze %dma_start3A_49 : memref<1x10240x128xf32, #tpu.memory_space<hbm>> -> memref<10240x128xf32, #tpu.memory_space<hbm>>
      %dma_start3A_51 = arith.constant 0 : i32
      %dma_start3A_52 = tpu.memref_slice %dma_start3A_50[%add3A_33, %dma_start3A_51] : memref<10240x128xf32, #tpu.memory_space<hbm>> -> memref<128x128xf32, #tpu.memory_space<hbm>>
      %dma_start3A_53 = arith.constant 0 : i32
      %dma_start3A_54 = arith.constant 0 : i32
      %dma_start3A_55 = tpu.memref_slice %arg6[%arg0, %dma_start3A_53, %dma_start3A_54] : memref<2x10240x128xf32, #tpu.memory_space<hbm>> -> memref<1x10240x128xf32, #tpu.memory_space<hbm>>
      %dma_start3A_56 = tpu.memref_squeeze %dma_start3A_55 : memref<1x10240x128xf32, #tpu.memory_space<hbm>> -> memref<10240x128xf32, #tpu.memory_space<hbm>>
      %dma_start3A_57 = arith.constant 0 : i32
      %dma_start3A_58 = tpu.memref_slice %dma_start3A_56[%add3A_33, %dma_start3A_57] : memref<10240x128xf32, #tpu.memory_space<hbm>> -> memref<128x128xf32, #tpu.memory_space<hbm>>
      tpu.enqueue_dma source(%arg12 : memref<128x128xf32, #tpu.memory_space<vmem>>) target(%dma_start3A_58 : memref<128x128xf32, #tpu.memory_space<hbm>>) target_semaphore(%run_scoped3A_46 : memref<!tpu.dma_semaphore, #tpu.memory_space<semaphore_mem>>)
      %dma_wait3A = arith.constant 0 : i32
      %dma_wait3A_59 = arith.constant 0 : i32
      %dma_wait3A_60 = tpu.memref_slice %arg6[%arg0, %dma_wait3A, %dma_wait3A_59] : memref<2x10240x128xf32, #tpu.memory_space<hbm>> -> memref<1x10240x128xf32, #tpu.memory_space<hbm>>
      %dma_wait3A_61 = tpu.memref_squeeze %dma_wait3A_60 : memref<1x10240x128xf32, #tpu.memory_space<hbm>> -> memref<10240x128xf32, #tpu.memory_space<hbm>>
      %dma_wait3A_62 = arith.constant 0 : i32
      %dma_wait3A_63 = tpu.memref_slice %dma_wait3A_61[%add3A_33, %dma_wait3A_62] : memref<10240x128xf32, #tpu.memory_space<hbm>> -> memref<128x128xf32, #tpu.memory_space<hbm>>
      %dma_wait3A_64 = arith.constant 0 : i32
      %dma_wait3A_65 = arith.constant 0 : i32
      %dma_wait3A_66 = tpu.memref_slice %arg6[%arg0, %dma_wait3A_64, %dma_wait3A_65] : memref<2x10240x128xf32, #tpu.memory_space<hbm>> -> memref<1x10240x128xf32, #tpu.memory_space<hbm>>
      %dma_wait3A_67 = tpu.memref_squeeze %dma_wait3A_66 : memref<1x10240x128xf32, #tpu.memory_space<hbm>> -> memref<10240x128xf32, #tpu.memory_space<hbm>>
      %dma_wait3A_68 = arith.constant 0 : i32
      %dma_wait3A_69 = tpu.memref_slice %dma_wait3A_67[%add3A_33, %dma_wait3A_68] : memref<10240x128xf32, #tpu.memory_space<hbm>> -> memref<128x128xf32, #tpu.memory_space<hbm>>
      tpu.wait_dma2 semaphore(%run_scoped3A_46 : memref<!tpu.dma_semaphore, #tpu.memory_space<semaphore_mem>>) src(%arg12 : memref<128x128xf32, #tpu.memory_space<vmem>>) dst(%dma_wait3A_69 : memref<128x128xf32, #tpu.memory_space<hbm>>)
      tpu.yield
    }) : () -> ()
    %add3A_34 = arith.constant 256 : i32
    %add3A_35 = arith.addi %mul3A_2, %add3A_34 : i32
    "tpu.region"() ({
      %run_scoped3A_46 = tpu.sem_alloc : memref<!tpu.dma_semaphore, #tpu.memory_space<semaphore_mem>>
      %dma_start3A_47 = arith.constant 0 : i32
      %dma_start3A_48 = tpu.memref_slice %arg13[%add3A_35, %dma_start3A_47] : memref<10240x128xf32, #tpu.memory_space<vmem_shared>> -> memref<128x128xf32, #tpu.memory_space<vmem_shared>>
      %dma_start3A_49 = arith.constant 0 : i32
      %dma_start3A_50 = tpu.memref_slice %arg13[%add3A_35, %dma_start3A_49] : memref<10240x128xf32, #tpu.memory_space<vmem_shared>> -> memref<128x128xf32, #tpu.memory_space<vmem_shared>>
      tpu.enqueue_dma source(%dma_start3A_50 : memref<128x128xf32, #tpu.memory_space<vmem_shared>>) target(%arg11 : memref<128x128xf32, #tpu.memory_space<vmem>>) target_semaphore(%run_scoped3A_46 : memref<!tpu.dma_semaphore, #tpu.memory_space<semaphore_mem>>)
      %dma_wait3A = arith.constant 0 : i32
      %dma_wait3A_51 = tpu.memref_slice %arg13[%add3A_35, %dma_wait3A] : memref<10240x128xf32, #tpu.memory_space<vmem_shared>> -> memref<128x128xf32, #tpu.memory_space<vmem_shared>>
      %dma_wait3A_52 = arith.constant 0 : i32
      %dma_wait3A_53 = tpu.memref_slice %arg13[%add3A_35, %dma_wait3A_52] : memref<10240x128xf32, #tpu.memory_space<vmem_shared>> -> memref<128x128xf32, #tpu.memory_space<vmem_shared>>
      tpu.wait_dma2 semaphore(%run_scoped3A_46 : memref<!tpu.dma_semaphore, #tpu.memory_space<semaphore_mem>>) src(%dma_wait3A_53 : memref<128x128xf32, #tpu.memory_space<vmem_shared>>) dst(%arg11 : memref<128x128xf32, #tpu.memory_space<vmem>>)
      tpu.yield
    }) : () -> ()
    %add3A_36 = arith.constant 256 : i32
    %add3A_37 = arith.addi %mul3A_2, %add3A_36 : i32
    "tpu.region"() ({
      %run_scoped3A_46 = tpu.sem_alloc : memref<!tpu.dma_semaphore, #tpu.memory_space<semaphore_mem>>
      %dma_start3A_47 = arith.constant 0 : i32
      %dma_start3A_48 = arith.constant 0 : i32
      %dma_start3A_49 = tpu.memref_slice %arg6[%arg0, %dma_start3A_47, %dma_start3A_48] : memref<2x10240x128xf32, #tpu.memory_space<hbm>> -> memref<1x10240x128xf32, #tpu.memory_space<hbm>>
      %dma_start3A_50 = tpu.memref_squeeze %dma_start3A_49 : memref<1x10240x128xf32, #tpu.memory_space<hbm>> -> memref<10240x128xf32, #tpu.memory_space<hbm>>
      %dma_start3A_51 = arith.constant 0 : i32
      %dma_start3A_52 = tpu.memref_slice %dma_start3A_50[%add3A_37, %dma_start3A_51] : memref<10240x128xf32, #tpu.memory_space<hbm>> -> memref<128x128xf32, #tpu.memory_space<hbm>>
      %dma_start3A_53 = arith.constant 0 : i32
      %dma_start3A_54 = arith.constant 0 : i32
      %dma_start3A_55 = tpu.memref_slice %arg6[%arg0, %dma_start3A_53, %dma_start3A_54] : memref<2x10240x128xf32, #tpu.memory_space<hbm>> -> memref<1x10240x128xf32, #tpu.memory_space<hbm>>
      %dma_start3A_56 = tpu.memref_squeeze %dma_start3A_55 : memref<1x10240x128xf32, #tpu.memory_space<hbm>> -> memref<10240x128xf32, #tpu.memory_space<hbm>>
      %dma_start3A_57 = arith.constant 0 : i32
      %dma_start3A_58 = tpu.memref_slice %dma_start3A_56[%add3A_37, %dma_start3A_57] : memref<10240x128xf32, #tpu.memory_space<hbm>> -> memref<128x128xf32, #tpu.memory_space<hbm>>
      tpu.enqueue_dma source(%arg11 : memref<128x128xf32, #tpu.memory_space<vmem>>) target(%dma_start3A_58 : memref<128x128xf32, #tpu.memory_space<hbm>>) target_semaphore(%run_scoped3A_46 : memref<!tpu.dma_semaphore, #tpu.memory_space<semaphore_mem>>)
      %dma_wait3A = arith.constant 0 : i32
      %dma_wait3A_59 = arith.constant 0 : i32
      %dma_wait3A_60 = tpu.memref_slice %arg6[%arg0, %dma_wait3A, %dma_wait3A_59] : memref<2x10240x128xf32, #tpu.memory_space<hbm>> -> memref<1x10240x128xf32, #tpu.memory_space<hbm>>
      %dma_wait3A_61 = tpu.memref_squeeze %dma_wait3A_60 : memref<1x10240x128xf32, #tpu.memory_space<hbm>> -> memref<10240x128xf32, #tpu.memory_space<hbm>>
      %dma_wait3A_62 = arith.constant 0 : i32
      %dma_wait3A_63 = tpu.memref_slice %dma_wait3A_61[%add3A_37, %dma_wait3A_62] : memref<10240x128xf32, #tpu.memory_space<hbm>> -> memref<128x128xf32, #tpu.memory_space<hbm>>
      %dma_wait3A_64 = arith.constant 0 : i32
      %dma_wait3A_65 = arith.constant 0 : i32
      %dma_wait3A_66 = tpu.memref_slice %arg6[%arg0, %dma_wait3A_64, %dma_wait3A_65] : memref<2x10240x128xf32, #tpu.memory_space<hbm>> -> memref<1x10240x128xf32, #tpu.memory_space<hbm>>
      %dma_wait3A_67 = tpu.memref_squeeze %dma_wait3A_66 : memref<1x10240x128xf32, #tpu.memory_space<hbm>> -> memref<10240x128xf32, #tpu.memory_space<hbm>>
      %dma_wait3A_68 = arith.constant 0 : i32
      %dma_wait3A_69 = tpu.memref_slice %dma_wait3A_67[%add3A_37, %dma_wait3A_68] : memref<10240x128xf32, #tpu.memory_space<hbm>> -> memref<128x128xf32, #tpu.memory_space<hbm>>
      tpu.wait_dma2 semaphore(%run_scoped3A_46 : memref<!tpu.dma_semaphore, #tpu.memory_space<semaphore_mem>>) src(%arg11 : memref<128x128xf32, #tpu.memory_space<vmem>>) dst(%dma_wait3A_69 : memref<128x128xf32, #tpu.memory_space<hbm>>)
      tpu.yield
    }) : () -> ()
    %add3A_38 = arith.constant 384 : i32
    %add3A_39 = arith.addi %mul3A_2, %add3A_38 : i32
    "tpu.region"() ({
      %run_scoped3A_46 = tpu.sem_alloc : memref<!tpu.dma_semaphore, #tpu.memory_space<semaphore_mem>>
      %dma_start3A_47 = arith.constant 0 : i32
      %dma_start3A_48 = tpu.memref_slice %arg13[%add3A_39, %dma_start3A_47] : memref<10240x128xf32, #tpu.memory_space<vmem_shared>> -> memref<128x128xf32, #tpu.memory_space<vmem_shared>>
      %dma_start3A_49 = arith.constant 0 : i32
      %dma_start3A_50 = tpu.memref_slice %arg13[%add3A_39, %dma_start3A_49] : memref<10240x128xf32, #tpu.memory_space<vmem_shared>> -> memref<128x128xf32, #tpu.memory_space<vmem_shared>>
      tpu.enqueue_dma source(%dma_start3A_50 : memref<128x128xf32, #tpu.memory_space<vmem_shared>>) target(%arg12 : memref<128x128xf32, #tpu.memory_space<vmem>>) target_semaphore(%run_scoped3A_46 : memref<!tpu.dma_semaphore, #tpu.memory_space<semaphore_mem>>)
      %dma_wait3A = arith.constant 0 : i32
      %dma_wait3A_51 = tpu.memref_slice %arg13[%add3A_39, %dma_wait3A] : memref<10240x128xf32, #tpu.memory_space<vmem_shared>> -> memref<128x128xf32, #tpu.memory_space<vmem_shared>>
      %dma_wait3A_52 = arith.constant 0 : i32
      %dma_wait3A_53 = tpu.memref_slice %arg13[%add3A_39, %dma_wait3A_52] : memref<10240x128xf32, #tpu.memory_space<vmem_shared>> -> memref<128x128xf32, #tpu.memory_space<vmem_shared>>
      tpu.wait_dma2 semaphore(%run_scoped3A_46 : memref<!tpu.dma_semaphore, #tpu.memory_space<semaphore_mem>>) src(%dma_wait3A_53 : memref<128x128xf32, #tpu.memory_space<vmem_shared>>) dst(%arg12 : memref<128x128xf32, #tpu.memory_space<vmem>>)
      tpu.yield
    }) : () -> ()
    %add3A_40 = arith.constant 384 : i32
    %add3A_41 = arith.addi %mul3A_2, %add3A_40 : i32
    "tpu.region"() ({
      %run_scoped3A_46 = tpu.sem_alloc : memref<!tpu.dma_semaphore, #tpu.memory_space<semaphore_mem>>
      %dma_start3A_47 = arith.constant 0 : i32
      %dma_start3A_48 = arith.constant 0 : i32
      %dma_start3A_49 = tpu.memref_slice %arg6[%arg0, %dma_start3A_47, %dma_start3A_48] : memref<2x10240x128xf32, #tpu.memory_space<hbm>> -> memref<1x10240x128xf32, #tpu.memory_space<hbm>>
      %dma_start3A_50 = tpu.memref_squeeze %dma_start3A_49 : memref<1x10240x128xf32, #tpu.memory_space<hbm>> -> memref<10240x128xf32, #tpu.memory_space<hbm>>
      %dma_start3A_51 = arith.constant 0 : i32
      %dma_start3A_52 = tpu.memref_slice %dma_start3A_50[%add3A_41, %dma_start3A_51] : memref<10240x128xf32, #tpu.memory_space<hbm>> -> memref<128x128xf32, #tpu.memory_space<hbm>>
      %dma_start3A_53 = arith.constant 0 : i32
      %dma_start3A_54 = arith.constant 0 : i32
      %dma_start3A_55 = tpu.memref_slice %arg6[%arg0, %dma_start3A_53, %dma_start3A_54] : memref<2x10240x128xf32, #tpu.memory_space<hbm>> -> memref<1x10240x128xf32, #tpu.memory_space<hbm>>
      %dma_start3A_56 = tpu.memref_squeeze %dma_start3A_55 : memref<1x10240x128xf32, #tpu.memory_space<hbm>> -> memref<10240x128xf32, #tpu.memory_space<hbm>>
      %dma_start3A_57 = arith.constant 0 : i32
      %dma_start3A_58 = tpu.memref_slice %dma_start3A_56[%add3A_41, %dma_start3A_57] : memref<10240x128xf32, #tpu.memory_space<hbm>> -> memref<128x128xf32, #tpu.memory_space<hbm>>
      tpu.enqueue_dma source(%arg12 : memref<128x128xf32, #tpu.memory_space<vmem>>) target(%dma_start3A_58 : memref<128x128xf32, #tpu.memory_space<hbm>>) target_semaphore(%run_scoped3A_46 : memref<!tpu.dma_semaphore, #tpu.memory_space<semaphore_mem>>)
      %dma_wait3A = arith.constant 0 : i32
      %dma_wait3A_59 = arith.constant 0 : i32
      %dma_wait3A_60 = tpu.memref_slice %arg6[%arg0, %dma_wait3A, %dma_wait3A_59] : memref<2x10240x128xf32, #tpu.memory_space<hbm>> -> memref<1x10240x128xf32, #tpu.memory_space<hbm>>
      %dma_wait3A_61 = tpu.memref_squeeze %dma_wait3A_60 : memref<1x10240x128xf32, #tpu.memory_space<hbm>> -> memref<10240x128xf32, #tpu.memory_space<hbm>>
      %dma_wait3A_62 = arith.constant 0 : i32
      %dma_wait3A_63 = tpu.memref_slice %dma_wait3A_61[%add3A_41, %dma_wait3A_62] : memref<10240x128xf32, #tpu.memory_space<hbm>> -> memref<128x128xf32, #tpu.memory_space<hbm>>
      %dma_wait3A_64 = arith.constant 0 : i32
      %dma_wait3A_65 = arith.constant 0 : i32
      %dma_wait3A_66 = tpu.memref_slice %arg6[%arg0, %dma_wait3A_64, %dma_wait3A_65] : memref<2x10240x128xf32, #tpu.memory_space<hbm>> -> memref<1x10240x128xf32, #tpu.memory_space<hbm>>
      %dma_wait3A_67 = tpu.memref_squeeze %dma_wait3A_66 : memref<1x10240x128xf32, #tpu.memory_space<hbm>> -> memref<10240x128xf32, #tpu.memory_space<hbm>>
      %dma_wait3A_68 = arith.constant 0 : i32
      %dma_wait3A_69 = tpu.memref_slice %dma_wait3A_67[%add3A_41, %dma_wait3A_68] : memref<10240x128xf32, #tpu.memory_space<hbm>> -> memref<128x128xf32, #tpu.memory_space<hbm>>
      tpu.wait_dma2 semaphore(%run_scoped3A_46 : memref<!tpu.dma_semaphore, #tpu.memory_space<semaphore_mem>>) src(%arg12 : memref<128x128xf32, #tpu.memory_space<vmem>>) dst(%dma_wait3A_69 : memref<128x128xf32, #tpu.memory_space<hbm>>)
      tpu.yield
    }) : () -> ()
    %add3A_42 = arith.constant 512 : i32
    %add3A_43 = arith.addi %mul3A_2, %add3A_42 : i32
    "tpu.region"() ({
      %run_scoped3A_46 = tpu.sem_alloc : memref<!tpu.dma_semaphore, #tpu.memory_space<semaphore_mem>>
      %dma_start3A_47 = arith.constant 0 : i32
      %dma_start3A_48 = tpu.memref_slice %arg13[%add3A_43, %dma_start3A_47] : memref<10240x128xf32, #tpu.memory_space<vmem_shared>> -> memref<128x128xf32, #tpu.memory_space<vmem_shared>>
      %dma_start3A_49 = arith.constant 0 : i32
      %dma_start3A_50 = tpu.memref_slice %arg13[%add3A_43, %dma_start3A_49] : memref<10240x128xf32, #tpu.memory_space<vmem_shared>> -> memref<128x128xf32, #tpu.memory_space<vmem_shared>>
      tpu.enqueue_dma source(%dma_start3A_50 : memref<128x128xf32, #tpu.memory_space<vmem_shared>>) target(%arg11 : memref<128x128xf32, #tpu.memory_space<vmem>>) target_semaphore(%run_scoped3A_46 : memref<!tpu.dma_semaphore, #tpu.memory_space<semaphore_mem>>)
      %dma_wait3A = arith.constant 0 : i32
      %dma_wait3A_51 = tpu.memref_slice %arg13[%add3A_43, %dma_wait3A] : memref<10240x128xf32, #tpu.memory_space<vmem_shared>> -> memref<128x128xf32, #tpu.memory_space<vmem_shared>>
      %dma_wait3A_52 = arith.constant 0 : i32
      %dma_wait3A_53 = tpu.memref_slice %arg13[%add3A_43, %dma_wait3A_52] : memref<10240x128xf32, #tpu.memory_space<vmem_shared>> -> memref<128x128xf32, #tpu.memory_space<vmem_shared>>
      tpu.wait_dma2 semaphore(%run_scoped3A_46 : memref<!tpu.dma_semaphore, #tpu.memory_space<semaphore_mem>>) src(%dma_wait3A_53 : memref<128x128xf32, #tpu.memory_space<vmem_shared>>) dst(%arg11 : memref<128x128xf32, #tpu.memory_space<vmem>>)
      tpu.yield
    }) : () -> ()
    %add3A_44 = arith.constant 512 : i32
    %add3A_45 = arith.addi %mul3A_2, %add3A_44 : i32
    "tpu.region"() ({
      %run_scoped3A_46 = tpu.sem_alloc : memref<!tpu.dma_semaphore, #tpu.memory_space<semaphore_mem>>
      %dma_start3A_47 = arith.constant 0 : i32
      %dma_start3A_48 = arith.constant 0 : i32
      %dma_start3A_49 = tpu.memref_slice %arg6[%arg0, %dma_start3A_47, %dma_start3A_48] : memref<2x10240x128xf32, #tpu.memory_space<hbm>> -> memref<1x10240x128xf32, #tpu.memory_space<hbm>>
      %dma_start3A_50 = tpu.memref_squeeze %dma_start3A_49 : memref<1x10240x128xf32, #tpu.memory_space<hbm>> -> memref<10240x128xf32, #tpu.memory_space<hbm>>
      %dma_start3A_51 = arith.constant 0 : i32
      %dma_start3A_52 = tpu.memref_slice %dma_start3A_50[%add3A_45, %dma_start3A_51] : memref<10240x128xf32, #tpu.memory_space<hbm>> -> memref<128x128xf32, #tpu.memory_space<hbm>>
      %dma_start3A_53 = arith.constant 0 : i32
      %dma_start3A_54 = arith.constant 0 : i32
      %dma_start3A_55 = tpu.memref_slice %arg6[%arg0, %dma_start3A_53, %dma_start3A_54] : memref<2x10240x128xf32, #tpu.memory_space<hbm>> -> memref<1x10240x128xf32, #tpu.memory_space<hbm>>
      %dma_start3A_56 = tpu.memref_squeeze %dma_start3A_55 : memref<1x10240x128xf32, #tpu.memory_space<hbm>> -> memref<10240x128xf32, #tpu.memory_space<hbm>>
      %dma_start3A_57 = arith.constant 0 : i32
      %dma_start3A_58 = tpu.memref_slice %dma_start3A_56[%add3A_45, %dma_start3A_57] : memref<10240x128xf32, #tpu.memory_space<hbm>> -> memref<128x128xf32, #tpu.memory_space<hbm>>
      tpu.enqueue_dma source(%arg11 : memref<128x128xf32, #tpu.memory_space<vmem>>) target(%dma_start3A_58 : memref<128x128xf32, #tpu.memory_space<hbm>>) target_semaphore(%run_scoped3A_46 : memref<!tpu.dma_semaphore, #tpu.memory_space<semaphore_mem>>)
      %dma_wait3A = arith.constant 0 : i32
      %dma_wait3A_59 = arith.constant 0 : i32
      %dma_wait3A_60 = tpu.memref_slice %arg6[%arg0, %dma_wait3A, %dma_wait3A_59] : memref<2x10240x128xf32, #tpu.memory_space<hbm>> -> memref<1x10240x128xf32, #tpu.memory_space<hbm>>
      %dma_wait3A_61 = tpu.memref_squeeze %dma_wait3A_60 : memref<1x10240x128xf32, #tpu.memory_space<hbm>> -> memref<10240x128xf32, #tpu.memory_space<hbm>>
      %dma_wait3A_62 = arith.constant 0 : i32
      %dma_wait3A_63 = tpu.memref_slice %dma_wait3A_61[%add3A_45, %dma_wait3A_62] : memref<10240x128xf32, #tpu.memory_space<hbm>> -> memref<128x128xf32, #tpu.memory_space<hbm>>
      %dma_wait3A_64 = arith.constant 0 : i32
      %dma_wait3A_65 = arith.constant 0 : i32
      %dma_wait3A_66 = tpu.memref_slice %arg6[%arg0, %dma_wait3A_64, %dma_wait3A_65] : memref<2x10240x128xf32, #tpu.memory_space<hbm>> -> memref<1x10240x128xf32, #tpu.memory_space<hbm>>
      %dma_wait3A_67 = tpu.memref_squeeze %dma_wait3A_66 : memref<1x10240x128xf32, #tpu.memory_space<hbm>> -> memref<10240x128xf32, #tpu.memory_space<hbm>>
      %dma_wait3A_68 = arith.constant 0 : i32
      %dma_wait3A_69 = tpu.memref_slice %dma_wait3A_67[%add3A_45, %dma_wait3A_68] : memref<10240x128xf32, #tpu.memory_space<hbm>> -> memref<128x128xf32, #tpu.memory_space<hbm>>
      tpu.wait_dma2 semaphore(%run_scoped3A_46 : memref<!tpu.dma_semaphore, #tpu.memory_space<semaphore_mem>>) src(%arg11 : memref<128x128xf32, #tpu.memory_space<vmem>>) dst(%dma_wait3A_69 : memref<128x128xf32, #tpu.memory_space<hbm>>)
      tpu.yield
    }) : () -> ()
    return
  }
}

#map = affine_map<(d0, d1) -> (0)>
#map1 = affine_map<(d0, d1) -> (0, 0)>
#map2 = affine_map<(d0, d1) -> (0, 0, 0)>
module attributes {stable_mosaic.version = 14 : i64} {
  func.func @body(%arg0: i32, %arg1: i32, %arg2: memref<327680xi32, #tpu.memory_space<hbm>>, %arg3: memref<128x128xf32, #tpu.memory_space<hbm>>, %arg4: memref<128x128xf32, #tpu.memory_space<hbm>>, %arg5: memref<2x10240x128xf32, #tpu.memory_space<hbm>>, %arg6: memref<1x128xi32, #tpu.memory_space<vmem>>, %arg7: memref<128x128xf32, #tpu.memory_space<vmem>>, %arg8: memref<10240x128xf32, #tpu.memory_space<vmem_shared>>, %arg9: memref<!tpu.dma_semaphore, #tpu.memory_space<semaphore_mem>>) attributes {dimension_semantics = [#tpu.dimension_semantics<core_parallel>, #tpu.dimension_semantics<subcore_parallel>], iteration_bounds = array<i64: 2, 16>, scalar_prefetch = 0 : i64, scratch_operands = 4 : i64, tpu.core_type = #tpu.core_type<sc_vector_subcore>, window_params = [{transform_indices = #map}, {transform_indices = #map1}, {transform_indices = #map1}, {transform_indices = #map2}]} {
    %mul3A = arith.constant 16 : i32
    %mul3A_0 = arith.muli %arg0, %mul3A : i32
    %add3A = arith.addi %mul3A_0, %arg1 : i32
    %mul3A_1 = arith.constant 640 : i32
    %mul3A_2 = arith.muli %arg1, %mul3A_1 : i32
    %mul3A_3 = arith.constant 10240 : i32
    %mul3A_4 = arith.muli %add3A, %mul3A_3 : i32
    "tpu.region"() ({
      %run_scoped3A = tpu.sem_alloc : memref<!tpu.dma_semaphore, #tpu.memory_space<semaphore_mem>>
      tpu.enqueue_dma source(%arg3 : memref<128x128xf32, #tpu.memory_space<hbm>>) target(%arg7 : memref<128x128xf32, #tpu.memory_space<vmem>>) target_semaphore(%run_scoped3A : memref<!tpu.dma_semaphore, #tpu.memory_space<semaphore_mem>>)
      tpu.wait_dma2 semaphore(%run_scoped3A : memref<!tpu.dma_semaphore, #tpu.memory_space<semaphore_mem>>) src(%arg3 : memref<128x128xf32, #tpu.memory_space<hbm>>) dst(%arg7 : memref<128x128xf32, #tpu.memory_space<vmem>>)
      tpu.yield
    }) : () -> ()
    %add3A_5 = arith.constant 0 : i32
    %add3A_6 = arith.addi %mul3A_2, %add3A_5 : i32
    "tpu.region"() ({
      %run_scoped3A = tpu.sem_alloc : memref<!tpu.dma_semaphore, #tpu.memory_space<semaphore_mem>>
      %dma_start3A = arith.constant 0 : i32
      %dma_start3A_40 = tpu.memref_slice %arg8[%add3A_6, %dma_start3A] : memref<10240x128xf32, #tpu.memory_space<vmem_shared>> -> memref<128x128xf32, #tpu.memory_space<vmem_shared>>
      %dma_start3A_41 = arith.constant 0 : i32
      %dma_start3A_42 = tpu.memref_slice %arg8[%add3A_6, %dma_start3A_41] : memref<10240x128xf32, #tpu.memory_space<vmem_shared>> -> memref<128x128xf32, #tpu.memory_space<vmem_shared>>
      tpu.enqueue_dma source(%arg7 : memref<128x128xf32, #tpu.memory_space<vmem>>) target(%dma_start3A_42 : memref<128x128xf32, #tpu.memory_space<vmem_shared>>) target_semaphore(%run_scoped3A : memref<!tpu.dma_semaphore, #tpu.memory_space<semaphore_mem>>)
      %dma_wait3A = arith.constant 0 : i32
      %dma_wait3A_43 = tpu.memref_slice %arg8[%add3A_6, %dma_wait3A] : memref<10240x128xf32, #tpu.memory_space<vmem_shared>> -> memref<128x128xf32, #tpu.memory_space<vmem_shared>>
      %dma_wait3A_44 = arith.constant 0 : i32
      %dma_wait3A_45 = tpu.memref_slice %arg8[%add3A_6, %dma_wait3A_44] : memref<10240x128xf32, #tpu.memory_space<vmem_shared>> -> memref<128x128xf32, #tpu.memory_space<vmem_shared>>
      tpu.wait_dma2 semaphore(%run_scoped3A : memref<!tpu.dma_semaphore, #tpu.memory_space<semaphore_mem>>) src(%arg7 : memref<128x128xf32, #tpu.memory_space<vmem>>) dst(%dma_wait3A_45 : memref<128x128xf32, #tpu.memory_space<vmem_shared>>)
      tpu.yield
    }) : () -> ()
    %add3A_7 = arith.constant 128 : i32
    %add3A_8 = arith.addi %mul3A_2, %add3A_7 : i32
    "tpu.region"() ({
      %run_scoped3A = tpu.sem_alloc : memref<!tpu.dma_semaphore, #tpu.memory_space<semaphore_mem>>
      %dma_start3A = arith.constant 0 : i32
      %dma_start3A_40 = tpu.memref_slice %arg8[%add3A_8, %dma_start3A] : memref<10240x128xf32, #tpu.memory_space<vmem_shared>> -> memref<128x128xf32, #tpu.memory_space<vmem_shared>>
      %dma_start3A_41 = arith.constant 0 : i32
      %dma_start3A_42 = tpu.memref_slice %arg8[%add3A_8, %dma_start3A_41] : memref<10240x128xf32, #tpu.memory_space<vmem_shared>> -> memref<128x128xf32, #tpu.memory_space<vmem_shared>>
      tpu.enqueue_dma source(%arg7 : memref<128x128xf32, #tpu.memory_space<vmem>>) target(%dma_start3A_42 : memref<128x128xf32, #tpu.memory_space<vmem_shared>>) target_semaphore(%run_scoped3A : memref<!tpu.dma_semaphore, #tpu.memory_space<semaphore_mem>>)
      %dma_wait3A = arith.constant 0 : i32
      %dma_wait3A_43 = tpu.memref_slice %arg8[%add3A_8, %dma_wait3A] : memref<10240x128xf32, #tpu.memory_space<vmem_shared>> -> memref<128x128xf32, #tpu.memory_space<vmem_shared>>
      %dma_wait3A_44 = arith.constant 0 : i32
      %dma_wait3A_45 = tpu.memref_slice %arg8[%add3A_8, %dma_wait3A_44] : memref<10240x128xf32, #tpu.memory_space<vmem_shared>> -> memref<128x128xf32, #tpu.memory_space<vmem_shared>>
      tpu.wait_dma2 semaphore(%run_scoped3A : memref<!tpu.dma_semaphore, #tpu.memory_space<semaphore_mem>>) src(%arg7 : memref<128x128xf32, #tpu.memory_space<vmem>>) dst(%dma_wait3A_45 : memref<128x128xf32, #tpu.memory_space<vmem_shared>>)
      tpu.yield
    }) : () -> ()
    %add3A_9 = arith.constant 256 : i32
    %add3A_10 = arith.addi %mul3A_2, %add3A_9 : i32
    "tpu.region"() ({
      %run_scoped3A = tpu.sem_alloc : memref<!tpu.dma_semaphore, #tpu.memory_space<semaphore_mem>>
      %dma_start3A = arith.constant 0 : i32
      %dma_start3A_40 = tpu.memref_slice %arg8[%add3A_10, %dma_start3A] : memref<10240x128xf32, #tpu.memory_space<vmem_shared>> -> memref<128x128xf32, #tpu.memory_space<vmem_shared>>
      %dma_start3A_41 = arith.constant 0 : i32
      %dma_start3A_42 = tpu.memref_slice %arg8[%add3A_10, %dma_start3A_41] : memref<10240x128xf32, #tpu.memory_space<vmem_shared>> -> memref<128x128xf32, #tpu.memory_space<vmem_shared>>
      tpu.enqueue_dma source(%arg7 : memref<128x128xf32, #tpu.memory_space<vmem>>) target(%dma_start3A_42 : memref<128x128xf32, #tpu.memory_space<vmem_shared>>) target_semaphore(%run_scoped3A : memref<!tpu.dma_semaphore, #tpu.memory_space<semaphore_mem>>)
      %dma_wait3A = arith.constant 0 : i32
      %dma_wait3A_43 = tpu.memref_slice %arg8[%add3A_10, %dma_wait3A] : memref<10240x128xf32, #tpu.memory_space<vmem_shared>> -> memref<128x128xf32, #tpu.memory_space<vmem_shared>>
      %dma_wait3A_44 = arith.constant 0 : i32
      %dma_wait3A_45 = tpu.memref_slice %arg8[%add3A_10, %dma_wait3A_44] : memref<10240x128xf32, #tpu.memory_space<vmem_shared>> -> memref<128x128xf32, #tpu.memory_space<vmem_shared>>
      tpu.wait_dma2 semaphore(%run_scoped3A : memref<!tpu.dma_semaphore, #tpu.memory_space<semaphore_mem>>) src(%arg7 : memref<128x128xf32, #tpu.memory_space<vmem>>) dst(%dma_wait3A_45 : memref<128x128xf32, #tpu.memory_space<vmem_shared>>)
      tpu.yield
    }) : () -> ()
    %add3A_11 = arith.constant 384 : i32
    %add3A_12 = arith.addi %mul3A_2, %add3A_11 : i32
    "tpu.region"() ({
      %run_scoped3A = tpu.sem_alloc : memref<!tpu.dma_semaphore, #tpu.memory_space<semaphore_mem>>
      %dma_start3A = arith.constant 0 : i32
      %dma_start3A_40 = tpu.memref_slice %arg8[%add3A_12, %dma_start3A] : memref<10240x128xf32, #tpu.memory_space<vmem_shared>> -> memref<128x128xf32, #tpu.memory_space<vmem_shared>>
      %dma_start3A_41 = arith.constant 0 : i32
      %dma_start3A_42 = tpu.memref_slice %arg8[%add3A_12, %dma_start3A_41] : memref<10240x128xf32, #tpu.memory_space<vmem_shared>> -> memref<128x128xf32, #tpu.memory_space<vmem_shared>>
      tpu.enqueue_dma source(%arg7 : memref<128x128xf32, #tpu.memory_space<vmem>>) target(%dma_start3A_42 : memref<128x128xf32, #tpu.memory_space<vmem_shared>>) target_semaphore(%run_scoped3A : memref<!tpu.dma_semaphore, #tpu.memory_space<semaphore_mem>>)
      %dma_wait3A = arith.constant 0 : i32
      %dma_wait3A_43 = tpu.memref_slice %arg8[%add3A_12, %dma_wait3A] : memref<10240x128xf32, #tpu.memory_space<vmem_shared>> -> memref<128x128xf32, #tpu.memory_space<vmem_shared>>
      %dma_wait3A_44 = arith.constant 0 : i32
      %dma_wait3A_45 = tpu.memref_slice %arg8[%add3A_12, %dma_wait3A_44] : memref<10240x128xf32, #tpu.memory_space<vmem_shared>> -> memref<128x128xf32, #tpu.memory_space<vmem_shared>>
      tpu.wait_dma2 semaphore(%run_scoped3A : memref<!tpu.dma_semaphore, #tpu.memory_space<semaphore_mem>>) src(%arg7 : memref<128x128xf32, #tpu.memory_space<vmem>>) dst(%dma_wait3A_45 : memref<128x128xf32, #tpu.memory_space<vmem_shared>>)
      tpu.yield
    }) : () -> ()
    %add3A_13 = arith.constant 512 : i32
    %add3A_14 = arith.addi %mul3A_2, %add3A_13 : i32
    "tpu.region"() ({
      %run_scoped3A = tpu.sem_alloc : memref<!tpu.dma_semaphore, #tpu.memory_space<semaphore_mem>>
      %dma_start3A = arith.constant 0 : i32
      %dma_start3A_40 = tpu.memref_slice %arg8[%add3A_14, %dma_start3A] : memref<10240x128xf32, #tpu.memory_space<vmem_shared>> -> memref<128x128xf32, #tpu.memory_space<vmem_shared>>
      %dma_start3A_41 = arith.constant 0 : i32
      %dma_start3A_42 = tpu.memref_slice %arg8[%add3A_14, %dma_start3A_41] : memref<10240x128xf32, #tpu.memory_space<vmem_shared>> -> memref<128x128xf32, #tpu.memory_space<vmem_shared>>
      tpu.enqueue_dma source(%arg7 : memref<128x128xf32, #tpu.memory_space<vmem>>) target(%dma_start3A_42 : memref<128x128xf32, #tpu.memory_space<vmem_shared>>) target_semaphore(%run_scoped3A : memref<!tpu.dma_semaphore, #tpu.memory_space<semaphore_mem>>)
      %dma_wait3A = arith.constant 0 : i32
      %dma_wait3A_43 = tpu.memref_slice %arg8[%add3A_14, %dma_wait3A] : memref<10240x128xf32, #tpu.memory_space<vmem_shared>> -> memref<128x128xf32, #tpu.memory_space<vmem_shared>>
      %dma_wait3A_44 = arith.constant 0 : i32
      %dma_wait3A_45 = tpu.memref_slice %arg8[%add3A_14, %dma_wait3A_44] : memref<10240x128xf32, #tpu.memory_space<vmem_shared>> -> memref<128x128xf32, #tpu.memory_space<vmem_shared>>
      tpu.wait_dma2 semaphore(%run_scoped3A : memref<!tpu.dma_semaphore, #tpu.memory_space<semaphore_mem>>) src(%arg7 : memref<128x128xf32, #tpu.memory_space<vmem>>) dst(%dma_wait3A_45 : memref<128x128xf32, #tpu.memory_space<vmem_shared>>)
      tpu.yield
    }) : () -> ()
    "tpu.region"() ({
      %run_scoped3A = tpu.sem_alloc : memref<!tpu.dma_semaphore, #tpu.memory_space<semaphore_mem>>
      tpu.enqueue_dma source(%arg4 : memref<128x128xf32, #tpu.memory_space<hbm>>) target(%arg7 : memref<128x128xf32, #tpu.memory_space<vmem>>) target_semaphore(%run_scoped3A : memref<!tpu.dma_semaphore, #tpu.memory_space<semaphore_mem>>)
      tpu.wait_dma2 semaphore(%run_scoped3A : memref<!tpu.dma_semaphore, #tpu.memory_space<semaphore_mem>>) src(%arg4 : memref<128x128xf32, #tpu.memory_space<hbm>>) dst(%arg7 : memref<128x128xf32, #tpu.memory_space<vmem>>)
      tpu.yield
    }) : () -> ()
    %barrier3A = arith.constant 0 : index
    tpu.barrier barrier_id(%barrier3A)
    %scan3A = arith.constant 0 : i32
    %scan3A_15 = arith.constant 80 : i32
    %scan3A_16 = arith.addi %scan3A, %scan3A_15 : i32
    %scan3A_17 = arith.constant 1 : i32
    scf.for %scan3A_40 = %scan3A to %scan3A_16 step %scan3A_17  : i32 {
      %mul3A_41 = arith.constant 1 : i32
      %mul3A_42 = arith.muli %scan3A_40, %mul3A_41 : i32
      %add3A_43 = arith.constant 0 : i32
      %add3A_44 = arith.addi %add3A_43, %mul3A_42 : i32
      %mul3A_45 = arith.constant 128 : i32
      %mul3A_46 = arith.muli %add3A_44, %mul3A_45 : i32
      %add3A_47 = arith.addi %mul3A_4, %mul3A_46 : i32
      %run_scoped3A = arith.constant 0 : i32
      "tpu.region"() ({
        %run_scoped3A_49 = tpu.sem_alloc : memref<!tpu.dma_semaphore, #tpu.memory_space<semaphore_mem>>
        %dma_start3A = arith.constant 0 : i32
        %dma_start3A_50 = tpu.memref_slice %arg6[%run_scoped3A, %dma_start3A] : memref<1x128xi32, #tpu.memory_space<vmem>> -> memref<1x128xi32, #tpu.memory_space<vmem>>
        %dma_start3A_51 = tpu.memref_squeeze %dma_start3A_50 : memref<1x128xi32, #tpu.memory_space<vmem>> -> memref<128xi32, #tpu.memory_space<vmem>>
        %dma_start3A_52 = tpu.memref_slice %arg2[%add3A_47] : memref<327680xi32, #tpu.memory_space<hbm>> -> memref<128xi32, #tpu.memory_space<hbm>>
        %dma_start3A_53 = arith.constant 0 : i32
        %dma_start3A_54 = tpu.memref_slice %arg6[%run_scoped3A, %dma_start3A_53] : memref<1x128xi32, #tpu.memory_space<vmem>> -> memref<1x128xi32, #tpu.memory_space<vmem>>
        %dma_start3A_55 = tpu.memref_squeeze %dma_start3A_54 : memref<1x128xi32, #tpu.memory_space<vmem>> -> memref<128xi32, #tpu.memory_space<vmem>>
        %dma_start3A_56 = tpu.memref_slice %arg2[%add3A_47] : memref<327680xi32, #tpu.memory_space<hbm>> -> memref<128xi32, #tpu.memory_space<hbm>>
        tpu.enqueue_dma source(%dma_start3A_56 : memref<128xi32, #tpu.memory_space<hbm>>) target(%dma_start3A_55 : memref<128xi32, #tpu.memory_space<vmem>>) target_semaphore(%run_scoped3A_49 : memref<!tpu.dma_semaphore, #tpu.memory_space<semaphore_mem>>)
        %dma_wait3A = arith.constant 0 : i32
        %dma_wait3A_57 = tpu.memref_slice %arg6[%run_scoped3A, %dma_wait3A] : memref<1x128xi32, #tpu.memory_space<vmem>> -> memref<1x128xi32, #tpu.memory_space<vmem>>
        %dma_wait3A_58 = tpu.memref_squeeze %dma_wait3A_57 : memref<1x128xi32, #tpu.memory_space<vmem>> -> memref<128xi32, #tpu.memory_space<vmem>>
        %dma_wait3A_59 = tpu.memref_slice %arg2[%add3A_47] : memref<327680xi32, #tpu.memory_space<hbm>> -> memref<128xi32, #tpu.memory_space<hbm>>
        %dma_wait3A_60 = arith.constant 0 : i32
        %dma_wait3A_61 = tpu.memref_slice %arg6[%run_scoped3A, %dma_wait3A_60] : memref<1x128xi32, #tpu.memory_space<vmem>> -> memref<1x128xi32, #tpu.memory_space<vmem>>
        %dma_wait3A_62 = tpu.memref_squeeze %dma_wait3A_61 : memref<1x128xi32, #tpu.memory_space<vmem>> -> memref<128xi32, #tpu.memory_space<vmem>>
        %dma_wait3A_63 = tpu.memref_slice %arg2[%add3A_47] : memref<327680xi32, #tpu.memory_space<hbm>> -> memref<128xi32, #tpu.memory_space<hbm>>
        tpu.wait_dma2 semaphore(%run_scoped3A_49 : memref<!tpu.dma_semaphore, #tpu.memory_space<semaphore_mem>>) src(%dma_wait3A_63 : memref<128xi32, #tpu.memory_space<hbm>>) dst(%dma_wait3A_62 : memref<128xi32, #tpu.memory_space<vmem>>)
        tpu.yield
      }) : () -> ()
      %run_scoped3A_48 = arith.constant 0 : i32
      "tpu.region"() ({
        %run_scoped3A_49 = tpu.sem_alloc : memref<!tpu.dma_semaphore, #tpu.memory_space<semaphore_mem>>
        %dma_start3A = arith.constant 0 : i32
        %dma_start3A_50 = tpu.memref_slice %arg6[%run_scoped3A_48, %dma_start3A] : memref<1x128xi32, #tpu.memory_space<vmem>> -> memref<1x128xi32, #tpu.memory_space<vmem>>
        %dma_start3A_51 = tpu.memref_squeeze %dma_start3A_50 : memref<1x128xi32, #tpu.memory_space<vmem>> -> memref<128xi32, #tpu.memory_space<vmem>>
        %dma_start3A_52 = arith.constant 0 : i32
        %dma_start3A_53 = arith.constant 0 : i32
        %dma_start3A_54 = tpu.memref_slice %arg8[%dma_start3A_52, %dma_start3A_53] : memref<10240x128xf32, #tpu.memory_space<vmem_shared>> -> memref<10240x128xf32, #tpu.memory_space<vmem_shared>>
        tpu.enqueue_indirect_dma source(%arg7 : memref<128x128xf32, #tpu.memory_space<vmem>>) target(%dma_start3A_54 : memref<10240x128xf32, #tpu.memory_space<vmem_shared>>) offsets(%dma_start3A_51 : memref<128xi32, #tpu.memory_space<vmem>>) semaphore(%run_scoped3A_49 : memref<!tpu.dma_semaphore, #tpu.memory_space<semaphore_mem>>) {add = true}
        %dma_wait3A = arith.constant 0 : i32
        %dma_wait3A_55 = tpu.memref_slice %arg6[%run_scoped3A_48, %dma_wait3A] : memref<1x128xi32, #tpu.memory_space<vmem>> -> memref<1x128xi32, #tpu.memory_space<vmem>>
        %dma_wait3A_56 = tpu.memref_squeeze %dma_wait3A_55 : memref<1x128xi32, #tpu.memory_space<vmem>> -> memref<128xi32, #tpu.memory_space<vmem>>
        %dma_wait3A_57 = arith.constant 0 : i32
        %dma_wait3A_58 = arith.constant 0 : i32
        %dma_wait3A_59 = tpu.memref_slice %arg8[%dma_wait3A_57, %dma_wait3A_58] : memref<10240x128xf32, #tpu.memory_space<vmem_shared>> -> memref<10240x128xf32, #tpu.memory_space<vmem_shared>>
        tpu.wait_indirect_dma semaphore(%run_scoped3A_49 : memref<!tpu.dma_semaphore, #tpu.memory_space<semaphore_mem>>) src(%arg7 : memref<128x128xf32, #tpu.memory_space<vmem>>) dst(%dma_wait3A_59 : memref<10240x128xf32, #tpu.memory_space<vmem_shared>>)
        tpu.yield
      }) : () -> ()
    }
    %scan3A_18 = arith.constant 80 : i32
    %barrier3A_19 = arith.constant 0 : index
    tpu.barrier barrier_id(%barrier3A_19)
    %add3A_20 = arith.constant 0 : i32
    %add3A_21 = arith.addi %mul3A_2, %add3A_20 : i32
    "tpu.region"() ({
      %run_scoped3A = tpu.sem_alloc : memref<!tpu.dma_semaphore, #tpu.memory_space<semaphore_mem>>
      %dma_start3A = arith.constant 0 : i32
      %dma_start3A_40 = tpu.memref_slice %arg8[%add3A_21, %dma_start3A] : memref<10240x128xf32, #tpu.memory_space<vmem_shared>> -> memref<128x128xf32, #tpu.memory_space<vmem_shared>>
      %dma_start3A_41 = arith.constant 0 : i32
      %dma_start3A_42 = tpu.memref_slice %arg8[%add3A_21, %dma_start3A_41] : memref<10240x128xf32, #tpu.memory_space<vmem_shared>> -> memref<128x128xf32, #tpu.memory_space<vmem_shared>>
      tpu.enqueue_dma source(%dma_start3A_42 : memref<128x128xf32, #tpu.memory_space<vmem_shared>>) target(%arg7 : memref<128x128xf32, #tpu.memory_space<vmem>>) target_semaphore(%run_scoped3A : memref<!tpu.dma_semaphore, #tpu.memory_space<semaphore_mem>>)
      %dma_wait3A = arith.constant 0 : i32
      %dma_wait3A_43 = tpu.memref_slice %arg8[%add3A_21, %dma_wait3A] : memref<10240x128xf32, #tpu.memory_space<vmem_shared>> -> memref<128x128xf32, #tpu.memory_space<vmem_shared>>
      %dma_wait3A_44 = arith.constant 0 : i32
      %dma_wait3A_45 = tpu.memref_slice %arg8[%add3A_21, %dma_wait3A_44] : memref<10240x128xf32, #tpu.memory_space<vmem_shared>> -> memref<128x128xf32, #tpu.memory_space<vmem_shared>>
      tpu.wait_dma2 semaphore(%run_scoped3A : memref<!tpu.dma_semaphore, #tpu.memory_space<semaphore_mem>>) src(%dma_wait3A_45 : memref<128x128xf32, #tpu.memory_space<vmem_shared>>) dst(%arg7 : memref<128x128xf32, #tpu.memory_space<vmem>>)
      tpu.yield
    }) : () -> ()
    %add3A_22 = arith.constant 0 : i32
    %add3A_23 = arith.addi %mul3A_2, %add3A_22 : i32
    "tpu.region"() ({
      %run_scoped3A = tpu.sem_alloc : memref<!tpu.dma_semaphore, #tpu.memory_space<semaphore_mem>>
      %dma_start3A = arith.constant 0 : i32
      %dma_start3A_40 = arith.constant 0 : i32
      %dma_start3A_41 = tpu.memref_slice %arg5[%arg0, %dma_start3A, %dma_start3A_40] : memref<2x10240x128xf32, #tpu.memory_space<hbm>> -> memref<1x10240x128xf32, #tpu.memory_space<hbm>>
      %dma_start3A_42 = tpu.memref_squeeze %dma_start3A_41 : memref<1x10240x128xf32, #tpu.memory_space<hbm>> -> memref<10240x128xf32, #tpu.memory_space<hbm>>
      %dma_start3A_43 = arith.constant 0 : i32
      %dma_start3A_44 = tpu.memref_slice %dma_start3A_42[%add3A_23, %dma_start3A_43] : memref<10240x128xf32, #tpu.memory_space<hbm>> -> memref<128x128xf32, #tpu.memory_space<hbm>>
      %dma_start3A_45 = arith.constant 0 : i32
      %dma_start3A_46 = arith.constant 0 : i32
      %dma_start3A_47 = tpu.memref_slice %arg5[%arg0, %dma_start3A_45, %dma_start3A_46] : memref<2x10240x128xf32, #tpu.memory_space<hbm>> -> memref<1x10240x128xf32, #tpu.memory_space<hbm>>
      %dma_start3A_48 = tpu.memref_squeeze %dma_start3A_47 : memref<1x10240x128xf32, #tpu.memory_space<hbm>> -> memref<10240x128xf32, #tpu.memory_space<hbm>>
      %dma_start3A_49 = arith.constant 0 : i32
      %dma_start3A_50 = tpu.memref_slice %dma_start3A_48[%add3A_23, %dma_start3A_49] : memref<10240x128xf32, #tpu.memory_space<hbm>> -> memref<128x128xf32, #tpu.memory_space<hbm>>
      tpu.enqueue_dma source(%arg7 : memref<128x128xf32, #tpu.memory_space<vmem>>) target(%dma_start3A_50 : memref<128x128xf32, #tpu.memory_space<hbm>>) target_semaphore(%run_scoped3A : memref<!tpu.dma_semaphore, #tpu.memory_space<semaphore_mem>>)
      %dma_wait3A = arith.constant 0 : i32
      %dma_wait3A_51 = arith.constant 0 : i32
      %dma_wait3A_52 = tpu.memref_slice %arg5[%arg0, %dma_wait3A, %dma_wait3A_51] : memref<2x10240x128xf32, #tpu.memory_space<hbm>> -> memref<1x10240x128xf32, #tpu.memory_space<hbm>>
      %dma_wait3A_53 = tpu.memref_squeeze %dma_wait3A_52 : memref<1x10240x128xf32, #tpu.memory_space<hbm>> -> memref<10240x128xf32, #tpu.memory_space<hbm>>
      %dma_wait3A_54 = arith.constant 0 : i32
      %dma_wait3A_55 = tpu.memref_slice %dma_wait3A_53[%add3A_23, %dma_wait3A_54] : memref<10240x128xf32, #tpu.memory_space<hbm>> -> memref<128x128xf32, #tpu.memory_space<hbm>>
      %dma_wait3A_56 = arith.constant 0 : i32
      %dma_wait3A_57 = arith.constant 0 : i32
      %dma_wait3A_58 = tpu.memref_slice %arg5[%arg0, %dma_wait3A_56, %dma_wait3A_57] : memref<2x10240x128xf32, #tpu.memory_space<hbm>> -> memref<1x10240x128xf32, #tpu.memory_space<hbm>>
      %dma_wait3A_59 = tpu.memref_squeeze %dma_wait3A_58 : memref<1x10240x128xf32, #tpu.memory_space<hbm>> -> memref<10240x128xf32, #tpu.memory_space<hbm>>
      %dma_wait3A_60 = arith.constant 0 : i32
      %dma_wait3A_61 = tpu.memref_slice %dma_wait3A_59[%add3A_23, %dma_wait3A_60] : memref<10240x128xf32, #tpu.memory_space<hbm>> -> memref<128x128xf32, #tpu.memory_space<hbm>>
      tpu.wait_dma2 semaphore(%run_scoped3A : memref<!tpu.dma_semaphore, #tpu.memory_space<semaphore_mem>>) src(%arg7 : memref<128x128xf32, #tpu.memory_space<vmem>>) dst(%dma_wait3A_61 : memref<128x128xf32, #tpu.memory_space<hbm>>)
      tpu.yield
    }) : () -> ()
    %add3A_24 = arith.constant 128 : i32
    %add3A_25 = arith.addi %mul3A_2, %add3A_24 : i32
    "tpu.region"() ({
      %run_scoped3A = tpu.sem_alloc : memref<!tpu.dma_semaphore, #tpu.memory_space<semaphore_mem>>
      %dma_start3A = arith.constant 0 : i32
      %dma_start3A_40 = tpu.memref_slice %arg8[%add3A_25, %dma_start3A] : memref<10240x128xf32, #tpu.memory_space<vmem_shared>> -> memref<128x128xf32, #tpu.memory_space<vmem_shared>>
      %dma_start3A_41 = arith.constant 0 : i32
      %dma_start3A_42 = tpu.memref_slice %arg8[%add3A_25, %dma_start3A_41] : memref<10240x128xf32, #tpu.memory_space<vmem_shared>> -> memref<128x128xf32, #tpu.memory_space<vmem_shared>>
      tpu.enqueue_dma source(%dma_start3A_42 : memref<128x128xf32, #tpu.memory_space<vmem_shared>>) target(%arg7 : memref<128x128xf32, #tpu.memory_space<vmem>>) target_semaphore(%run_scoped3A : memref<!tpu.dma_semaphore, #tpu.memory_space<semaphore_mem>>)
      %dma_wait3A = arith.constant 0 : i32
      %dma_wait3A_43 = tpu.memref_slice %arg8[%add3A_25, %dma_wait3A] : memref<10240x128xf32, #tpu.memory_space<vmem_shared>> -> memref<128x128xf32, #tpu.memory_space<vmem_shared>>
      %dma_wait3A_44 = arith.constant 0 : i32
      %dma_wait3A_45 = tpu.memref_slice %arg8[%add3A_25, %dma_wait3A_44] : memref<10240x128xf32, #tpu.memory_space<vmem_shared>> -> memref<128x128xf32, #tpu.memory_space<vmem_shared>>
      tpu.wait_dma2 semaphore(%run_scoped3A : memref<!tpu.dma_semaphore, #tpu.memory_space<semaphore_mem>>) src(%dma_wait3A_45 : memref<128x128xf32, #tpu.memory_space<vmem_shared>>) dst(%arg7 : memref<128x128xf32, #tpu.memory_space<vmem>>)
      tpu.yield
    }) : () -> ()
    %add3A_26 = arith.constant 128 : i32
    %add3A_27 = arith.addi %mul3A_2, %add3A_26 : i32
    "tpu.region"() ({
      %run_scoped3A = tpu.sem_alloc : memref<!tpu.dma_semaphore, #tpu.memory_space<semaphore_mem>>
      %dma_start3A = arith.constant 0 : i32
      %dma_start3A_40 = arith.constant 0 : i32
      %dma_start3A_41 = tpu.memref_slice %arg5[%arg0, %dma_start3A, %dma_start3A_40] : memref<2x10240x128xf32, #tpu.memory_space<hbm>> -> memref<1x10240x128xf32, #tpu.memory_space<hbm>>
      %dma_start3A_42 = tpu.memref_squeeze %dma_start3A_41 : memref<1x10240x128xf32, #tpu.memory_space<hbm>> -> memref<10240x128xf32, #tpu.memory_space<hbm>>
      %dma_start3A_43 = arith.constant 0 : i32
      %dma_start3A_44 = tpu.memref_slice %dma_start3A_42[%add3A_27, %dma_start3A_43] : memref<10240x128xf32, #tpu.memory_space<hbm>> -> memref<128x128xf32, #tpu.memory_space<hbm>>
      %dma_start3A_45 = arith.constant 0 : i32
      %dma_start3A_46 = arith.constant 0 : i32
      %dma_start3A_47 = tpu.memref_slice %arg5[%arg0, %dma_start3A_45, %dma_start3A_46] : memref<2x10240x128xf32, #tpu.memory_space<hbm>> -> memref<1x10240x128xf32, #tpu.memory_space<hbm>>
      %dma_start3A_48 = tpu.memref_squeeze %dma_start3A_47 : memref<1x10240x128xf32, #tpu.memory_space<hbm>> -> memref<10240x128xf32, #tpu.memory_space<hbm>>
      %dma_start3A_49 = arith.constant 0 : i32
      %dma_start3A_50 = tpu.memref_slice %dma_start3A_48[%add3A_27, %dma_start3A_49] : memref<10240x128xf32, #tpu.memory_space<hbm>> -> memref<128x128xf32, #tpu.memory_space<hbm>>
      tpu.enqueue_dma source(%arg7 : memref<128x128xf32, #tpu.memory_space<vmem>>) target(%dma_start3A_50 : memref<128x128xf32, #tpu.memory_space<hbm>>) target_semaphore(%run_scoped3A : memref<!tpu.dma_semaphore, #tpu.memory_space<semaphore_mem>>)
      %dma_wait3A = arith.constant 0 : i32
      %dma_wait3A_51 = arith.constant 0 : i32
      %dma_wait3A_52 = tpu.memref_slice %arg5[%arg0, %dma_wait3A, %dma_wait3A_51] : memref<2x10240x128xf32, #tpu.memory_space<hbm>> -> memref<1x10240x128xf32, #tpu.memory_space<hbm>>
      %dma_wait3A_53 = tpu.memref_squeeze %dma_wait3A_52 : memref<1x10240x128xf32, #tpu.memory_space<hbm>> -> memref<10240x128xf32, #tpu.memory_space<hbm>>
      %dma_wait3A_54 = arith.constant 0 : i32
      %dma_wait3A_55 = tpu.memref_slice %dma_wait3A_53[%add3A_27, %dma_wait3A_54] : memref<10240x128xf32, #tpu.memory_space<hbm>> -> memref<128x128xf32, #tpu.memory_space<hbm>>
      %dma_wait3A_56 = arith.constant 0 : i32
      %dma_wait3A_57 = arith.constant 0 : i32
      %dma_wait3A_58 = tpu.memref_slice %arg5[%arg0, %dma_wait3A_56, %dma_wait3A_57] : memref<2x10240x128xf32, #tpu.memory_space<hbm>> -> memref<1x10240x128xf32, #tpu.memory_space<hbm>>
      %dma_wait3A_59 = tpu.memref_squeeze %dma_wait3A_58 : memref<1x10240x128xf32, #tpu.memory_space<hbm>> -> memref<10240x128xf32, #tpu.memory_space<hbm>>
      %dma_wait3A_60 = arith.constant 0 : i32
      %dma_wait3A_61 = tpu.memref_slice %dma_wait3A_59[%add3A_27, %dma_wait3A_60] : memref<10240x128xf32, #tpu.memory_space<hbm>> -> memref<128x128xf32, #tpu.memory_space<hbm>>
      tpu.wait_dma2 semaphore(%run_scoped3A : memref<!tpu.dma_semaphore, #tpu.memory_space<semaphore_mem>>) src(%arg7 : memref<128x128xf32, #tpu.memory_space<vmem>>) dst(%dma_wait3A_61 : memref<128x128xf32, #tpu.memory_space<hbm>>)
      tpu.yield
    }) : () -> ()
    %add3A_28 = arith.constant 256 : i32
    %add3A_29 = arith.addi %mul3A_2, %add3A_28 : i32
    "tpu.region"() ({
      %run_scoped3A = tpu.sem_alloc : memref<!tpu.dma_semaphore, #tpu.memory_space<semaphore_mem>>
      %dma_start3A = arith.constant 0 : i32
      %dma_start3A_40 = tpu.memref_slice %arg8[%add3A_29, %dma_start3A] : memref<10240x128xf32, #tpu.memory_space<vmem_shared>> -> memref<128x128xf32, #tpu.memory_space<vmem_shared>>
      %dma_start3A_41 = arith.constant 0 : i32
      %dma_start3A_42 = tpu.memref_slice %arg8[%add3A_29, %dma_start3A_41] : memref<10240x128xf32, #tpu.memory_space<vmem_shared>> -> memref<128x128xf32, #tpu.memory_space<vmem_shared>>
      tpu.enqueue_dma source(%dma_start3A_42 : memref<128x128xf32, #tpu.memory_space<vmem_shared>>) target(%arg7 : memref<128x128xf32, #tpu.memory_space<vmem>>) target_semaphore(%run_scoped3A : memref<!tpu.dma_semaphore, #tpu.memory_space<semaphore_mem>>)
      %dma_wait3A = arith.constant 0 : i32
      %dma_wait3A_43 = tpu.memref_slice %arg8[%add3A_29, %dma_wait3A] : memref<10240x128xf32, #tpu.memory_space<vmem_shared>> -> memref<128x128xf32, #tpu.memory_space<vmem_shared>>
      %dma_wait3A_44 = arith.constant 0 : i32
      %dma_wait3A_45 = tpu.memref_slice %arg8[%add3A_29, %dma_wait3A_44] : memref<10240x128xf32, #tpu.memory_space<vmem_shared>> -> memref<128x128xf32, #tpu.memory_space<vmem_shared>>
      tpu.wait_dma2 semaphore(%run_scoped3A : memref<!tpu.dma_semaphore, #tpu.memory_space<semaphore_mem>>) src(%dma_wait3A_45 : memref<128x128xf32, #tpu.memory_space<vmem_shared>>) dst(%arg7 : memref<128x128xf32, #tpu.memory_space<vmem>>)
      tpu.yield
    }) : () -> ()
    %add3A_30 = arith.constant 256 : i32
    %add3A_31 = arith.addi %mul3A_2, %add3A_30 : i32
    "tpu.region"() ({
      %run_scoped3A = tpu.sem_alloc : memref<!tpu.dma_semaphore, #tpu.memory_space<semaphore_mem>>
      %dma_start3A = arith.constant 0 : i32
      %dma_start3A_40 = arith.constant 0 : i32
      %dma_start3A_41 = tpu.memref_slice %arg5[%arg0, %dma_start3A, %dma_start3A_40] : memref<2x10240x128xf32, #tpu.memory_space<hbm>> -> memref<1x10240x128xf32, #tpu.memory_space<hbm>>
      %dma_start3A_42 = tpu.memref_squeeze %dma_start3A_41 : memref<1x10240x128xf32, #tpu.memory_space<hbm>> -> memref<10240x128xf32, #tpu.memory_space<hbm>>
      %dma_start3A_43 = arith.constant 0 : i32
      %dma_start3A_44 = tpu.memref_slice %dma_start3A_42[%add3A_31, %dma_start3A_43] : memref<10240x128xf32, #tpu.memory_space<hbm>> -> memref<128x128xf32, #tpu.memory_space<hbm>>
      %dma_start3A_45 = arith.constant 0 : i32
      %dma_start3A_46 = arith.constant 0 : i32
      %dma_start3A_47 = tpu.memref_slice %arg5[%arg0, %dma_start3A_45, %dma_start3A_46] : memref<2x10240x128xf32, #tpu.memory_space<hbm>> -> memref<1x10240x128xf32, #tpu.memory_space<hbm>>
      %dma_start3A_48 = tpu.memref_squeeze %dma_start3A_47 : memref<1x10240x128xf32, #tpu.memory_space<hbm>> -> memref<10240x128xf32, #tpu.memory_space<hbm>>
      %dma_start3A_49 = arith.constant 0 : i32
      %dma_start3A_50 = tpu.memref_slice %dma_start3A_48[%add3A_31, %dma_start3A_49] : memref<10240x128xf32, #tpu.memory_space<hbm>> -> memref<128x128xf32, #tpu.memory_space<hbm>>
      tpu.enqueue_dma source(%arg7 : memref<128x128xf32, #tpu.memory_space<vmem>>) target(%dma_start3A_50 : memref<128x128xf32, #tpu.memory_space<hbm>>) target_semaphore(%run_scoped3A : memref<!tpu.dma_semaphore, #tpu.memory_space<semaphore_mem>>)
      %dma_wait3A = arith.constant 0 : i32
      %dma_wait3A_51 = arith.constant 0 : i32
      %dma_wait3A_52 = tpu.memref_slice %arg5[%arg0, %dma_wait3A, %dma_wait3A_51] : memref<2x10240x128xf32, #tpu.memory_space<hbm>> -> memref<1x10240x128xf32, #tpu.memory_space<hbm>>
      %dma_wait3A_53 = tpu.memref_squeeze %dma_wait3A_52 : memref<1x10240x128xf32, #tpu.memory_space<hbm>> -> memref<10240x128xf32, #tpu.memory_space<hbm>>
      %dma_wait3A_54 = arith.constant 0 : i32
      %dma_wait3A_55 = tpu.memref_slice %dma_wait3A_53[%add3A_31, %dma_wait3A_54] : memref<10240x128xf32, #tpu.memory_space<hbm>> -> memref<128x128xf32, #tpu.memory_space<hbm>>
      %dma_wait3A_56 = arith.constant 0 : i32
      %dma_wait3A_57 = arith.constant 0 : i32
      %dma_wait3A_58 = tpu.memref_slice %arg5[%arg0, %dma_wait3A_56, %dma_wait3A_57] : memref<2x10240x128xf32, #tpu.memory_space<hbm>> -> memref<1x10240x128xf32, #tpu.memory_space<hbm>>
      %dma_wait3A_59 = tpu.memref_squeeze %dma_wait3A_58 : memref<1x10240x128xf32, #tpu.memory_space<hbm>> -> memref<10240x128xf32, #tpu.memory_space<hbm>>
      %dma_wait3A_60 = arith.constant 0 : i32
      %dma_wait3A_61 = tpu.memref_slice %dma_wait3A_59[%add3A_31, %dma_wait3A_60] : memref<10240x128xf32, #tpu.memory_space<hbm>> -> memref<128x128xf32, #tpu.memory_space<hbm>>
      tpu.wait_dma2 semaphore(%run_scoped3A : memref<!tpu.dma_semaphore, #tpu.memory_space<semaphore_mem>>) src(%arg7 : memref<128x128xf32, #tpu.memory_space<vmem>>) dst(%dma_wait3A_61 : memref<128x128xf32, #tpu.memory_space<hbm>>)
      tpu.yield
    }) : () -> ()
    %add3A_32 = arith.constant 384 : i32
    %add3A_33 = arith.addi %mul3A_2, %add3A_32 : i32
    "tpu.region"() ({
      %run_scoped3A = tpu.sem_alloc : memref<!tpu.dma_semaphore, #tpu.memory_space<semaphore_mem>>
      %dma_start3A = arith.constant 0 : i32
      %dma_start3A_40 = tpu.memref_slice %arg8[%add3A_33, %dma_start3A] : memref<10240x128xf32, #tpu.memory_space<vmem_shared>> -> memref<128x128xf32, #tpu.memory_space<vmem_shared>>
      %dma_start3A_41 = arith.constant 0 : i32
      %dma_start3A_42 = tpu.memref_slice %arg8[%add3A_33, %dma_start3A_41] : memref<10240x128xf32, #tpu.memory_space<vmem_shared>> -> memref<128x128xf32, #tpu.memory_space<vmem_shared>>
      tpu.enqueue_dma source(%dma_start3A_42 : memref<128x128xf32, #tpu.memory_space<vmem_shared>>) target(%arg7 : memref<128x128xf32, #tpu.memory_space<vmem>>) target_semaphore(%run_scoped3A : memref<!tpu.dma_semaphore, #tpu.memory_space<semaphore_mem>>)
      %dma_wait3A = arith.constant 0 : i32
      %dma_wait3A_43 = tpu.memref_slice %arg8[%add3A_33, %dma_wait3A] : memref<10240x128xf32, #tpu.memory_space<vmem_shared>> -> memref<128x128xf32, #tpu.memory_space<vmem_shared>>
      %dma_wait3A_44 = arith.constant 0 : i32
      %dma_wait3A_45 = tpu.memref_slice %arg8[%add3A_33, %dma_wait3A_44] : memref<10240x128xf32, #tpu.memory_space<vmem_shared>> -> memref<128x128xf32, #tpu.memory_space<vmem_shared>>
      tpu.wait_dma2 semaphore(%run_scoped3A : memref<!tpu.dma_semaphore, #tpu.memory_space<semaphore_mem>>) src(%dma_wait3A_45 : memref<128x128xf32, #tpu.memory_space<vmem_shared>>) dst(%arg7 : memref<128x128xf32, #tpu.memory_space<vmem>>)
      tpu.yield
    }) : () -> ()
    %add3A_34 = arith.constant 384 : i32
    %add3A_35 = arith.addi %mul3A_2, %add3A_34 : i32
    "tpu.region"() ({
      %run_scoped3A = tpu.sem_alloc : memref<!tpu.dma_semaphore, #tpu.memory_space<semaphore_mem>>
      %dma_start3A = arith.constant 0 : i32
      %dma_start3A_40 = arith.constant 0 : i32
      %dma_start3A_41 = tpu.memref_slice %arg5[%arg0, %dma_start3A, %dma_start3A_40] : memref<2x10240x128xf32, #tpu.memory_space<hbm>> -> memref<1x10240x128xf32, #tpu.memory_space<hbm>>
      %dma_start3A_42 = tpu.memref_squeeze %dma_start3A_41 : memref<1x10240x128xf32, #tpu.memory_space<hbm>> -> memref<10240x128xf32, #tpu.memory_space<hbm>>
      %dma_start3A_43 = arith.constant 0 : i32
      %dma_start3A_44 = tpu.memref_slice %dma_start3A_42[%add3A_35, %dma_start3A_43] : memref<10240x128xf32, #tpu.memory_space<hbm>> -> memref<128x128xf32, #tpu.memory_space<hbm>>
      %dma_start3A_45 = arith.constant 0 : i32
      %dma_start3A_46 = arith.constant 0 : i32
      %dma_start3A_47 = tpu.memref_slice %arg5[%arg0, %dma_start3A_45, %dma_start3A_46] : memref<2x10240x128xf32, #tpu.memory_space<hbm>> -> memref<1x10240x128xf32, #tpu.memory_space<hbm>>
      %dma_start3A_48 = tpu.memref_squeeze %dma_start3A_47 : memref<1x10240x128xf32, #tpu.memory_space<hbm>> -> memref<10240x128xf32, #tpu.memory_space<hbm>>
      %dma_start3A_49 = arith.constant 0 : i32
      %dma_start3A_50 = tpu.memref_slice %dma_start3A_48[%add3A_35, %dma_start3A_49] : memref<10240x128xf32, #tpu.memory_space<hbm>> -> memref<128x128xf32, #tpu.memory_space<hbm>>
      tpu.enqueue_dma source(%arg7 : memref<128x128xf32, #tpu.memory_space<vmem>>) target(%dma_start3A_50 : memref<128x128xf32, #tpu.memory_space<hbm>>) target_semaphore(%run_scoped3A : memref<!tpu.dma_semaphore, #tpu.memory_space<semaphore_mem>>)
      %dma_wait3A = arith.constant 0 : i32
      %dma_wait3A_51 = arith.constant 0 : i32
      %dma_wait3A_52 = tpu.memref_slice %arg5[%arg0, %dma_wait3A, %dma_wait3A_51] : memref<2x10240x128xf32, #tpu.memory_space<hbm>> -> memref<1x10240x128xf32, #tpu.memory_space<hbm>>
      %dma_wait3A_53 = tpu.memref_squeeze %dma_wait3A_52 : memref<1x10240x128xf32, #tpu.memory_space<hbm>> -> memref<10240x128xf32, #tpu.memory_space<hbm>>
      %dma_wait3A_54 = arith.constant 0 : i32
      %dma_wait3A_55 = tpu.memref_slice %dma_wait3A_53[%add3A_35, %dma_wait3A_54] : memref<10240x128xf32, #tpu.memory_space<hbm>> -> memref<128x128xf32, #tpu.memory_space<hbm>>
      %dma_wait3A_56 = arith.constant 0 : i32
      %dma_wait3A_57 = arith.constant 0 : i32
      %dma_wait3A_58 = tpu.memref_slice %arg5[%arg0, %dma_wait3A_56, %dma_wait3A_57] : memref<2x10240x128xf32, #tpu.memory_space<hbm>> -> memref<1x10240x128xf32, #tpu.memory_space<hbm>>
      %dma_wait3A_59 = tpu.memref_squeeze %dma_wait3A_58 : memref<1x10240x128xf32, #tpu.memory_space<hbm>> -> memref<10240x128xf32, #tpu.memory_space<hbm>>
      %dma_wait3A_60 = arith.constant 0 : i32
      %dma_wait3A_61 = tpu.memref_slice %dma_wait3A_59[%add3A_35, %dma_wait3A_60] : memref<10240x128xf32, #tpu.memory_space<hbm>> -> memref<128x128xf32, #tpu.memory_space<hbm>>
      tpu.wait_dma2 semaphore(%run_scoped3A : memref<!tpu.dma_semaphore, #tpu.memory_space<semaphore_mem>>) src(%arg7 : memref<128x128xf32, #tpu.memory_space<vmem>>) dst(%dma_wait3A_61 : memref<128x128xf32, #tpu.memory_space<hbm>>)
      tpu.yield
    }) : () -> ()
    %add3A_36 = arith.constant 512 : i32
    %add3A_37 = arith.addi %mul3A_2, %add3A_36 : i32
    "tpu.region"() ({
      %run_scoped3A = tpu.sem_alloc : memref<!tpu.dma_semaphore, #tpu.memory_space<semaphore_mem>>
      %dma_start3A = arith.constant 0 : i32
      %dma_start3A_40 = tpu.memref_slice %arg8[%add3A_37, %dma_start3A] : memref<10240x128xf32, #tpu.memory_space<vmem_shared>> -> memref<128x128xf32, #tpu.memory_space<vmem_shared>>
      %dma_start3A_41 = arith.constant 0 : i32
      %dma_start3A_42 = tpu.memref_slice %arg8[%add3A_37, %dma_start3A_41] : memref<10240x128xf32, #tpu.memory_space<vmem_shared>> -> memref<128x128xf32, #tpu.memory_space<vmem_shared>>
      tpu.enqueue_dma source(%dma_start3A_42 : memref<128x128xf32, #tpu.memory_space<vmem_shared>>) target(%arg7 : memref<128x128xf32, #tpu.memory_space<vmem>>) target_semaphore(%run_scoped3A : memref<!tpu.dma_semaphore, #tpu.memory_space<semaphore_mem>>)
      %dma_wait3A = arith.constant 0 : i32
      %dma_wait3A_43 = tpu.memref_slice %arg8[%add3A_37, %dma_wait3A] : memref<10240x128xf32, #tpu.memory_space<vmem_shared>> -> memref<128x128xf32, #tpu.memory_space<vmem_shared>>
      %dma_wait3A_44 = arith.constant 0 : i32
      %dma_wait3A_45 = tpu.memref_slice %arg8[%add3A_37, %dma_wait3A_44] : memref<10240x128xf32, #tpu.memory_space<vmem_shared>> -> memref<128x128xf32, #tpu.memory_space<vmem_shared>>
      tpu.wait_dma2 semaphore(%run_scoped3A : memref<!tpu.dma_semaphore, #tpu.memory_space<semaphore_mem>>) src(%dma_wait3A_45 : memref<128x128xf32, #tpu.memory_space<vmem_shared>>) dst(%arg7 : memref<128x128xf32, #tpu.memory_space<vmem>>)
      tpu.yield
    }) : () -> ()
    %add3A_38 = arith.constant 512 : i32
    %add3A_39 = arith.addi %mul3A_2, %add3A_38 : i32
    "tpu.region"() ({
      %run_scoped3A = tpu.sem_alloc : memref<!tpu.dma_semaphore, #tpu.memory_space<semaphore_mem>>
      %dma_start3A = arith.constant 0 : i32
      %dma_start3A_40 = arith.constant 0 : i32
      %dma_start3A_41 = tpu.memref_slice %arg5[%arg0, %dma_start3A, %dma_start3A_40] : memref<2x10240x128xf32, #tpu.memory_space<hbm>> -> memref<1x10240x128xf32, #tpu.memory_space<hbm>>
      %dma_start3A_42 = tpu.memref_squeeze %dma_start3A_41 : memref<1x10240x128xf32, #tpu.memory_space<hbm>> -> memref<10240x128xf32, #tpu.memory_space<hbm>>
      %dma_start3A_43 = arith.constant 0 : i32
      %dma_start3A_44 = tpu.memref_slice %dma_start3A_42[%add3A_39, %dma_start3A_43] : memref<10240x128xf32, #tpu.memory_space<hbm>> -> memref<128x128xf32, #tpu.memory_space<hbm>>
      %dma_start3A_45 = arith.constant 0 : i32
      %dma_start3A_46 = arith.constant 0 : i32
      %dma_start3A_47 = tpu.memref_slice %arg5[%arg0, %dma_start3A_45, %dma_start3A_46] : memref<2x10240x128xf32, #tpu.memory_space<hbm>> -> memref<1x10240x128xf32, #tpu.memory_space<hbm>>
      %dma_start3A_48 = tpu.memref_squeeze %dma_start3A_47 : memref<1x10240x128xf32, #tpu.memory_space<hbm>> -> memref<10240x128xf32, #tpu.memory_space<hbm>>
      %dma_start3A_49 = arith.constant 0 : i32
      %dma_start3A_50 = tpu.memref_slice %dma_start3A_48[%add3A_39, %dma_start3A_49] : memref<10240x128xf32, #tpu.memory_space<hbm>> -> memref<128x128xf32, #tpu.memory_space<hbm>>
      tpu.enqueue_dma source(%arg7 : memref<128x128xf32, #tpu.memory_space<vmem>>) target(%dma_start3A_50 : memref<128x128xf32, #tpu.memory_space<hbm>>) target_semaphore(%run_scoped3A : memref<!tpu.dma_semaphore, #tpu.memory_space<semaphore_mem>>)
      %dma_wait3A = arith.constant 0 : i32
      %dma_wait3A_51 = arith.constant 0 : i32
      %dma_wait3A_52 = tpu.memref_slice %arg5[%arg0, %dma_wait3A, %dma_wait3A_51] : memref<2x10240x128xf32, #tpu.memory_space<hbm>> -> memref<1x10240x128xf32, #tpu.memory_space<hbm>>
      %dma_wait3A_53 = tpu.memref_squeeze %dma_wait3A_52 : memref<1x10240x128xf32, #tpu.memory_space<hbm>> -> memref<10240x128xf32, #tpu.memory_space<hbm>>
      %dma_wait3A_54 = arith.constant 0 : i32
      %dma_wait3A_55 = tpu.memref_slice %dma_wait3A_53[%add3A_39, %dma_wait3A_54] : memref<10240x128xf32, #tpu.memory_space<hbm>> -> memref<128x128xf32, #tpu.memory_space<hbm>>
      %dma_wait3A_56 = arith.constant 0 : i32
      %dma_wait3A_57 = arith.constant 0 : i32
      %dma_wait3A_58 = tpu.memref_slice %arg5[%arg0, %dma_wait3A_56, %dma_wait3A_57] : memref<2x10240x128xf32, #tpu.memory_space<hbm>> -> memref<1x10240x128xf32, #tpu.memory_space<hbm>>
      %dma_wait3A_59 = tpu.memref_squeeze %dma_wait3A_58 : memref<1x10240x128xf32, #tpu.memory_space<hbm>> -> memref<10240x128xf32, #tpu.memory_space<hbm>>
      %dma_wait3A_60 = arith.constant 0 : i32
      %dma_wait3A_61 = tpu.memref_slice %dma_wait3A_59[%add3A_39, %dma_wait3A_60] : memref<10240x128xf32, #tpu.memory_space<hbm>> -> memref<128x128xf32, #tpu.memory_space<hbm>>
      tpu.wait_dma2 semaphore(%run_scoped3A : memref<!tpu.dma_semaphore, #tpu.memory_space<semaphore_mem>>) src(%arg7 : memref<128x128xf32, #tpu.memory_space<vmem>>) dst(%dma_wait3A_61 : memref<128x128xf32, #tpu.memory_space<hbm>>)
      tpu.yield
    }) : () -> ()
    return
  }
}

module attributes {stable_mosaic.version = 14 : i64} {
  func.func @_sage_tc_kernel(%arg0: i32, %arg1: memref<1000x128xf32, #tpu.memory_space<vmem>>, %arg2: memref<1000x128xf32, #tpu.memory_space<vmem>>, %arg3: memref<1000x128xf32, #tpu.memory_space<vmem>>, %arg4: memref<1000x128xf32, #tpu.memory_space<vmem>>, %arg5: memref<1000x128xf32, #tpu.memory_space<vmem>>, %arg6: memref<128x128xf32, #tpu.memory_space<vmem>>, %arg7: memref<1x128xf32, #tpu.memory_space<vmem>>, %arg8: memref<128x128xf32, #tpu.memory_space<vmem>>, %arg9: memref<1000x128xf32, #tpu.memory_space<vmem>>) attributes {dimension_semantics = [#tpu.dimension_semantics<arbitrary>], iteration_bounds = array<i64: 10>, scalar_prefetch = 0 : i64, scratch_operands = 0 : i64, tpu.core_type = #tpu.core_type<tc>, window_params = [{transform_indices = @transform_0, window_bounds = array<i64: 1000, 128>}, {transform_indices = @transform_1, window_bounds = array<i64: 1000, 128>}, {transform_indices = @transform_2, window_bounds = array<i64: 1000, 128>}, {transform_indices = @transform_3, window_bounds = array<i64: 1000, 128>}, {transform_indices = @transform_4, window_bounds = array<i64: 1000, 128>}, {pipeline_mode = #tpu.pipeline_mode<synchronous>, transform_indices = @transform_5, window_bounds = array<i64: 128, 128>}, {pipeline_mode = #tpu.pipeline_mode<synchronous>, transform_indices = @transform_6, window_bounds = array<i64: 1, 128>}, {pipeline_mode = #tpu.pipeline_mode<synchronous>, transform_indices = @transform_7, window_bounds = array<i64: 128, 128>}, {transform_indices = @transform_8, window_bounds = array<i64: 1000, 128>}]} {
    %get3A = arith.constant 0 : index
    %get3A_0 = arith.constant 0 : index
    %get3A_1 = vector.load %arg4[%get3A, %get3A_0] : memref<1000x128xf32, #tpu.memory_space<vmem>>, vector<1000x1xf32>
    %get3A_2 = arith.constant 0 : index
    %get3A_3 = arith.constant 0 : index
    %get3A_4 = vector.load %arg5[%get3A_2, %get3A_3] : memref<1000x128xf32, #tpu.memory_space<vmem>>, vector<1000x1xf32>
    %add3A = arith.addf %get3A_1, %get3A_4 : vector<1000x1xf32>
    %max3A = arith.constant 1.000000e+00 : f32
    %max3A_5 = vector.broadcast %max3A : f32 to vector<1000x1xf32>
    %max3A_6 = arith.maximumf %add3A, %max3A_5 : vector<1000x1xf32>
    %get3A_7 = arith.constant 0 : index
    %get3A_8 = arith.constant 0 : index
    %get3A_9 = vector.load %arg2[%get3A_7, %get3A_8] : memref<1000x128xf32, #tpu.memory_space<vmem>>, vector<1000x128xf32>
    %get3A_10 = arith.constant 0 : index
    %get3A_11 = arith.constant 0 : index
    %get3A_12 = vector.load %arg3[%get3A_10, %get3A_11] : memref<1000x128xf32, #tpu.memory_space<vmem>>, vector<1000x128xf32>
    %add3A_13 = arith.addf %get3A_9, %get3A_12 : vector<1000x128xf32>
    %div3A = vector.broadcast %max3A_6 : vector<1000x1xf32> to vector<1000x128xf32>
    %div3A_14 = arith.divf %add3A_13, %div3A : vector<1000x128xf32>
    %get3A_15 = arith.constant 0 : index
    %get3A_16 = arith.constant 0 : index
    %get3A_17 = vector.load %arg6[%get3A_15, %get3A_16] : memref<128x128xf32, #tpu.memory_space<vmem>>, vector<128x128xf32>
    %dot_general3A = arith.constant dense<0.000000e+00> : vector<1000x128xf32>
    %dot_general3A_18 = tpu.matmul %div3A_14, %get3A_17, %dot_general3A {dimension_numbers = #tpu.dot_dimension_numbers<[1], [1], [0], [0], [0, 0, 1, 0], [], []>, transpose_lhs_hint = false} : vector<1000x128xf32>, vector<128x128xf32>, vector<1000x128xf32> -> vector<1000x128xf32>
    %get3A_19 = arith.constant 0 : index
    %get3A_20 = arith.constant 0 : index
    %get3A_21 = vector.load %arg1[%get3A_19, %get3A_20] : memref<1000x128xf32, #tpu.memory_space<vmem>>, vector<1000x128xf32>
    %get3A_22 = arith.constant 0 : index
    %get3A_23 = arith.constant 0 : index
    %get3A_24 = vector.load %arg8[%get3A_22, %get3A_23] : memref<128x128xf32, #tpu.memory_space<vmem>>, vector<128x128xf32>
    %dot_general3A_25 = arith.constant dense<0.000000e+00> : vector<1000x128xf32>
    %dot_general3A_26 = tpu.matmul %get3A_21, %get3A_24, %dot_general3A_25 {dimension_numbers = #tpu.dot_dimension_numbers<[1], [1], [0], [0], [0, 0, 1, 0], [], []>, transpose_lhs_hint = false} : vector<1000x128xf32>, vector<128x128xf32>, vector<1000x128xf32> -> vector<1000x128xf32>
    %add3A_27 = arith.addf %dot_general3A_18, %dot_general3A_26 : vector<1000x128xf32>
    %get3A_28 = arith.constant 0 : index
    %get3A_29 = arith.constant 0 : index
    %get3A_30 = vector.load %arg7[%get3A_28, %get3A_29] : memref<1x128xf32, #tpu.memory_space<vmem>>, vector<1x128xf32>
    %add3A_31 = vector.broadcast %get3A_30 : vector<1x128xf32> to vector<1000x128xf32>
    %add3A_32 = arith.addf %add3A_27, %add3A_31 : vector<1000x128xf32>
    %max3A_33 = arith.constant 0.000000e+00 : f32
    %max3A_34 = vector.broadcast %max3A_33 : f32 to vector<1000x128xf32>
    %max3A_35 = arith.maximumf %add3A_32, %max3A_34 : vector<1000x128xf32>
    %swap3A = arith.constant 0 : index
    %swap3A_36 = arith.constant 0 : index
    %swap3A_37 = vector.load %arg9[%swap3A, %swap3A_36] : memref<1000x128xf32, #tpu.memory_space<vmem>>, vector<1000x128xf32>
    tpu.vector_store %arg9[%swap3A, %swap3A_36], %max3A_35 {strides = array<i32>} : memref<1000x128xf32, #tpu.memory_space<vmem>>, vector<1000x128xf32>,
    return
  }
  func.func @transform_0(%arg0: i32) -> (i32, i32) {
    %c0_i32 = arith.constant 0 : i32
    %c0_i32_0 = arith.constant 0 : i32
    return %arg0, %c0_i32 : i32, i32
  }
  func.func @transform_1(%arg0: i32) -> (i32, i32) {
    %c0_i32 = arith.constant 0 : i32
    %c0_i32_0 = arith.constant 0 : i32
    return %arg0, %c0_i32 : i32, i32
  }
  func.func @transform_2(%arg0: i32) -> (i32, i32) {
    %c0_i32 = arith.constant 0 : i32
    %c0_i32_0 = arith.constant 0 : i32
    return %arg0, %c0_i32 : i32, i32
  }
  func.func @transform_3(%arg0: i32) -> (i32, i32) {
    %c0_i32 = arith.constant 0 : i32
    %c0_i32_0 = arith.constant 0 : i32
    return %arg0, %c0_i32 : i32, i32
  }
  func.func @transform_4(%arg0: i32) -> (i32, i32) {
    %c0_i32 = arith.constant 0 : i32
    %c0_i32_0 = arith.constant 0 : i32
    return %arg0, %c0_i32 : i32, i32
  }
  func.func @transform_5(%arg0: i32) -> (i32, i32) {
    %c0_i32 = arith.constant 0 : i32
    %c0_i32_0 = arith.constant 0 : i32
    %c0_i32_1 = arith.constant 0 : i32
    return %c0_i32, %c0_i32_0 : i32, i32
  }
  func.func @transform_6(%arg0: i32) -> (i32, i32) {
    %c0_i32 = arith.constant 0 : i32
    %c0_i32_0 = arith.constant 0 : i32
    %c0_i32_1 = arith.constant 0 : i32
    return %c0_i32, %c0_i32_0 : i32, i32
  }
  func.func @transform_7(%arg0: i32) -> (i32, i32) {
    %c0_i32 = arith.constant 0 : i32
    %c0_i32_0 = arith.constant 0 : i32
    %c0_i32_1 = arith.constant 0 : i32
    return %c0_i32, %c0_i32_0 : i32, i32
  }
  func.func @transform_8(%arg0: i32) -> (i32, i32) {
    %c0_i32 = arith.constant 0 : i32
    %c0_i32_0 = arith.constant 0 : i32
    return %arg0, %c0_i32 : i32, i32
  }
}

module attributes {stable_mosaic.version = 14 : i64} {
  func.func @_sage_tc_kernel(%arg0: i32, %arg1: memref<1000x128xf32, #tpu.memory_space<vmem>>, %arg2: memref<1000x128xf32, #tpu.memory_space<vmem>>, %arg3: memref<1000x128xf32, #tpu.memory_space<vmem>>, %arg4: memref<1000x128xf32, #tpu.memory_space<vmem>>, %arg5: memref<1000x128xf32, #tpu.memory_space<vmem>>, %arg6: memref<128x128xf32, #tpu.memory_space<vmem>>, %arg7: memref<1x128xf32, #tpu.memory_space<vmem>>, %arg8: memref<128x128xf32, #tpu.memory_space<vmem>>, %arg9: memref<128x128xf32, #tpu.memory_space<vmem>>, %arg10: memref<1x128xf32, #tpu.memory_space<vmem>>, %arg11: memref<1000x128xf32, #tpu.memory_space<vmem>>) attributes {dimension_semantics = [#tpu.dimension_semantics<arbitrary>], iteration_bounds = array<i64: 10>, scalar_prefetch = 0 : i64, scratch_operands = 0 : i64, tpu.core_type = #tpu.core_type<tc>, window_params = [{transform_indices = @transform_0, window_bounds = array<i64: 1000, 128>}, {transform_indices = @transform_1, window_bounds = array<i64: 1000, 128>}, {transform_indices = @transform_2, window_bounds = array<i64: 1000, 128>}, {transform_indices = @transform_3, window_bounds = array<i64: 1000, 128>}, {transform_indices = @transform_4, window_bounds = array<i64: 1000, 128>}, {pipeline_mode = #tpu.pipeline_mode<synchronous>, transform_indices = @transform_5, window_bounds = array<i64: 128, 128>}, {pipeline_mode = #tpu.pipeline_mode<synchronous>, transform_indices = @transform_6, window_bounds = array<i64: 1, 128>}, {pipeline_mode = #tpu.pipeline_mode<synchronous>, transform_indices = @transform_7, window_bounds = array<i64: 128, 128>}, {pipeline_mode = #tpu.pipeline_mode<synchronous>, transform_indices = @transform_8, window_bounds = array<i64: 128, 128>}, {pipeline_mode = #tpu.pipeline_mode<synchronous>, transform_indices = @transform_9, window_bounds = array<i64: 1, 128>}, {transform_indices = @transform_10, window_bounds = array<i64: 1000, 128>}]} {
    %get3A = arith.constant 0 : index
    %get3A_0 = arith.constant 0 : index
    %get3A_1 = vector.load %arg4[%get3A, %get3A_0] : memref<1000x128xf32, #tpu.memory_space<vmem>>, vector<1000x1xf32>
    %get3A_2 = arith.constant 0 : index
    %get3A_3 = arith.constant 0 : index
    %get3A_4 = vector.load %arg5[%get3A_2, %get3A_3] : memref<1000x128xf32, #tpu.memory_space<vmem>>, vector<1000x1xf32>
    %add3A = arith.addf %get3A_1, %get3A_4 : vector<1000x1xf32>
    %max3A = arith.constant 1.000000e+00 : f32
    %max3A_5 = vector.broadcast %max3A : f32 to vector<1000x1xf32>
    %max3A_6 = arith.maximumf %add3A, %max3A_5 : vector<1000x1xf32>
    %get3A_7 = arith.constant 0 : index
    %get3A_8 = arith.constant 0 : index
    %get3A_9 = vector.load %arg2[%get3A_7, %get3A_8] : memref<1000x128xf32, #tpu.memory_space<vmem>>, vector<1000x128xf32>
    %get3A_10 = arith.constant 0 : index
    %get3A_11 = arith.constant 0 : index
    %get3A_12 = vector.load %arg3[%get3A_10, %get3A_11] : memref<1000x128xf32, #tpu.memory_space<vmem>>, vector<1000x128xf32>
    %add3A_13 = arith.addf %get3A_9, %get3A_12 : vector<1000x128xf32>
    %div3A = vector.broadcast %max3A_6 : vector<1000x1xf32> to vector<1000x128xf32>
    %div3A_14 = arith.divf %add3A_13, %div3A : vector<1000x128xf32>
    %get3A_15 = arith.constant 0 : index
    %get3A_16 = arith.constant 0 : index
    %get3A_17 = vector.load %arg6[%get3A_15, %get3A_16] : memref<128x128xf32, #tpu.memory_space<vmem>>, vector<128x128xf32>
    %dot_general3A = arith.constant dense<0.000000e+00> : vector<1000x128xf32>
    %dot_general3A_18 = tpu.matmul %div3A_14, %get3A_17, %dot_general3A {dimension_numbers = #tpu.dot_dimension_numbers<[1], [1], [0], [0], [0, 0, 1, 0], [], []>, transpose_lhs_hint = false} : vector<1000x128xf32>, vector<128x128xf32>, vector<1000x128xf32> -> vector<1000x128xf32>
    %get3A_19 = arith.constant 0 : index
    %get3A_20 = arith.constant 0 : index
    %get3A_21 = vector.load %arg1[%get3A_19, %get3A_20] : memref<1000x128xf32, #tpu.memory_space<vmem>>, vector<1000x128xf32>
    %get3A_22 = arith.constant 0 : index
    %get3A_23 = arith.constant 0 : index
    %get3A_24 = vector.load %arg8[%get3A_22, %get3A_23] : memref<128x128xf32, #tpu.memory_space<vmem>>, vector<128x128xf32>
    %dot_general3A_25 = arith.constant dense<0.000000e+00> : vector<1000x128xf32>
    %dot_general3A_26 = tpu.matmul %get3A_21, %get3A_24, %dot_general3A_25 {dimension_numbers = #tpu.dot_dimension_numbers<[1], [1], [0], [0], [0, 0, 1, 0], [], []>, transpose_lhs_hint = false} : vector<1000x128xf32>, vector<128x128xf32>, vector<1000x128xf32> -> vector<1000x128xf32>
    %add3A_27 = arith.addf %dot_general3A_18, %dot_general3A_26 : vector<1000x128xf32>
    %get3A_28 = arith.constant 0 : index
    %get3A_29 = arith.constant 0 : index
    %get3A_30 = vector.load %arg7[%get3A_28, %get3A_29] : memref<1x128xf32, #tpu.memory_space<vmem>>, vector<1x128xf32>
    %add3A_31 = vector.broadcast %get3A_30 : vector<1x128xf32> to vector<1000x128xf32>
    %add3A_32 = arith.addf %add3A_27, %add3A_31 : vector<1000x128xf32>
    %max3A_33 = arith.constant 0.000000e+00 : f32
    %max3A_34 = vector.broadcast %max3A_33 : f32 to vector<1000x128xf32>
    %max3A_35 = arith.maximumf %add3A_32, %max3A_34 : vector<1000x128xf32>
    %get3A_36 = arith.constant 0 : index
    %get3A_37 = arith.constant 0 : index
    %get3A_38 = vector.load %arg9[%get3A_36, %get3A_37] : memref<128x128xf32, #tpu.memory_space<vmem>>, vector<128x128xf32>
    %dot_general3A_39 = arith.constant dense<0.000000e+00> : vector<1000x128xf32>
    %dot_general3A_40 = tpu.matmul %max3A_35, %get3A_38, %dot_general3A_39 {dimension_numbers = #tpu.dot_dimension_numbers<[1], [1], [0], [0], [0, 0, 1, 0], [], []>, transpose_lhs_hint = false} : vector<1000x128xf32>, vector<128x128xf32>, vector<1000x128xf32> -> vector<1000x128xf32>
    %get3A_41 = arith.constant 0 : index
    %get3A_42 = arith.constant 0 : index
    %get3A_43 = vector.load %arg10[%get3A_41, %get3A_42] : memref<1x128xf32, #tpu.memory_space<vmem>>, vector<1x128xf32>
    %add3A_44 = vector.broadcast %get3A_43 : vector<1x128xf32> to vector<1000x128xf32>
    %add3A_45 = arith.addf %dot_general3A_40, %add3A_44 : vector<1000x128xf32>
    %swap3A = arith.constant 0 : index
    %swap3A_46 = arith.constant 0 : index
    %swap3A_47 = vector.load %arg11[%swap3A, %swap3A_46] : memref<1000x128xf32, #tpu.memory_space<vmem>>, vector<1000x128xf32>
    tpu.vector_store %arg11[%swap3A, %swap3A_46], %add3A_45 {strides = array<i32>} : memref<1000x128xf32, #tpu.memory_space<vmem>>, vector<1000x128xf32>,
    return
  }
  func.func @transform_0(%arg0: i32) -> (i32, i32) {
    %c0_i32 = arith.constant 0 : i32
    %c0_i32_0 = arith.constant 0 : i32
    return %arg0, %c0_i32 : i32, i32
  }
  func.func @transform_1(%arg0: i32) -> (i32, i32) {
    %c0_i32 = arith.constant 0 : i32
    %c0_i32_0 = arith.constant 0 : i32
    return %arg0, %c0_i32 : i32, i32
  }
  func.func @transform_2(%arg0: i32) -> (i32, i32) {
    %c0_i32 = arith.constant 0 : i32
    %c0_i32_0 = arith.constant 0 : i32
    return %arg0, %c0_i32 : i32, i32
  }
  func.func @transform_3(%arg0: i32) -> (i32, i32) {
    %c0_i32 = arith.constant 0 : i32
    %c0_i32_0 = arith.constant 0 : i32
    return %arg0, %c0_i32 : i32, i32
  }
  func.func @transform_4(%arg0: i32) -> (i32, i32) {
    %c0_i32 = arith.constant 0 : i32
    %c0_i32_0 = arith.constant 0 : i32
    return %arg0, %c0_i32 : i32, i32
  }
  func.func @transform_5(%arg0: i32) -> (i32, i32) {
    %c0_i32 = arith.constant 0 : i32
    %c0_i32_0 = arith.constant 0 : i32
    %c0_i32_1 = arith.constant 0 : i32
    return %c0_i32, %c0_i32_0 : i32, i32
  }
  func.func @transform_6(%arg0: i32) -> (i32, i32) {
    %c0_i32 = arith.constant 0 : i32
    %c0_i32_0 = arith.constant 0 : i32
    %c0_i32_1 = arith.constant 0 : i32
    return %c0_i32, %c0_i32_0 : i32, i32
  }
  func.func @transform_7(%arg0: i32) -> (i32, i32) {
    %c0_i32 = arith.constant 0 : i32
    %c0_i32_0 = arith.constant 0 : i32
    %c0_i32_1 = arith.constant 0 : i32
    return %c0_i32, %c0_i32_0 : i32, i32
  }
  func.func @transform_8(%arg0: i32) -> (i32, i32) {
    %c0_i32 = arith.constant 0 : i32
    %c0_i32_0 = arith.constant 0 : i32
    %c0_i32_1 = arith.constant 0 : i32
    return %c0_i32, %c0_i32_0 : i32, i32
  }
  func.func @transform_9(%arg0: i32) -> (i32, i32) {
    %c0_i32 = arith.constant 0 : i32
    %c0_i32_0 = arith.constant 0 : i32
    %c0_i32_1 = arith.constant 0 : i32
    return %c0_i32, %c0_i32_0 : i32, i32
  }
  func.func @transform_10(%arg0: i32) -> (i32, i32) {
    %c0_i32 = arith.constant 0 : i32
    %c0_i32_0 = arith.constant 0 : i32
    return %arg0, %c0_i32 : i32, i32
  }
}

</mosaic_0001>

<sc_bundles>
// kernel: kernel.10.cloned.1.call-start
scs
__scs_entry_jumppad:
0x0: {  	(pc) =	sbr.rel $0x88, $3  }
0x1: {  	(tag) =	ssettag $0x0;
	lr =	simm.s32 $0x1  }
0x2: {  	[smem:$0x3F97] =	sst lr;
	_ =	strace $0xD0000000  }
0x3: {  	_ = 	snop  }
0x4: {  	_ = 	snop  }
0x5: {  	_ = 	snop  }
0x6: {  	_ = 	snop  }
0x7: {  	_ = 	snop  }
__scs_overlays_trampoline_lowered:
0x8: {  	[smem:$0x3FA6] =	sst s0  }
0x9: {  	[smem:$0x3FA7] =	sst s1  }
0xa: {  	[smem:$0x3FA8] =	sst s2  }
0xb: {  	[smem:$0x3FA9] =	sst s3  }
0xc: {  	[smem:$0x3FAA] =	sst s4  }
0xd: {  	[smem:$0x3FAB] =	sst s5  }
0xe: {  	[smem:$0x3FAC] =	sst s6  }
0xf: {  	[smem:$0x3FAD] =	sst s7  }
0x10: {  	[smem:$0x3FAE] =	sst s8  }
0x11: {  	[smem:$0x3FAF] =	sst s9;
	s0 =	simm.s32 @!p0 $0x0  }
0x12: {  	s1 =	sld [smem:$0x3F95];
	s0 =	simm.s32 @p0 $0x1  }
0x13: {  	[smem:$0x3FB0] =	sst s0;
	s0 =	simm.s32 @!p1 $0x0  }
0x14: {  	s2 =	sld [smem:$0x3F94];
	s0 =	simm.s32 @p1 $0x1  }
0x15: {  	[smem:$0x3FB1] =	sst s0;
	s0 =	simm.s32 @!p2 $0x0  }
0x16: {  	s3 =	sld [smem:$0x3FDB];
	s0 =	simm.s32 @p2 $0x1  }
0x17: {  	s4 =	simm.s32 $0x1BF5;
	[smem:$0x3FB3] =	sst s0  }
0x18: {  	s0 =	sld [smem:$0x3F96];
	_ =	swait.ge [sflag:s4], $0x0  }
0x19: {  	s7 =	sld [smem:$0x3F97]  }
0x1a: {  	s8 =	sadd.s32 $0xFFFFE003, lr  }
0x1b: {  	s9 =	sadd.s32 $0xFFFFFEF7, lr;
	s5 =	simm.s32 $0xFFFFFFFF;
	p2 =	slt.u32 s8, $0xFFFFF086  }
0x1c: {  	p1 =	slt.u32 s9, $0xF7A;
	s5 =	simm.s32 @!p2 $0x0  }
0x1d: {  	s5 =	simm.s32 @p1 $0x1;
	p0 =	seq.s32 s7, s2  }
0x1e: {  	s7 =	smul.u32 @!p0 $0xF7A, s2;
	p2 =	seq.s32 @!p0 s5, $0x0  }
0x1f: {  	s9 =	smul.u32 $0xF7A, s1;
	s8 =	simm.s32 @!p0 $0x1BF5;
	p2 =	por !p2, p0  }
0x20: {  	[sflag:s8] =	ssyncset.s32 @!p0 $0xFFFFF086;
	s6 =	sadd.s32 @!p0 s3, s7;
	s7 =	simm.s32 @!p0 $0x108  }
0x21: {  	s3 =	sadd.s32 s3, s9;
	s6 =	sadd.s32 @!p0 $0x88, s6;
	s7 =	simm.s32 @p2 $0x1082  }
0x22: {  	[simem:s7], [sflag:s8] =	dma.local @!p0 [hbm:s6], $0xF7A  }
0x23: {  	s9 =	sor.u32 $0xD0000000, s2;
	s6 =	simm.s32 $0x108;
	_ =	swait.ge @!p0 [sflag:s8], $0x0  }
0x24: {  	s3 =	sadd.s32 $0x88, s3;
	s6 =	simm.s32 @!p1 $0x1082;
	[sflag:s4] =	ssyncset.s32 $0xFFFFF086  }
0x25: {  	[simem:s6], [sflag:s4] =	dma.local [hbm:s3], $0xF7A  }
0x26: {  	[smem:$0x3F97] =	sst s1;
	(tag) =	ssettag s2;
	_ =	strace s9  }
0x27: {  	s1 =	sld [smem:$0x3FA7]  }
0x28: {  	s2 =	sld [smem:$0x3FA8]  }
0x29: {  	s4 =	sld [smem:$0x3FAA]  }
0x2a: {  	p0 =	seq.s32 s5, $0x0;
	s5 =	sld [smem:$0x3FAB]  }
0x2b: {  	s6 =	sld [smem:$0x3FAC]  }
0x2c: {  	s7 =	sld [smem:$0x3FAD]  }
0x2d: {  	s3 =	simm.s32 $0x108;
	s8 =	sld [smem:$0x3FAE]  }
0x2e: {  	s3 =	simm.s32 @!p0 $0x1082;
	s9 =	sld [smem:$0x3FAF]  }
0x2f: {  	lr =	sadd.s32 s0, s3;
	s0 =	sld [smem:$0x3FA6]  }
0x30: {  	s3 =	sld [smem:$0x3FA9]  }
0x31: {  	[smem:$0x3FB2] =	sst s10  }
0x32: {  	s10 =	sld [smem:$0x3FB0];
	_ =	sdelay $0x3  }
0x33: {  	p0 =	seq.s32 s10, $0x1;
	s10 =	sld [smem:$0x3FB2];
	_ =	sdelay $0x3  }
0x34: {  	[smem:$0x3FB2] =	sst s10  }
0x35: {  	s10 =	sld [smem:$0x3FB1];
	_ =	sdelay $0x3  }
0x36: {  	p1 =	seq.s32 s10, $0x1;
	s10 =	sld [smem:$0x3FB2];
	_ =	sdelay $0x3  }
0x37: {  	[smem:$0x3FB2] =	sst s10  }
0x38: {  	s10 =	sld [smem:$0x3FB3]  }
0x39: {  	_ = 	snop;
	(pc) =	sbr.ind lr, $3  }
0x3a: {  	_ = 	snop  }
0x3b: {  	_ = 	snop  }
0x3c: {  	p2 =	seq.s32 s10, $0x1;
	s10 =	sld [smem:$0x3FB2]  }
0x3d: {  	_ =	shalt  }
0x3e: {  	_ =	shalt  }
0x3f: {  	_ =	shalt  }
0x40: {  	_ =	shalt  }
0x41: {  	_ =	shalt  }
0x42: {  	_ =	shalt  }
0x43: {  	_ =	shalt  }
0x44: {  	_ =	shalt  }
0x45: {  	_ =	shalt  }
0x46: {  	_ =	shalt  }
0x47: {  	_ =	shalt  }
0x48: {  	_ =	shalt  }
0x49: {  	_ =	shalt  }
0x4a: {  	_ =	shalt  }
0x4b: {  	_ =	shalt  }
0x4c: {  	_ =	shalt  }
0x4d: {  	_ =	shalt  }
0x4e: {  	_ =	shalt  }
0x4f: {  	_ =	shalt  }
0x50: {  	_ =	shalt  }
0x51: {  	_ =	shalt  }
0x52: {  	_ =	shalt  }
0x53: {  	_ =	shalt  }
0x54: {  	_ =	shalt  }
0x55: {  	_ =	shalt  }
0x56: {  	_ =	shalt  }
0x57: {  	_ =	shalt  }
0x58: {  	_ =	shalt  }
0x59: {  	_ =	shalt  }
0x5a: {  	_ =	shalt  }
0x5b: {  	_ =	shalt  }
0x5c: {  	_ =	shalt  }
0x5d: {  	_ =	shalt  }
0x5e: {  	_ =	shalt  }
0x5f: {  	_ =	shalt  }
0x60: {  	_ =	shalt  }
0x61: {  	_ =	shalt  }
0x62: {  	_ =	shalt  }
0x63: {  	_ =	shalt  }
0x64: {  	_ =	shalt  }
0x65: {  	_ =	shalt  }
0x66: {  	_ =	shalt  }
0x67: {  	_ =	shalt  }
0x68: {  	_ =	shalt  }
0x69: {  	_ =	shalt  }
0x6a: {  	_ =	shalt  }
0x6b: {  	_ =	shalt  }
0x6c: {  	_ =	shalt  }
0x6d: {  	_ =	shalt  }
0x6e: {  	_ =	shalt  }
0x6f: {  	_ =	shalt  }
0x70: {  	_ =	shalt  }
0x71: {  	_ =	shalt  }
0x72: {  	_ =	shalt  }
0x73: {  	_ =	shalt  }
0x74: {  	_ =	shalt  }
0x75: {  	_ =	shalt  }
0x76: {  	_ =	shalt  }
0x77: {  	_ =	shalt  }
0x78: {  	_ =	shalt  }
0x79: {  	_ =	shalt  }
0x7a: {  	_ =	shalt  }
0x7b: {  	_ =	shalt  }
0x7c: {  	_ =	shalt  }
0x7d: {  	_ =	shalt  }
0x7e: {  	_ =	shalt  }
0x7f: {  	_ =	shalt  }
0x80: {  	_ =	shalt  }
0x81: {  	_ =	shalt  }
0x82: {  	_ =	shalt  }
0x83: {  	_ =	shalt  }
0x84: {  	_ =	shalt  }
0x85: {  	_ =	shalt  }
0x86: {  	_ =	shalt  }
0x87: {  	_ =	shalt  }
.Lfunc_end0:
.L_simem_size_0:
called_computation.1_lowered:
.L_overlay_start_0:
0x88: {  	s2 =	sld [smem:$0x3FD9]  }
0x89: {  	s3 =	sld [smem:$0x3FFE];
	_ =	sdelay $0x1  }
0x8a: {  	s1 =	srdreg.scid  }
0x8b: {  	s0 =	sand.u32 $0x1, s1  }
0x8c: {  	s17 =	sshll.u32 s0, $0xA;
	s2 =	sadd.s32 s3, s2  }
0x8d: {  	s2 =	sadd.s32 s2, s17  }
0x8e: {  	[smem:$0x3FBE] =	sst s2  }
0x8f: {  	_ = 	snop  }
0x90: {  	s2 =	sld [smem:$0x3FC9]  }
0x91: {  	s18 =	sld [smem:$0x3FD0];
	(tm) =	ssettm $0x1  }
0x92: {  	s4 =	sld [smem:$0x3FFB];
	_ =	sdelay $0x3  }
0x93: {  	_ =	strace s4  }
0x94: {  	s4 =	sld [smem:$0x3FFC];
	_ =	sdelay $0x3  }
0x95: {  	_ =	strace s4  }
0x96: {  	s4 =	sld [smem:$0x3FFD];
	_ =	sdelay $0x3  }
0x97: {  	_ =	strace s4  }
0x98: {  	_ =	strace $0x8FFFFFFF  }
0x99: {  	s19 =	sld [smem:$0x3FDB];
	_ =	sdelay $0x1  }
0x9a: {  	s5 =	simm.s32 $_scs_section_size  }
0x9b: {  	s6 =	simm.s32 $_size__tile_overlayer_lowered;
	s7 =	simm.s32 $_tile_overlayer_lowered  }
0x9c: {  	s22 =	simm.s32 $0x1BFF;
	s21 =	sshll.u32 s7, $0x1;
	s4 =	sadd.s32 s5, s19  }
0x9d: {  	s8 =	simm.s32 $0x0;
	s20 =	sshll.u32 s6, $0x1;
	s6 =	sadd.s32 s21, s4  }
0x9e: {  	[timem:s8], [sflag:s22] =	dma.local [hbm:s6], s20  }
0x9f: {  	_ =	swait.ge [sflag:s22], s20  }
0xa0: {  	s5 =	ssub.s32 $0x0, s20;
	[sflag:s22] =	ssyncset.done $0x0  }
0xa1: {  	[sflag:s22] =	ssyncadd.s32 s5;
	_ =	sdelay $0x1  }
0xa2: {  	s23 =	simm.s32 $0x1B8B  }
0xa3: {  	_ =	swait.ge [sflag:s23], $0x1  }
0xa4: {  	[sflag:s23] =	ssyncset.done $0x0  }
0xa5: {  	s25 =	simm.s32 $0x1B8E;
	s24 =	sld [smem:$0x3FFE];
	[sflag:s23] =	ssyncadd.s32 $0xFFFFFFFF  }
0xa6: {  	s26 =	simm.s32 $execute0_lowered;
	[smem:$0x3FD2] =	sst s25  }
0xa7: {  	s6 =	sshll.u32 s26, $0x1;
	_ =	strace $0x80000046;
	[dreg:$0x1] =	wrdreg $0xFFFFFFFF  }
0xa8: {  	s28 =	simm.s32 $_size_execute0_lowered;
	s4 =	sadd.s32 s4, s6;
	[dreg:$0x0] =	wrdreg $0x0  }
0xa9: {  	s6 =	sshll.u32 s28, $0x1;
	[dreg:$0x2] =	wrdreg s4  }
0xaa: {  	[dreg:$0x3] =	wrdreg s6  }
0xab: {  	[dreg:$0x4] =	wrdreg $0xC0  }
0xac: {  	_ =	task [dreg:s8], $0x5FFFF  }
0xad: {  	[dreg:$0x1] =	wrdreg $0xFFFFFFFF  }
0xae: {  	[dreg:$0x0] =	wrdreg $0x60  }
0xaf: {  	[dreg:$0x2] =	wrdreg s2  }
0xb0: {  	[dreg:$0x3] =	wrdreg s24  }
0xb1: {  	[dreg:$0x4] =	wrdreg s18  }
0xb2: {  	[dreg:$0x5] =	wrdreg $0x82000  }
0xb3: {  	[dreg:$0x6] =	wrdreg $0xA  }
0xb4: {  	_ =	task.clear_ibuf [dreg:s8], $0x7FFFF;
	_ =	strace $0x90000046  }
0xb5: {  	s29 =	simm.s32 $0xA;
	_ =	strace $0x80000048  }
0xb6: {  	_ =	swait.ge [sflag:s29], $0x1  }
0xb7: {  	[sflag:s29] =	ssyncadd.s32 $0xFFFFFFFF  }
0xb8: {  	_ =	strace $0x90000048  }
0xb9: {  	_ =	sfence  }
0xba: {  	s30 =	sld [smem:$0x0];
	_ =	sdelay $0x2  }
0xbb: {  	s31 =	sshll.u32 s1, $0xD;
	s1 =	sshrl.u32 s1, $0x2  }
0xbc: {  	s3 =	sand.u32 $0x4000, s31;
	s1 =	sadd.s32 s1, s30  }
0xbd: {  	s0 =	sor.u32 s3, s0;
	s1 =	sshll.u32 s1, $0x11  }
0xbe: {  	s0 =	sor.u32 s1, s0  }
0xbf: {  	s0 =	sadd.s32 $0x8F2B, s0  }
0xc0: {  	[sflag:s0] =	ssyncadd.remote.s32 $0x1  }
0xc1: {  	_ =	sfence.sel $0xFFFF  }
0xc2: {  	[dreg:$0x0] =	wrdreg $0xFFFFFFFF;
	(pc) =	sbr.abs _section_cstart, $3  }
0xc3: {  	[dreg:$0x1] =	wrdreg $0xFFFFFFFF  }
0xc4: {  	_ =	task.clear_ibuf [dreg:s8], $0x2FFFF;
	_ =	strace $0x9FFFFFFF  }
0xc5: {  	(tm) =	ssettm $0x7FFFFFFF  }
tec
execute0_lowered:
.L_overlay_start_1:
0x0: {  	(tag) =	ssettag $0x1  }
0x1: {  	s1 =	rddreg [dreg:$0x0]  }
0x2: {  	s0 =	rddreg [dreg:$0x1]  }
0x3: {  	s3 =	rddreg [dreg:$0x3];
	s4 =	simm.s32 $0x0  }
0x4: {  	s2 =	srdreg.scid;
	s9 =	stileid.u32;
	s28 =	simm.s32 $0x3  }
0x5: {  	s29 =	simm.s32 $0x80;
	s30 =	simm.s32 $0x100;
	s31 =	simm.s32 $0x1  }
0x6: {  	[smem:$0x7FF] =	sst s4;
	s5 =	sadd.s32 $0x2800, s0;
	s13 =	smul.u32 $0x280, s9  }
0x7: {  	s2 =	sand.u32 $0x1, s2;
	s11 =	sadd.s32 $0xC800, s0;
	s8 =	smul.u32 $0x50000, s9  }
0x8: {  	s12 =	smul.u32 $0x28000, s2;
	s6 =	ssub.s32 $0x2, s2;
	s2 =	sshll.u32 s2, $0x4  }
0x9: {  	_ =	strace $0x80000047;
	s7 =	sshrl.u32 s6, $0x1;
	s2 =	sor.u32 s9, s2  }
0xa: {  	s15 =	sshrl.u32 s8, $0x2;
	s21 =	sadd.s32 $0x80, s13;
	s22 =	sadd.s32 $0x100, s13  }
0xb: {  	s23 =	sadd.s32 $0x180, s13;
	s9 =	smul.u32 $0x2800, s9;
	s24 =	sadd.s32 $0x200, s13  }
0xc: {  	s0 =	sadd.s32 s12, s0;
	s20 =	ssub.s32 s6, s7;
	s2 =	smul.u32 $0x2800, s2  }
0xd: {  	s6 =	sadd.s32 s15, s3;
	s16 =	sshll.u32 s21, $0x7;
	s17 =	sshll.u32 s22, $0x7  }
0xe: {  	s10 =	sshll.u32 s23, $0x7;
	s13 =	sshll.u32 s22, $0x4;
	s7 =	sadd.s32 s16, s3  }
0xf: {  	s8 =	sadd.s32 s17, s3;
	s10 =	sadd.s32 s10, s3;
	[dreg:$0x5] =	wrdreg s9  }
0x10: {  	s12 =	sadd.s32 s9, s12;
	s20 =	smax.u32 s20, $0x1;
	s2 =	sshrl.u32 s2, $0x3  }
0x11: {  	s25 =	sor.u32 $0x100, s12;
	s15 =	sor.u32 $0x80, s12;
	s9 =	sshrl.u32 s12, $0x3  }
0x12: {  	s12 =	sshll.u32 s21, $0x4;
	s18 =	sadd.s32 $0x4F0, s2;
	s14 =	sadd.s32 s5, s2  }
0x13: {  	s2 =	sadd.s32 s11, s2;
	s16 =	sshrl.u32 s15, $0x3;
	s17 =	sadd.s32 s9, s11  }
0x14: {  	[dreg:$0x6] =	wrdreg s14;
	s19 =	sadd.s32 s5, s18;
	s26 =	sadd.s32 s11, s18  }
0x15: {  	s14 =	sshrl.u32 s25, $0x3;
	s15 =	sadd.s32 s16, s5;
	s16 =	sadd.s32 s16, s11  }
0x16: {  	s11 =	sshll.u32 s24, $0x7;
	s25 =	sshll.u32 s23, $0x4;
	[dreg:$0x7] =	wrdreg s19  }
0x17: {  	s21 =	sadd.s32 $0x4E0, s2;
	s2 =	simm.s32 $0x2;
	[dreg:$0x8] =	wrdreg s26  }
0x18: {  	s14 =	sadd.s32 s14, s5;
	s18 =	sadd.s32 s11, s3;
	s19 =	sadd.s32 $0x16800, s0  }
0x19: {  	s26 =	sshll.u32 s24, $0x4;
	s0 =	simm.s32 $0x4200;
	s5 =	simm.s32 $0x180  }
0x1a: {  	s11 =	simm.s32 $0x0;
	s22 =	sadd.s32 s12, s19;
	s23 =	sadd.s32 s13, s19  }
0x1b: {  	s24 =	sadd.s32 s25, s19;
	s25 =	sadd.s32 s26, s19;
	s26 =	simm.s32 $0x200  }
.LBB2_1:
0x1c: {  	s9 =	rddreg [dreg:$0x2]  }
0x1d: {  	[tilespmem:s26], [sflag:$0x3] =	stream.linear.gather [hbm4b:s9+s4], $0x4000, $0x38;
	[tilespmem:$0x1C200] =	vst v63  }
0x1e: {  	_ =	swait.ge [sflag:s28], $0x4000  }
0x1f: {  	[sflag:s28] =	ssyncset.done $0x0  }
0x20: {  	[sflag:s28] =	ssyncadd.s32 $0xFFFFC000  }
0x21: {  	[spmem:s6] =	stream.linear.scatter [tilespmem:s26], [sflag:$0x3], $0x4000, $0x38;
	[tilespmem:$0x1C200] =	vst v63  }
0x22: {  	_ =	swait.ge [sflag:s28], $0x4000  }
0x23: {  	[sflag:s28] =	ssyncset.done $0x0  }
0x24: {  	[sflag:s28] =	ssyncadd.s32 $0xFFFFC000  }
0x25: {  	[spmem:s7] =	stream.linear.scatter [tilespmem:s26], [sflag:$0x3], $0x4000, $0x38;
	[tilespmem:$0x1C200] =	vst v63  }
0x26: {  	_ =	swait.ge [sflag:s28], $0x4000  }
0x27: {  	[sflag:s28] =	ssyncset.done $0x0  }
0x28: {  	[sflag:s28] =	ssyncadd.s32 $0xFFFFC000  }
0x29: {  	[spmem:s8] =	stream.linear.scatter [tilespmem:s26], [sflag:$0x3], $0x4000, $0x38;
	[tilespmem:$0x1C200] =	vst v63  }
0x2a: {  	_ =	swait.ge [sflag:s28], $0x4000  }
0x2b: {  	[sflag:s28] =	ssyncset.done $0x0  }
0x2c: {  	[sflag:s28] =	ssyncadd.s32 $0xFFFFC000  }
0x2d: {  	[spmem:s10] =	stream.linear.scatter [tilespmem:s26], [sflag:$0x3], $0x4000, $0x38;
	[tilespmem:$0x1C200] =	vst v63  }
0x2e: {  	_ =	swait.ge [sflag:s28], $0x4000  }
0x2f: {  	[sflag:s28] =	ssyncset.done $0x0  }
0x30: {  	[sflag:s28] =	ssyncadd.s32 $0xFFFFC000  }
0x31: {  	[spmem:s18] =	stream.linear.scatter [tilespmem:s26], [sflag:$0x3], $0x4000, $0x38;
	[tilespmem:$0x1C200] =	vst v63  }
0x32: {  	_ =	swait.ge [sflag:s28], $0x4000  }
0x33: {  	[sflag:s28] =	ssyncset.done $0x0  }
0x34: {  	[sflag:s28] =	ssyncadd.s32 $0xFFFFC000  }
0x35: {  	[bflag:$0x0] =	sbarrier.arrive $0xFFFF  }
0x36: {  	s12 =	rddreg [dreg:$0x6]  }
0x37: {  	[tilespmem:s4], [sflag:$0x3] =	stream.linear.gather [hbm4b:s12+s4], $0x80, $0x38;
	[tilespmem:$0x1C200] =	vst v63  }
0x38: {  	_ =	swait.ge [sflag:s28], $0x80  }
0x39: {  	[sflag:s28] =	ssyncset.done $0x0  }
0x3a: {  	[sflag:s28] =	ssyncadd.s32 $0xFFFFFF80  }
0x3b: {  	[tilespmem:s26], [sflag:$0x1] =	stream.indirect.gather [hbm4b:s1+s29], $0x80, s4, s29, $0xb8;
	[tilespmem:$0x1C200] =	vst v63  }
0x3c: {  	s12 =	sadd.s32 $0x0, s15  }
0x3d: {  	[tilespmem:s29], [sflag:$0x3] =	stream.linear.gather [hbm4b:s12+s4], $0x80, $0x38;
	[tilespmem:$0x1C200] =	vst v63  }
0x3e: {  	_ =	swait.ge [sflag:s28], $0x80  }
0x3f: {  	[sflag:s28] =	ssyncset.done $0x0  }
0x40: {  	s13 =	sadd.s32 $0x0, s17;
	[sflag:s28] =	ssyncadd.s32 $0xFFFFFF80  }
0x41: {  	[tilespmem:s30], [sflag:$0x3] =	stream.linear.gather [hbm4b:s13+s4], $0x80, $0x38;
	[tilespmem:$0x1C200] =	vst v63  }
0x42: {  	_ =	swait.ge [sflag:s28], $0x80  }
0x43: {  	[sflag:s28] =	ssyncset.done $0x0  }
0x44: {  	[sflag:s28] =	ssyncadd.s32 $0xFFFFFF80  }
0x45: {  	_ =	swait.ge [sflag:s31], $0x4000  }
0x46: {  	[sflag:s31] =	ssyncset.done $0x0  }
0x47: {  	[sflag:s31] =	ssyncadd.s32 $0xFFFFC000  }
0x48: {  	[tilespmem:s0], [sflag:$0x2] =	stream.indirect.gather [hbm4b:s1+s29], $0x80, s29, s29, $0xb8;
	[tilespmem:$0x1C200] =	vst v63  }
0x49: {  	_ = 	snop  }
0x4a: {  	[spmem:s3] =	stream.indirect.scatter.add.f32 [tilespmem:s26], [sflag:$0x3], $0x80, s30, s29, $0xb8;
	[tilespmem:$0x1C200] =	vst v63  }
0x4b: {  	_ =	swait.ge [sflag:s28], $0x4000  }
0x4c: {  	[sflag:s28] =	ssyncset.done $0x0  }
0x4d: {  	s9 =	sadd.s32 $0x0, s16;
	[sflag:s28] =	ssyncadd.s32 $0xFFFFC000  }
0x4e: {  	[tilespmem:s5], [sflag:$0x3] =	stream.linear.gather [hbm4b:s9+s4], $0x80, $0x38;
	[tilespmem:$0x1C200] =	vst v63  }
0x4f: {  	_ =	swait.ge [sflag:s28], $0x80  }
0x50: {  	[sflag:s28] =	ssyncset.done $0x0  }
0x51: {  	s13 =	sadd.s32 $0x0, s14;
	[sflag:s28] =	ssyncadd.s32 $0xFFFFFF80  }
0x52: {  	[tilespmem:s4], [sflag:$0x3] =	stream.linear.gather [hbm4b:s13+s4], $0x80, $0x38;
	[tilespmem:$0x1C200] =	vst v63  }
0x53: {  	_ =	swait.ge [sflag:s28], $0x80  }
0x54: {  	[sflag:s28] =	ssyncset.done $0x0  }
0x55: {  	[sflag:s28] =	ssyncadd.s32 $0xFFFFFF80  }
0x56: {  	_ =	swait.ge [sflag:s2], $0x4000  }
0x57: {  	[sflag:s2] =	ssyncset.done $0x0  }
0x58: {  	[sflag:s2] =	ssyncadd.s32 $0xFFFFC000  }
0x59: {  	[tilespmem:s26], [sflag:$0x1] =	stream.indirect.gather [hbm4b:s1+s29], $0x80, s4, s29, $0xb8;
	[tilespmem:$0x1C200] =	vst v63  }
0x5a: {  	_ = 	snop  }
0x5b: {  	[spmem:s3] =	stream.indirect.scatter.add.f32 [tilespmem:s0], [sflag:$0x3], $0x80, s5, s29, $0xb8;
	[tilespmem:$0x1C200] =	vst v63  }
0x5c: {  	_ =	swait.ge [sflag:s28], $0x4000  }
0x5d: {  	s12 =	simm.s32 $0x20;
	[sflag:s28] =	ssyncset.done $0x0  }
.LBB2_2:
0x5e: {  	p0 =	sne.s32 s12, $0x4C0  }
0x5f: {  	[sflag:s28] =	ssyncadd.s32 $0xFFFFC000;
	s9 =	smov.u32 s12;
	s12 =	sadd.s32 $0x20, s12  }
0x60: {  	s13 =	sadd.s32 s9, s15  }
0x61: {  	[tilespmem:s29], [sflag:$0x3] =	stream.linear.gather [hbm4b:s13+s4], $0x80, $0x38;
	[tilespmem:$0x1C200] =	vst v63  }
0x62: {  	_ =	swait.ge [sflag:s28], $0x80  }
0x63: {  	[sflag:s28] =	ssyncset.done $0x0  }
0x64: {  	s13 =	sadd.s32 s9, s17;
	[sflag:s28] =	ssyncadd.s32 $0xFFFFFF80  }
0x65: {  	[tilespmem:s30], [sflag:$0x3] =	stream.linear.gather [hbm4b:s13+s4], $0x80, $0x38;
	[tilespmem:$0x1C200] =	vst v63  }
0x66: {  	_ =	swait.ge [sflag:s28], $0x80  }
0x67: {  	[sflag:s28] =	ssyncset.done $0x0  }
0x68: {  	[sflag:s28] =	ssyncadd.s32 $0xFFFFFF80  }
0x69: {  	_ =	swait.ge [sflag:s31], $0x4000  }
0x6a: {  	[sflag:s31] =	ssyncset.done $0x0  }
0x6b: {  	[sflag:s31] =	ssyncadd.s32 $0xFFFFC000  }
0x6c: {  	[tilespmem:s0], [sflag:$0x2] =	stream.indirect.gather [hbm4b:s1+s29], $0x80, s29, s29, $0xb8;
	[tilespmem:$0x1C200] =	vst v63  }
0x6d: {  	_ = 	snop  }
0x6e: {  	[spmem:s3] =	stream.indirect.scatter.add.f32 [tilespmem:s26], [sflag:$0x3], $0x80, s30, s29, $0xb8;
	[tilespmem:$0x1C200] =	vst v63  }
0x6f: {  	_ =	swait.ge [sflag:s28], $0x4000  }
0x70: {  	[sflag:s28] =	ssyncset.done $0x0  }
0x71: {  	s13 =	sadd.s32 s9, s16;
	[sflag:s28] =	ssyncadd.s32 $0xFFFFC000  }
0x72: {  	[tilespmem:s5], [sflag:$0x3] =	stream.linear.gather [hbm4b:s13+s4], $0x80, $0x38;
	[tilespmem:$0x1C200] =	vst v63  }
0x73: {  	_ =	swait.ge [sflag:s28], $0x80  }
0x74: {  	[sflag:s28] =	ssyncset.done $0x0  }
0x75: {  	s9 =	sadd.s32 s9, s14;
	[sflag:s28] =	ssyncadd.s32 $0xFFFFFF80  }
0x76: {  	[tilespmem:s4], [sflag:$0x3] =	stream.linear.gather [hbm4b:s9+s4], $0x80, $0x38;
	[tilespmem:$0x1C200] =	vst v63  }
0x77: {  	_ =	swait.ge [sflag:s28], $0x80  }
0x78: {  	[sflag:s28] =	ssyncset.done $0x0  }
0x79: {  	[sflag:s28] =	ssyncadd.s32 $0xFFFFFF80  }
0x7a: {  	_ =	swait.ge [sflag:s2], $0x4000  }
0x7b: {  	[sflag:s2] =	ssyncset.done $0x0  }
0x7c: {  	[sflag:s2] =	ssyncadd.s32 $0xFFFFC000  }
0x7d: {  	[tilespmem:s26], [sflag:$0x1] =	stream.indirect.gather [hbm4b:s1+s29], $0x80, s4, s29, $0xb8;
	[tilespmem:$0x1C200] =	vst v63  }
.Ltmp0:
0x7e: {  	_ = 	snop;
	(pc) =	sbr.rel @p0 .LBB2_2-.Ltmp0, $4  }
0x7f: {  	_ = 	snop  }
0x80: {  	[spmem:s3] =	stream.indirect.scatter.add.f32 [tilespmem:s0], [sflag:$0x3], $0x80, s5, s29, $0xb8;
	[tilespmem:$0x1C200] =	vst v63  }
0x81: {  	_ =	swait.ge [sflag:s28], $0x4000  }
0x82: {  	[sflag:s28] =	ssyncset.done $0x0  }
0x83: {  	[sflag:s28] =	ssyncadd.s32 $0xFFFFC000;
	s9 =	rddreg [dreg:$0x7]  }
0x84: {  	[tilespmem:s29], [sflag:$0x3] =	stream.linear.gather [hbm4b:s9+s4], $0x80, $0x38;
	[tilespmem:$0x1C200] =	vst v63  }
0x85: {  	_ =	swait.ge [sflag:s28], $0x80  }
0x86: {  	[sflag:s28] =	ssyncset.done $0x0  }
0x87: {  	[sflag:s28] =	ssyncadd.s32 $0xFFFFFF80  }
0x88: {  	[tilespmem:s30], [sflag:$0x3] =	stream.linear.gather [hbm4b:s21+s4], $0x80, $0x38;
	[tilespmem:$0x1C200] =	vst v63  }
0x89: {  	_ =	swait.ge [sflag:s28], $0x80  }
0x8a: {  	[sflag:s28] =	ssyncset.done $0x0  }
0x8b: {  	[sflag:s28] =	ssyncadd.s32 $0xFFFFFF80  }
0x8c: {  	_ =	swait.ge [sflag:s31], $0x4000  }
0x8d: {  	[sflag:s31] =	ssyncset.done $0x0  }
0x8e: {  	[sflag:s31] =	ssyncadd.s32 $0xFFFFC000  }
0x8f: {  	[tilespmem:s0], [sflag:$0x2] =	stream.indirect.gather [hbm4b:s1+s29], $0x80, s29, s29, $0xb8;
	[tilespmem:$0x1C200] =	vst v63  }
0x90: {  	_ = 	snop  }
0x91: {  	[spmem:s3] =	stream.indirect.scatter.add.f32 [tilespmem:s26], [sflag:$0x3], $0x80, s30, s29, $0xb8;
	[tilespmem:$0x1C200] =	vst v63  }
0x92: {  	_ =	swait.ge [sflag:s28], $0x4000  }
0x93: {  	[sflag:s28] =	ssyncset.done $0x0  }
0x94: {  	s12 =	rddreg [dreg:$0x8];
	[sflag:s28] =	ssyncadd.s32 $0xFFFFC000  }
0x95: {  	[tilespmem:s5], [sflag:$0x3] =	stream.linear.gather [hbm4b:s12+s4], $0x80, $0x38;
	[tilespmem:$0x1C200] =	vst v63  }
0x96: {  	_ =	swait.ge [sflag:s28], $0x80  }
0x97: {  	[sflag:s28] =	ssyncset.done $0x0  }
0x98: {  	[sflag:s28] =	ssyncadd.s32 $0xFFFFFF80  }
0x99: {  	_ =	swait.ge [sflag:s2], $0x4000  }
0x9a: {  	[sflag:s2] =	ssyncset.done $0x0  }
0x9b: {  	[sflag:s2] =	ssyncadd.s32 $0xFFFFC000  }
0x9c: {  	[spmem:s3] =	stream.indirect.scatter.add.f32 [tilespmem:s0], [sflag:$0x3], $0x80, s5, s29, $0xb8;
	[tilespmem:$0x1C200] =	vst v63  }
0x9d: {  	_ =	swait.ge [sflag:s28], $0x4000  }
0x9e: {  	[sflag:s28] =	ssyncset.done $0x0  }
0x9f: {  	[sflag:s28] =	ssyncadd.s32 $0xFFFFC000  }
0xa0: {  	[bflag:$0x0] =	sbarrier.arrive $0xFFFF  }
0xa1: {  	[tilespmem:s26], [sflag:$0x3] =	stream.linear.gather [spmem:s6], $0x4000, $0x38;
	[tilespmem:$0x1C200] =	vst v63  }
0xa2: {  	_ =	swait.ge [sflag:s28], $0x4000  }
0xa3: {  	[sflag:s28] =	ssyncset.done $0x0;
	s13 =	rddreg [dreg:$0x5]  }
0xa4: {  	[sflag:s28] =	ssyncadd.s32 $0xFFFFC000;
	s9 =	sadd.s32 s13, s19  }
0xa5: {  	[hbm4b:s9+s4] =	stream.linear.scatter [tilespmem:s26], [sflag:$0x3], $0x4000, $0x38;
	[tilespmem:$0x1C200] =	vst v63  }
0xa6: {  	_ =	swait.ge [sflag:s28], $0x4000  }
0xa7: {  	[sflag:s28] =	ssyncset.done $0x0  }
0xa8: {  	[sflag:s28] =	ssyncadd.s32 $0xFFFFC000  }
0xa9: {  	[tilespmem:s0], [sflag:$0x3] =	stream.linear.gather [spmem:s7], $0x4000, $0x38;
	[tilespmem:$0x1C200] =	vst v63  }
0xaa: {  	_ =	swait.ge [sflag:s28], $0x4000  }
0xab: {  	[sflag:s28] =	ssyncset.done $0x0  }
0xac: {  	[sflag:s28] =	ssyncadd.s32 $0xFFFFC000  }
0xad: {  	[hbm4b:s22+s4] =	stream.linear.scatter [tilespmem:s0], [sflag:$0x3], $0x4000, $0x38;
	[tilespmem:$0x1C200] =	vst v63  }
0xae: {  	_ =	swait.ge [sflag:s28], $0x4000  }
0xaf: {  	[sflag:s28] =	ssyncset.done $0x0  }
0xb0: {  	[sflag:s28] =	ssyncadd.s32 $0xFFFFC000  }
0xb1: {  	[tilespmem:s26], [sflag:$0x3] =	stream.linear.gather [spmem:s8], $0x4000, $0x38;
	[tilespmem:$0x1C200] =	vst v63  }
0xb2: {  	_ =	swait.ge [sflag:s28], $0x4000  }
0xb3: {  	[sflag:s28] =	ssyncset.done $0x0  }
0xb4: {  	[sflag:s28] =	ssyncadd.s32 $0xFFFFC000  }
0xb5: {  	[hbm4b:s23+s4] =	stream.linear.scatter [tilespmem:s26], [sflag:$0x3], $0x4000, $0x38;
	[tilespmem:$0x1C200] =	vst v63  }
0xb6: {  	_ =	swait.ge [sflag:s28], $0x4000  }
0xb7: {  	[sflag:s28] =	ssyncset.done $0x0  }
0xb8: {  	[sflag:s28] =	ssyncadd.s32 $0xFFFFC000  }
0xb9: {  	[tilespmem:s0], [sflag:$0x3] =	stream.linear.gather [spmem:s10], $0x4000, $0x38;
	[tilespmem:$0x1C200] =	vst v63  }
0xba: {  	_ =	swait.ge [sflag:s28], $0x4000  }
0xbb: {  	[sflag:s28] =	ssyncset.done $0x0  }
0xbc: {  	[sflag:s28] =	ssyncadd.s32 $0xFFFFC000  }
0xbd: {  	[hbm4b:s24+s4] =	stream.linear.scatter [tilespmem:s0], [sflag:$0x3], $0x4000, $0x38;
	[tilespmem:$0x1C200] =	vst v63  }
0xbe: {  	_ =	swait.ge [sflag:s28], $0x4000  }
0xbf: {  	[sflag:s28] =	ssyncset.done $0x0  }
0xc0: {  	[sflag:s28] =	ssyncadd.s32 $0xFFFFC000  }
0xc1: {  	[tilespmem:s26], [sflag:$0x3] =	stream.linear.gather [spmem:s18], $0x4000, $0x38;
	[tilespmem:$0x1C200] =	vst v63  }
0xc2: {  	s11 =	sadd.s32 $0x1, s11;
	_ =	swait.ge [sflag:s28], $0x4000  }
0xc3: {  	p0 =	sne.s32 s11, s20;
	[sflag:s28] =	ssyncset.done $0x0  }
.Ltmp1:
0xc4: {  	[sflag:s28] =	ssyncadd.s32 $0xFFFFC000;
	(pc) =	sbr.rel @p0 .LBB2_1-.Ltmp1, $4  }
0xc5: {  	[hbm4b:s25+s4] =	stream.linear.scatter [tilespmem:s26], [sflag:$0x3], $0x4000, $0x38;
	[tilespmem:$0x1C200] =	vst v63  }
0xc6: {  	_ =	swait.ge [sflag:s28], $0x4000  }
0xc7: {  	[sflag:s28] =	ssyncset.done $0x0  }
0xc8: {  	[sflag:s28] =	ssyncadd.s32 $0xFFFFC000  }
0xc9: {  	_ =	sfence.sel $0x180000  }
0xca: {  	[bflag:$0x0] =	sbarrier.arrive $0xFFFF  }
0xcb: {  	_ =	strace $0x90000047  }
0xcc: {  	s0 =	stileid.u32;
	[bflag:$0x2] =	sbarrier.arrive $0xFFFF  }
0xcd: {  	p0 =	sne.s32 s0, $0x0;
	s0 =	rddreg [dreg:$0x4]  }
0xce: {  	s0 =	sadd.s32 @!p0 $0x100000, s0  }
0xcf: {  	[sflag:s0] =	ssyncadd.tile.s32 @!p0 $0x1;
	_ =	shalt  }
.Lfunc_end2:
_tile_overlayer_lowered:
.L_overlay_start_2:
0xd0: {  	(tag) =	ssettag $0x2  }
0xd1: {  	s0 =	rddreg [dreg:$0x0];
	s2 =	stileid.u32  }
0xd2: {  	s1 =	rddreg [dreg:$0x1];
	p0 =	sne.s32 s2, $0x0  }
0xd3: {  	s3 =	rddreg [dreg:$0x2];
	[bflag:$0x3] =	sbarrier.arrive $0xFFFF;
	s2 =	simm.s32 @!p0 $0x1C03  }
0xd4: {  	[timem:s3], [sflag:s2] =	dma.local @!p0 [hbm:s0], s1  }
0xd5: {  	s0 =	simm.s32 @!p0 $0x3  }
0xd6: {  	_ =	swait.ge @!p0 [sflag:s0], s1  }
0xd7: {  	s1 =	ssub.s32 @!p0 $0x0, s1;
	[sflag:s0] =	ssyncset.done @!p0 $0x0  }
0xd8: {  	[sflag:s0] =	ssyncadd.s32 @!p0 s1  }
0xd9: {  	[bflag:$0x3] =	sbarrier.arrive $0xFFFF  }
0xda: {  	_ =	shalt  }

// kernel: kernel.13.cloned.1.call-start
scs
__scs_entry_jumppad:
0x0: {  	(pc) =	sbr.rel $0x88, $3  }
0x1: {  	(tag) =	ssettag $0x0;
	lr =	simm.s32 $0x1  }
0x2: {  	[smem:$0x3F97] =	sst lr;
	_ =	strace $0xD0000000  }
0x3: {  	_ = 	snop  }
0x4: {  	_ = 	snop  }
0x5: {  	_ = 	snop  }
0x6: {  	_ = 	snop  }
0x7: {  	_ = 	snop  }
__scs_overlays_trampoline_lowered:
0x8: {  	[smem:$0x3FA6] =	sst s0  }
0x9: {  	[smem:$0x3FA7] =	sst s1  }
0xa: {  	[smem:$0x3FA8] =	sst s2  }
0xb: {  	[smem:$0x3FA9] =	sst s3  }
0xc: {  	[smem:$0x3FAA] =	sst s4  }
0xd: {  	[smem:$0x3FAB] =	sst s5  }
0xe: {  	[smem:$0x3FAC] =	sst s6  }
0xf: {  	[smem:$0x3FAD] =	sst s7  }
0x10: {  	[smem:$0x3FAE] =	sst s8  }
0x11: {  	[smem:$0x3FAF] =	sst s9;
	s0 =	simm.s32 @!p0 $0x0  }
0x12: {  	s1 =	sld [smem:$0x3F95];
	s0 =	simm.s32 @p0 $0x1  }
0x13: {  	[smem:$0x3FB0] =	sst s0;
	s0 =	simm.s32 @!p1 $0x0  }
0x14: {  	s2 =	sld [smem:$0x3F94];
	s0 =	simm.s32 @p1 $0x1  }
0x15: {  	[smem:$0x3FB1] =	sst s0;
	s0 =	simm.s32 @!p2 $0x0  }
0x16: {  	s3 =	sld [smem:$0x3FDB];
	s0 =	simm.s32 @p2 $0x1  }
0x17: {  	s4 =	simm.s32 $0x1BF5;
	[smem:$0x3FB3] =	sst s0  }
0x18: {  	s0 =	sld [smem:$0x3F96];
	_ =	swait.ge [sflag:s4], $0x0  }
0x19: {  	s7 =	sld [smem:$0x3F97]  }
0x1a: {  	s8 =	sadd.s32 $0xFFFFE003, lr  }
0x1b: {  	s9 =	sadd.s32 $0xFFFFFEF7, lr;
	s5 =	simm.s32 $0xFFFFFFFF;
	p2 =	slt.u32 s8, $0xFFFFF086  }
0x1c: {  	p1 =	slt.u32 s9, $0xF7A;
	s5 =	simm.s32 @!p2 $0x0  }
0x1d: {  	s5 =	simm.s32 @p1 $0x1;
	p0 =	seq.s32 s7, s2  }
0x1e: {  	s7 =	smul.u32 @!p0 $0xF7A, s2;
	p2 =	seq.s32 @!p0 s5, $0x0  }
0x1f: {  	s9 =	smul.u32 $0xF7A, s1;
	s8 =	simm.s32 @!p0 $0x1BF5;
	p2 =	por !p2, p0  }
0x20: {  	[sflag:s8] =	ssyncset.s32 @!p0 $0xFFFFF086;
	s6 =	sadd.s32 @!p0 s3, s7;
	s7 =	simm.s32 @!p0 $0x108  }
0x21: {  	s3 =	sadd.s32 s3, s9;
	s6 =	sadd.s32 @!p0 $0x88, s6;
	s7 =	simm.s32 @p2 $0x1082  }
0x22: {  	[simem:s7], [sflag:s8] =	dma.local @!p0 [hbm:s6], $0xF7A  }
0x23: {  	s9 =	sor.u32 $0xD0000000, s2;
	s6 =	simm.s32 $0x108;
	_ =	swait.ge @!p0 [sflag:s8], $0x0  }
0x24: {  	s3 =	sadd.s32 $0x88, s3;
	s6 =	simm.s32 @!p1 $0x1082;
	[sflag:s4] =	ssyncset.s32 $0xFFFFF086  }
0x25: {  	[simem:s6], [sflag:s4] =	dma.local [hbm:s3], $0xF7A  }
0x26: {  	[smem:$0x3F97] =	sst s1;
	(tag) =	ssettag s2;
	_ =	strace s9  }
0x27: {  	s1 =	sld [smem:$0x3FA7]  }
0x28: {  	s2 =	sld [smem:$0x3FA8]  }
0x29: {  	s4 =	sld [smem:$0x3FAA]  }
0x2a: {  	p0 =	seq.s32 s5, $0x0;
	s5 =	sld [smem:$0x3FAB]  }
0x2b: {  	s6 =	sld [smem:$0x3FAC]  }
0x2c: {  	s7 =	sld [smem:$0x3FAD]  }
0x2d: {  	s3 =	simm.s32 $0x108;
	s8 =	sld [smem:$0x3FAE]  }
0x2e: {  	s3 =	simm.s32 @!p0 $0x1082;
	s9 =	sld [smem:$0x3FAF]  }
0x2f: {  	lr =	sadd.s32 s0, s3;
	s0 =	sld [smem:$0x3FA6]  }
0x30: {  	s3 =	sld [smem:$0x3FA9]  }
0x31: {  	[smem:$0x3FB2] =	sst s10  }
0x32: {  	s10 =	sld [smem:$0x3FB0];
	_ =	sdelay $0x3  }
0x33: {  	p0 =	seq.s32 s10, $0x1;
	s10 =	sld [smem:$0x3FB2];
	_ =	sdelay $0x3  }
0x34: {  	[smem:$0x3FB2] =	sst s10  }
0x35: {  	s10 =	sld [smem:$0x3FB1];
	_ =	sdelay $0x3  }
0x36: {  	p1 =	seq.s32 s10, $0x1;
	s10 =	sld [smem:$0x3FB2];
	_ =	sdelay $0x3  }
0x37: {  	[smem:$0x3FB2] =	sst s10  }
0x38: {  	s10 =	sld [smem:$0x3FB3]  }
0x39: {  	_ = 	snop;
	(pc) =	sbr.ind lr, $3  }
0x3a: {  	_ = 	snop  }
0x3b: {  	_ = 	snop  }
0x3c: {  	p2 =	seq.s32 s10, $0x1;
	s10 =	sld [smem:$0x3FB2]  }
0x3d: {  	_ =	shalt  }
0x3e: {  	_ =	shalt  }
0x3f: {  	_ =	shalt  }
0x40: {  	_ =	shalt  }
0x41: {  	_ =	shalt  }
0x42: {  	_ =	shalt  }
0x43: {  	_ =	shalt  }
0x44: {  	_ =	shalt  }
0x45: {  	_ =	shalt  }
0x46: {  	_ =	shalt  }
0x47: {  	_ =	shalt  }
0x48: {  	_ =	shalt  }
0x49: {  	_ =	shalt  }
0x4a: {  	_ =	shalt  }
0x4b: {  	_ =	shalt  }
0x4c: {  	_ =	shalt  }
0x4d: {  	_ =	shalt  }
0x4e: {  	_ =	shalt  }
0x4f: {  	_ =	shalt  }
0x50: {  	_ =	shalt  }
0x51: {  	_ =	shalt  }
0x52: {  	_ =	shalt  }
0x53: {  	_ =	shalt  }
0x54: {  	_ =	shalt  }
0x55: {  	_ =	shalt  }
0x56: {  	_ =	shalt  }
0x57: {  	_ =	shalt  }
0x58: {  	_ =	shalt  }
0x59: {  	_ =	shalt  }
0x5a: {  	_ =	shalt  }
0x5b: {  	_ =	shalt  }
0x5c: {  	_ =	shalt  }
0x5d: {  	_ =	shalt  }
0x5e: {  	_ =	shalt  }
0x5f: {  	_ =	shalt  }
0x60: {  	_ =	shalt  }
0x61: {  	_ =	shalt  }
0x62: {  	_ =	shalt  }
0x63: {  	_ =	shalt  }
0x64: {  	_ =	shalt  }
0x65: {  	_ =	shalt  }
0x66: {  	_ =	shalt  }
0x67: {  	_ =	shalt  }
0x68: {  	_ =	shalt  }
0x69: {  	_ =	shalt  }
0x6a: {  	_ =	shalt  }
0x6b: {  	_ =	shalt  }
0x6c: {  	_ =	shalt  }
0x6d: {  	_ =	shalt  }
0x6e: {  	_ =	shalt  }
0x6f: {  	_ =	shalt  }
0x70: {  	_ =	shalt  }
0x71: {  	_ =	shalt  }
0x72: {  	_ =	shalt  }
0x73: {  	_ =	shalt  }
0x74: {  	_ =	shalt  }
0x75: {  	_ =	shalt  }
0x76: {  	_ =	shalt  }
0x77: {  	_ =	shalt  }
0x78: {  	_ =	shalt  }
0x79: {  	_ =	shalt  }
0x7a: {  	_ =	shalt  }
0x7b: {  	_ =	shalt  }
0x7c: {  	_ =	shalt  }
0x7d: {  	_ =	shalt  }
0x7e: {  	_ =	shalt  }
0x7f: {  	_ =	shalt  }
0x80: {  	_ =	shalt  }
0x81: {  	_ =	shalt  }
0x82: {  	_ =	shalt  }
0x83: {  	_ =	shalt  }
0x84: {  	_ =	shalt  }
0x85: {  	_ =	shalt  }
0x86: {  	_ =	shalt  }
0x87: {  	_ =	shalt  }
.Lfunc_end0:
.L_simem_size_0:
called_computation.2_lowered:
.L_overlay_start_0:
0x88: {  	s2 =	sld [smem:$0x3FD9]  }
0x89: {  	s3 =	sld [smem:$0x3FFE];
	_ =	sdelay $0x1  }
0x8a: {  	s1 =	srdreg.scid  }
0x8b: {  	s0 =	sand.u32 $0x1, s1  }
0x8c: {  	s17 =	sshll.u32 s0, $0xA;
	s2 =	sadd.s32 s3, s2  }
0x8d: {  	s2 =	sadd.s32 s2, s17  }
0x8e: {  	[smem:$0x3FBE] =	sst s2  }
0x8f: {  	_ = 	snop  }
0x90: {  	s2 =	sld [smem:$0x3FD0];
	(tm) =	ssettm $0x1  }
0x91: {  	s18 =	sld [smem:$0x3FFB];
	_ =	sdelay $0x3  }
0x92: {  	_ =	strace s18  }
0x93: {  	s3 =	sld [smem:$0x3FFC];
	_ =	sdelay $0x3  }
0x94: {  	_ =	strace s3  }
0x95: {  	s3 =	sld [smem:$0x3FFD];
	_ =	sdelay $0x3  }
0x96: {  	_ =	strace s3  }
0x97: {  	_ =	strace $0x8FFFFFFF  }
0x98: {  	s19 =	sld [smem:$0x3FDB];
	_ =	sdelay $0x1  }
0x99: {  	s4 =	simm.s32 $_scs_section_size  }
0x9a: {  	s5 =	simm.s32 $_size__tile_overlayer_lowered;
	s6 =	simm.s32 $_tile_overlayer_lowered  }
0x9b: {  	s22 =	simm.s32 $0x1BFF;
	s21 =	sshll.u32 s6, $0x1;
	s3 =	sadd.s32 s4, s19  }
0x9c: {  	s7 =	simm.s32 $0x0;
	s20 =	sshll.u32 s5, $0x1;
	s5 =	sadd.s32 s21, s3  }
0x9d: {  	[timem:s7], [sflag:s22] =	dma.local [hbm:s5], s20  }
0x9e: {  	_ =	swait.ge [sflag:s22], s20  }
0x9f: {  	s4 =	ssub.s32 $0x0, s20;
	[sflag:s22] =	ssyncset.done $0x0  }
0xa0: {  	[sflag:s22] =	ssyncadd.s32 s4;
	_ =	sdelay $0x1  }
0xa1: {  	s23 =	simm.s32 $0x1B8B  }
0xa2: {  	_ =	swait.ge [sflag:s23], $0x1  }
0xa3: {  	[sflag:s23] =	ssyncset.done $0x0  }
0xa4: {  	s25 =	simm.s32 $0x1B8E;
	s24 =	sld [smem:$0x3FFE];
	[sflag:s23] =	ssyncadd.s32 $0xFFFFFFFF  }
0xa5: {  	s26 =	simm.s32 $execute0_lowered;
	[smem:$0x3FD2] =	sst s25  }
0xa6: {  	s5 =	sshll.u32 s26, $0x1;
	_ =	strace $0x8000004C;
	[dreg:$0x1] =	wrdreg $0xFFFFFFFF  }
0xa7: {  	s28 =	simm.s32 $_size_execute0_lowered;
	s3 =	sadd.s32 s3, s5;
	[dreg:$0x0] =	wrdreg $0x0  }
0xa8: {  	s5 =	sshll.u32 s28, $0x1;
	[dreg:$0x2] =	wrdreg s3  }
0xa9: {  	[dreg:$0x3] =	wrdreg s5  }
0xaa: {  	[dreg:$0x4] =	wrdreg $0xC0  }
0xab: {  	_ =	task [dreg:s7], $0x5FFFF  }
0xac: {  	[dreg:$0x1] =	wrdreg $0xFFFFFFFF  }
0xad: {  	[dreg:$0x0] =	wrdreg $0x60  }
0xae: {  	[dreg:$0x2] =	wrdreg s24  }
0xaf: {  	[dreg:$0x3] =	wrdreg s2  }
0xb0: {  	[dreg:$0x4] =	wrdreg $0x82000  }
0xb1: {  	[dreg:$0x5] =	wrdreg $0x9  }
0xb2: {  	_ =	task.clear_ibuf [dreg:s7], $0x6FFFF;
	_ =	strace $0x9000004C  }
0xb3: {  	s29 =	simm.s32 $0x9;
	_ =	strace $0x8000004E  }
0xb4: {  	_ =	swait.ge [sflag:s29], $0x1  }
0xb5: {  	[sflag:s29] =	ssyncadd.s32 $0xFFFFFFFF  }
0xb6: {  	_ =	strace $0x9000004E  }
0xb7: {  	_ =	sfence  }
0xb8: {  	s30 =	sld [smem:$0x0];
	_ =	sdelay $0x2  }
0xb9: {  	s31 =	sshll.u32 s1, $0xD;
	s1 =	sshrl.u32 s1, $0x2  }
0xba: {  	s3 =	sand.u32 $0x4000, s31;
	s1 =	sadd.s32 s1, s30  }
0xbb: {  	s0 =	sor.u32 s3, s0;
	s1 =	sshll.u32 s1, $0x11  }
0xbc: {  	s0 =	sor.u32 s1, s0  }
0xbd: {  	s0 =	sadd.s32 $0x8F2B, s0  }
0xbe: {  	[sflag:s0] =	ssyncadd.remote.s32 $0x1  }
0xbf: {  	_ =	sfence.sel $0xFFFF  }
0xc0: {  	[dreg:$0x0] =	wrdreg $0xFFFFFFFF;
	(pc) =	sbr.abs _section_cstart, $3  }
0xc1: {  	[dreg:$0x1] =	wrdreg $0xFFFFFFFF  }
0xc2: {  	_ =	task.clear_ibuf [dreg:s7], $0x2FFFF;
	_ =	strace $0x9FFFFFFF  }
0xc3: {  	(tm) =	ssettm $0x7FFFFFFF  }
tec
execute0_lowered:
.L_overlay_start_1:
0x0: {  	(tag) =	ssettag $0x1  }
0x1: {  	s0 =	rddreg [dreg:$0x0]  }
0x2: {  	s2 =	rddreg [dreg:$0x2];
	s3 =	simm.s32 $0x0;
	s1 =	srdreg.scid  }
0x3: {  	s9 =	stileid.u32;
	s28 =	simm.s32 $0x3;
	s29 =	simm.s32 $0x80  }
0x4: {  	s30 =	simm.s32 $0x100;
	s31 =	simm.s32 $0x1;
	[smem:$0x7FF] =	sst s3  }
0x5: {  	s4 =	sadd.s32 $0x64C00, s0;
	s5 =	sadd.s32 $0x2800, s0;
	s13 =	smul.u32 $0x280, s9  }
0x6: {  	s1 =	sand.u32 $0x1, s1;
	s11 =	sadd.s32 $0xC800, s0;
	s8 =	smul.u32 $0x50000, s9  }
0x7: {  	s12 =	smul.u32 $0x28000, s1;
	s6 =	ssub.s32 $0x2, s1;
	s1 =	sshll.u32 s1, $0x4  }
0x8: {  	_ =	strace $0x8000004D;
	s7 =	sshrl.u32 s6, $0x1;
	s1 =	sor.u32 s9, s1  }
0x9: {  	s15 =	sshrl.u32 s8, $0x2;
	s21 =	sadd.s32 $0x80, s13;
	s22 =	sadd.s32 $0x100, s13  }
0xa: {  	s23 =	sadd.s32 $0x180, s13;
	s9 =	smul.u32 $0x2800, s9;
	s24 =	sadd.s32 $0x200, s13  }
0xb: {  	s0 =	sadd.s32 s12, s0;
	s20 =	ssub.s32 s6, s7;
	s1 =	smul.u32 $0x2800, s1  }
0xc: {  	s6 =	sadd.s32 s15, s2;
	s16 =	sshll.u32 s21, $0x7;
	s17 =	sshll.u32 s22, $0x7  }
0xd: {  	s10 =	sshll.u32 s23, $0x7;
	s13 =	sshll.u32 s22, $0x4;
	s7 =	sadd.s32 s16, s2  }
0xe: {  	s8 =	sadd.s32 s17, s2;
	s10 =	sadd.s32 s10, s2;
	[dreg:$0x4] =	wrdreg s9  }
0xf: {  	s12 =	sadd.s32 s9, s12;
	s20 =	smax.u32 s20, $0x1;
	s1 =	sshrl.u32 s1, $0x3  }
0x10: {  	s25 =	sor.u32 $0x100, s12;
	s15 =	sor.u32 $0x80, s12;
	s9 =	sshrl.u32 s12, $0x3  }
0x11: {  	s12 =	sshll.u32 s21, $0x4;
	s18 =	sadd.s32 $0x4F0, s1;
	s14 =	sadd.s32 s5, s1  }
0x12: {  	s1 =	sadd.s32 s11, s1;
	s16 =	sshrl.u32 s15, $0x3;
	s17 =	sadd.s32 s9, s11  }
0x13: {  	[dreg:$0x5] =	wrdreg s14;
	s19 =	sadd.s32 s5, s18;
	s26 =	sadd.s32 s11, s18  }
0x14: {  	s14 =	sshrl.u32 s25, $0x3;
	s15 =	sadd.s32 s16, s5;
	s16 =	sadd.s32 s16, s11  }
0x15: {  	s11 =	sshll.u32 s24, $0x7;
	s25 =	sshll.u32 s23, $0x4;
	[dreg:$0x6] =	wrdreg s19  }
0x16: {  	s21 =	sadd.s32 $0x4E0, s1;
	s1 =	simm.s32 $0x2;
	[dreg:$0x7] =	wrdreg s26  }
0x17: {  	s14 =	sadd.s32 s14, s5;
	s18 =	sadd.s32 s11, s2;
	s19 =	sadd.s32 $0x8BE00, s0  }
0x18: {  	s26 =	sshll.u32 s24, $0x4;
	s0 =	simm.s32 $0x4200;
	s5 =	simm.s32 $0x180  }
0x19: {  	s11 =	simm.s32 $0x0;
	s22 =	sadd.s32 s12, s19;
	s23 =	sadd.s32 s13, s19  }
0x1a: {  	s24 =	sadd.s32 s25, s19;
	s25 =	sadd.s32 s26, s19;
	s26 =	simm.s32 $0x200  }
.LBB2_1:
0x1b: {  	s9 =	rddreg [dreg:$0x1]  }
0x1c: {  	[tilespmem:s26], [sflag:$0x3] =	stream.linear.gather [hbm4b:s9+s3], $0x4000, $0x38;
	[tilespmem:$0x1C200] =	vst v63  }
0x1d: {  	_ =	swait.ge [sflag:s28], $0x4000  }
0x1e: {  	[sflag:s28] =	ssyncset.done $0x0  }
0x1f: {  	[sflag:s28] =	ssyncadd.s32 $0xFFFFC000  }
0x20: {  	[spmem:s6] =	stream.linear.scatter [tilespmem:s26], [sflag:$0x3], $0x4000, $0x38;
	[tilespmem:$0x1C200] =	vst v63  }
0x21: {  	_ =	swait.ge [sflag:s28], $0x4000  }
0x22: {  	[sflag:s28] =	ssyncset.done $0x0  }
0x23: {  	[sflag:s28] =	ssyncadd.s32 $0xFFFFC000  }
0x24: {  	[spmem:s7] =	stream.linear.scatter [tilespmem:s26], [sflag:$0x3], $0x4000, $0x38;
	[tilespmem:$0x1C200] =	vst v63  }
0x25: {  	_ =	swait.ge [sflag:s28], $0x4000  }
0x26: {  	[sflag:s28] =	ssyncset.done $0x0  }
0x27: {  	[sflag:s28] =	ssyncadd.s32 $0xFFFFC000  }
0x28: {  	[spmem:s8] =	stream.linear.scatter [tilespmem:s26], [sflag:$0x3], $0x4000, $0x38;
	[tilespmem:$0x1C200] =	vst v63  }
0x29: {  	_ =	swait.ge [sflag:s28], $0x4000  }
0x2a: {  	[sflag:s28] =	ssyncset.done $0x0  }
0x2b: {  	[sflag:s28] =	ssyncadd.s32 $0xFFFFC000  }
0x2c: {  	[spmem:s10] =	stream.linear.scatter [tilespmem:s26], [sflag:$0x3], $0x4000, $0x38;
	[tilespmem:$0x1C200] =	vst v63  }
0x2d: {  	_ =	swait.ge [sflag:s28], $0x4000  }
0x2e: {  	[sflag:s28] =	ssyncset.done $0x0  }
0x2f: {  	[sflag:s28] =	ssyncadd.s32 $0xFFFFC000  }
0x30: {  	[spmem:s18] =	stream.linear.scatter [tilespmem:s26], [sflag:$0x3], $0x4000, $0x38;
	[tilespmem:$0x1C200] =	vst v63  }
0x31: {  	_ =	swait.ge [sflag:s28], $0x4000  }
0x32: {  	[sflag:s28] =	ssyncset.done $0x0  }
0x33: {  	[sflag:s28] =	ssyncadd.s32 $0xFFFFC000  }
0x34: {  	[bflag:$0x0] =	sbarrier.arrive $0xFFFF  }
0x35: {  	s12 =	rddreg [dreg:$0x5]  }
0x36: {  	[tilespmem:s3], [sflag:$0x3] =	stream.linear.gather [hbm4b:s12+s3], $0x80, $0x38;
	[tilespmem:$0x1C200] =	vst v63  }
0x37: {  	_ =	swait.ge [sflag:s28], $0x80  }
0x38: {  	[sflag:s28] =	ssyncset.done $0x0  }
0x39: {  	[sflag:s28] =	ssyncadd.s32 $0xFFFFFF80  }
0x3a: {  	[tilespmem:s26], [sflag:$0x1] =	stream.indirect.gather [hbm4b:s4+s29], $0x80, s3, s29, $0xb8;
	[tilespmem:$0x1C200] =	vst v63  }
0x3b: {  	s12 =	sadd.s32 $0x0, s15  }
0x3c: {  	[tilespmem:s29], [sflag:$0x3] =	stream.linear.gather [hbm4b:s12+s3], $0x80, $0x38;
	[tilespmem:$0x1C200] =	vst v63  }
0x3d: {  	_ =	swait.ge [sflag:s28], $0x80  }
0x3e: {  	[sflag:s28] =	ssyncset.done $0x0  }
0x3f: {  	s13 =	sadd.s32 $0x0, s17;
	[sflag:s28] =	ssyncadd.s32 $0xFFFFFF80  }
0x40: {  	[tilespmem:s30], [sflag:$0x3] =	stream.linear.gather [hbm4b:s13+s3], $0x80, $0x38;
	[tilespmem:$0x1C200] =	vst v63  }
0x41: {  	_ =	swait.ge [sflag:s28], $0x80  }
0x42: {  	[sflag:s28] =	ssyncset.done $0x0  }
0x43: {  	[sflag:s28] =	ssyncadd.s32 $0xFFFFFF80  }
0x44: {  	_ =	swait.ge [sflag:s31], $0x4000  }
0x45: {  	[sflag:s31] =	ssyncset.done $0x0  }
0x46: {  	[sflag:s31] =	ssyncadd.s32 $0xFFFFC000  }
0x47: {  	[tilespmem:s0], [sflag:$0x2] =	stream.indirect.gather [hbm4b:s4+s29], $0x80, s29, s29, $0xb8;
	[tilespmem:$0x1C200] =	vst v63  }
0x48: {  	_ = 	snop  }
0x49: {  	[spmem:s2] =	stream.indirect.scatter.add.f32 [tilespmem:s26], [sflag:$0x3], $0x80, s30, s29, $0xb8;
	[tilespmem:$0x1C200] =	vst v63  }
0x4a: {  	_ =	swait.ge [sflag:s28], $0x4000  }
0x4b: {  	[sflag:s28] =	ssyncset.done $0x0  }
0x4c: {  	s9 =	sadd.s32 $0x0, s16;
	[sflag:s28] =	ssyncadd.s32 $0xFFFFC000  }
0x4d: {  	[tilespmem:s5], [sflag:$0x3] =	stream.linear.gather [hbm4b:s9+s3], $0x80, $0x38;
	[tilespmem:$0x1C200] =	vst v63  }
0x4e: {  	_ =	swait.ge [sflag:s28], $0x80  }
0x4f: {  	[sflag:s28] =	ssyncset.done $0x0  }
0x50: {  	s13 =	sadd.s32 $0x0, s14;
	[sflag:s28] =	ssyncadd.s32 $0xFFFFFF80  }
0x51: {  	[tilespmem:s3], [sflag:$0x3] =	stream.linear.gather [hbm4b:s13+s3], $0x80, $0x38;
	[tilespmem:$0x1C200] =	vst v63  }
0x52: {  	_ =	swait.ge [sflag:s28], $0x80  }
0x53: {  	[sflag:s28] =	ssyncset.done $0x0  }
0x54: {  	[sflag:s28] =	ssyncadd.s32 $0xFFFFFF80  }
0x55: {  	_ =	swait.ge [sflag:s1], $0x4000  }
0x56: {  	[sflag:s1] =	ssyncset.done $0x0  }
0x57: {  	[sflag:s1] =	ssyncadd.s32 $0xFFFFC000  }
0x58: {  	[tilespmem:s26], [sflag:$0x1] =	stream.indirect.gather [hbm4b:s4+s29], $0x80, s3, s29, $0xb8;
	[tilespmem:$0x1C200] =	vst v63  }
0x59: {  	_ = 	snop  }
0x5a: {  	[spmem:s2] =	stream.indirect.scatter.add.f32 [tilespmem:s0], [sflag:$0x3], $0x80, s5, s29, $0xb8;
	[tilespmem:$0x1C200] =	vst v63  }
0x5b: {  	_ =	swait.ge [sflag:s28], $0x4000  }
0x5c: {  	s12 =	simm.s32 $0x20;
	[sflag:s28] =	ssyncset.done $0x0  }
.LBB2_2:
0x5d: {  	p0 =	sne.s32 s12, $0x4C0  }
0x5e: {  	[sflag:s28] =	ssyncadd.s32 $0xFFFFC000;
	s9 =	smov.u32 s12;
	s12 =	sadd.s32 $0x20, s12  }
0x5f: {  	s13 =	sadd.s32 s9, s15  }
0x60: {  	[tilespmem:s29], [sflag:$0x3] =	stream.linear.gather [hbm4b:s13+s3], $0x80, $0x38;
	[tilespmem:$0x1C200] =	vst v63  }
0x61: {  	_ =	swait.ge [sflag:s28], $0x80  }
0x62: {  	[sflag:s28] =	ssyncset.done $0x0  }
0x63: {  	s13 =	sadd.s32 s9, s17;
	[sflag:s28] =	ssyncadd.s32 $0xFFFFFF80  }
0x64: {  	[tilespmem:s30], [sflag:$0x3] =	stream.linear.gather [hbm4b:s13+s3], $0x80, $0x38;
	[tilespmem:$0x1C200] =	vst v63  }
0x65: {  	_ =	swait.ge [sflag:s28], $0x80  }
0x66: {  	[sflag:s28] =	ssyncset.done $0x0  }
0x67: {  	[sflag:s28] =	ssyncadd.s32 $0xFFFFFF80  }
0x68: {  	_ =	swait.ge [sflag:s31], $0x4000  }
0x69: {  	[sflag:s31] =	ssyncset.done $0x0  }
0x6a: {  	[sflag:s31] =	ssyncadd.s32 $0xFFFFC000  }
0x6b: {  	[tilespmem:s0], [sflag:$0x2] =	stream.indirect.gather [hbm4b:s4+s29], $0x80, s29, s29, $0xb8;
	[tilespmem:$0x1C200] =	vst v63  }
0x6c: {  	_ = 	snop  }
0x6d: {  	[spmem:s2] =	stream.indirect.scatter.add.f32 [tilespmem:s26], [sflag:$0x3], $0x80, s30, s29, $0xb8;
	[tilespmem:$0x1C200] =	vst v63  }
0x6e: {  	_ =	swait.ge [sflag:s28], $0x4000  }
0x6f: {  	[sflag:s28] =	ssyncset.done $0x0  }
0x70: {  	s13 =	sadd.s32 s9, s16;
	[sflag:s28] =	ssyncadd.s32 $0xFFFFC000  }
0x71: {  	[tilespmem:s5], [sflag:$0x3] =	stream.linear.gather [hbm4b:s13+s3], $0x80, $0x38;
	[tilespmem:$0x1C200] =	vst v63  }
0x72: {  	_ =	swait.ge [sflag:s28], $0x80  }
0x73: {  	[sflag:s28] =	ssyncset.done $0x0  }
0x74: {  	s9 =	sadd.s32 s9, s14;
	[sflag:s28] =	ssyncadd.s32 $0xFFFFFF80  }
0x75: {  	[tilespmem:s3], [sflag:$0x3] =	stream.linear.gather [hbm4b:s9+s3], $0x80, $0x38;
	[tilespmem:$0x1C200] =	vst v63  }
0x76: {  	_ =	swait.ge [sflag:s28], $0x80  }
0x77: {  	[sflag:s28] =	ssyncset.done $0x0  }
0x78: {  	[sflag:s28] =	ssyncadd.s32 $0xFFFFFF80  }
0x79: {  	_ =	swait.ge [sflag:s1], $0x4000  }
0x7a: {  	[sflag:s1] =	ssyncset.done $0x0  }
0x7b: {  	[sflag:s1] =	ssyncadd.s32 $0xFFFFC000  }
0x7c: {  	[tilespmem:s26], [sflag:$0x1] =	stream.indirect.gather [hbm4b:s4+s29], $0x80, s3, s29, $0xb8;
	[tilespmem:$0x1C200] =	vst v63  }
.Ltmp0:
0x7d: {  	_ = 	snop;
	(pc) =	sbr.rel @p0 .LBB2_2-.Ltmp0, $4  }
0x7e: {  	_ = 	snop  }
0x7f: {  	[spmem:s2] =	stream.indirect.scatter.add.f32 [tilespmem:s0], [sflag:$0x3], $0x80, s5, s29, $0xb8;
	[tilespmem:$0x1C200] =	vst v63  }
0x80: {  	_ =	swait.ge [sflag:s28], $0x4000  }
0x81: {  	[sflag:s28] =	ssyncset.done $0x0  }
0x82: {  	[sflag:s28] =	ssyncadd.s32 $0xFFFFC000;
	s9 =	rddreg [dreg:$0x6]  }
0x83: {  	[tilespmem:s29], [sflag:$0x3] =	stream.linear.gather [hbm4b:s9+s3], $0x80, $0x38;
	[tilespmem:$0x1C200] =	vst v63  }
0x84: {  	_ =	swait.ge [sflag:s28], $0x80  }
0x85: {  	[sflag:s28] =	ssyncset.done $0x0  }
0x86: {  	[sflag:s28] =	ssyncadd.s32 $0xFFFFFF80  }
0x87: {  	[tilespmem:s30], [sflag:$0x3] =	stream.linear.gather [hbm4b:s21+s3], $0x80, $0x38;
	[tilespmem:$0x1C200] =	vst v63  }
0x88: {  	_ =	swait.ge [sflag:s28], $0x80  }
0x89: {  	[sflag:s28] =	ssyncset.done $0x0  }
0x8a: {  	[sflag:s28] =	ssyncadd.s32 $0xFFFFFF80  }
0x8b: {  	_ =	swait.ge [sflag:s31], $0x4000  }
0x8c: {  	[sflag:s31] =	ssyncset.done $0x0  }
0x8d: {  	[sflag:s31] =	ssyncadd.s32 $0xFFFFC000  }
0x8e: {  	[tilespmem:s0], [sflag:$0x2] =	stream.indirect.gather [hbm4b:s4+s29], $0x80, s29, s29, $0xb8;
	[tilespmem:$0x1C200] =	vst v63  }
0x8f: {  	_ = 	snop  }
0x90: {  	[spmem:s2] =	stream.indirect.scatter.add.f32 [tilespmem:s26], [sflag:$0x3], $0x80, s30, s29, $0xb8;
	[tilespmem:$0x1C200] =	vst v63  }
0x91: {  	_ =	swait.ge [sflag:s28], $0x4000  }
0x92: {  	[sflag:s28] =	ssyncset.done $0x0  }
0x93: {  	s12 =	rddreg [dreg:$0x7];
	[sflag:s28] =	ssyncadd.s32 $0xFFFFC000  }
0x94: {  	[tilespmem:s5], [sflag:$0x3] =	stream.linear.gather [hbm4b:s12+s3], $0x80, $0x38;
	[tilespmem:$0x1C200] =	vst v63  }
0x95: {  	_ =	swait.ge [sflag:s28], $0x80  }
0x96: {  	[sflag:s28] =	ssyncset.done $0x0  }
0x97: {  	[sflag:s28] =	ssyncadd.s32 $0xFFFFFF80  }
0x98: {  	_ =	swait.ge [sflag:s1], $0x4000  }
0x99: {  	[sflag:s1] =	ssyncset.done $0x0  }
0x9a: {  	[sflag:s1] =	ssyncadd.s32 $0xFFFFC000  }
0x9b: {  	[spmem:s2] =	stream.indirect.scatter.add.f32 [tilespmem:s0], [sflag:$0x3], $0x80, s5, s29, $0xb8;
	[tilespmem:$0x1C200] =	vst v63  }
0x9c: {  	_ =	swait.ge [sflag:s28], $0x4000  }
0x9d: {  	[sflag:s28] =	ssyncset.done $0x0  }
0x9e: {  	[sflag:s28] =	ssyncadd.s32 $0xFFFFC000  }
0x9f: {  	[bflag:$0x0] =	sbarrier.arrive $0xFFFF  }
0xa0: {  	[tilespmem:s26], [sflag:$0x3] =	stream.linear.gather [spmem:s6], $0x4000, $0x38;
	[tilespmem:$0x1C200] =	vst v63  }
0xa1: {  	_ =	swait.ge [sflag:s28], $0x4000  }
0xa2: {  	[sflag:s28] =	ssyncset.done $0x0;
	s13 =	rddreg [dreg:$0x4]  }
0xa3: {  	[sflag:s28] =	ssyncadd.s32 $0xFFFFC000;
	s9 =	sadd.s32 s13, s19  }
0xa4: {  	[hbm4b:s9+s3] =	stream.linear.scatter [tilespmem:s26], [sflag:$0x3], $0x4000, $0x38;
	[tilespmem:$0x1C200] =	vst v63  }
0xa5: {  	_ =	swait.ge [sflag:s28], $0x4000  }
0xa6: {  	[sflag:s28] =	ssyncset.done $0x0  }
0xa7: {  	[sflag:s28] =	ssyncadd.s32 $0xFFFFC000  }
0xa8: {  	[tilespmem:s0], [sflag:$0x3] =	stream.linear.gather [spmem:s7], $0x4000, $0x38;
	[tilespmem:$0x1C200] =	vst v63  }
0xa9: {  	_ =	swait.ge [sflag:s28], $0x4000  }
0xaa: {  	[sflag:s28] =	ssyncset.done $0x0  }
0xab: {  	[sflag:s28] =	ssyncadd.s32 $0xFFFFC000  }
0xac: {  	[hbm4b:s22+s3] =	stream.linear.scatter [tilespmem:s0], [sflag:$0x3], $0x4000, $0x38;
	[tilespmem:$0x1C200] =	vst v63  }
0xad: {  	_ =	swait.ge [sflag:s28], $0x4000  }
0xae: {  	[sflag:s28] =	ssyncset.done $0x0  }
0xaf: {  	[sflag:s28] =	ssyncadd.s32 $0xFFFFC000  }
0xb0: {  	[tilespmem:s26], [sflag:$0x3] =	stream.linear.gather [spmem:s8], $0x4000, $0x38;
	[tilespmem:$0x1C200] =	vst v63  }
0xb1: {  	_ =	swait.ge [sflag:s28], $0x4000  }
0xb2: {  	[sflag:s28] =	ssyncset.done $0x0  }
0xb3: {  	[sflag:s28] =	ssyncadd.s32 $0xFFFFC000  }
0xb4: {  	[hbm4b:s23+s3] =	stream.linear.scatter [tilespmem:s26], [sflag:$0x3], $0x4000, $0x38;
	[tilespmem:$0x1C200] =	vst v63  }
0xb5: {  	_ =	swait.ge [sflag:s28], $0x4000  }
0xb6: {  	[sflag:s28] =	ssyncset.done $0x0  }
0xb7: {  	[sflag:s28] =	ssyncadd.s32 $0xFFFFC000  }
0xb8: {  	[tilespmem:s0], [sflag:$0x3] =	stream.linear.gather [spmem:s10], $0x4000, $0x38;
	[tilespmem:$0x1C200] =	vst v63  }
0xb9: {  	_ =	swait.ge [sflag:s28], $0x4000  }
0xba: {  	[sflag:s28] =	ssyncset.done $0x0  }
0xbb: {  	[sflag:s28] =	ssyncadd.s32 $0xFFFFC000  }
0xbc: {  	[hbm4b:s24+s3] =	stream.linear.scatter [tilespmem:s0], [sflag:$0x3], $0x4000, $0x38;
	[tilespmem:$0x1C200] =	vst v63  }
0xbd: {  	_ =	swait.ge [sflag:s28], $0x4000  }
0xbe: {  	[sflag:s28] =	ssyncset.done $0x0  }
0xbf: {  	[sflag:s28] =	ssyncadd.s32 $0xFFFFC000  }
0xc0: {  	[tilespmem:s26], [sflag:$0x3] =	stream.linear.gather [spmem:s18], $0x4000, $0x38;
	[tilespmem:$0x1C200] =	vst v63  }
0xc1: {  	s11 =	sadd.s32 $0x1, s11;
	_ =	swait.ge [sflag:s28], $0x4000  }
0xc2: {  	p0 =	sne.s32 s11, s20;
	[sflag:s28] =	ssyncset.done $0x0  }
.Ltmp1:
0xc3: {  	[sflag:s28] =	ssyncadd.s32 $0xFFFFC000;
	(pc) =	sbr.rel @p0 .LBB2_1-.Ltmp1, $4  }
0xc4: {  	[hbm4b:s25+s3] =	stream.linear.scatter [tilespmem:s26], [sflag:$0x3], $0x4000, $0x38;
	[tilespmem:$0x1C200] =	vst v63  }
0xc5: {  	_ =	swait.ge [sflag:s28], $0x4000  }
0xc6: {  	[sflag:s28] =	ssyncset.done $0x0  }
0xc7: {  	[sflag:s28] =	ssyncadd.s32 $0xFFFFC000  }
0xc8: {  	_ =	sfence.sel $0x180000  }
0xc9: {  	[bflag:$0x0] =	sbarrier.arrive $0xFFFF  }
0xca: {  	_ =	strace $0x9000004D  }
0xcb: {  	s0 =	stileid.u32;
	[bflag:$0x2] =	sbarrier.arrive $0xFFFF  }
0xcc: {  	p0 =	sne.s32 s0, $0x0;
	s0 =	rddreg [dreg:$0x3]  }
0xcd: {  	s0 =	sadd.s32 @!p0 $0x100000, s0  }
0xce: {  	[sflag:s0] =	ssyncadd.tile.s32 @!p0 $0x1;
	_ =	shalt  }
.Lfunc_end2:
_tile_overlayer_lowered:
.L_overlay_start_2:
0xcf: {  	(tag) =	ssettag $0x2  }
0xd0: {  	s0 =	rddreg [dreg:$0x0];
	s2 =	stileid.u32  }
0xd1: {  	s1 =	rddreg [dreg:$0x1];
	p0 =	sne.s32 s2, $0x0  }
0xd2: {  	s3 =	rddreg [dreg:$0x2];
	[bflag:$0x3] =	sbarrier.arrive $0xFFFF;
	s2 =	simm.s32 @!p0 $0x1C03  }
0xd3: {  	[timem:s3], [sflag:s2] =	dma.local @!p0 [hbm:s0], s1  }
0xd4: {  	s0 =	simm.s32 @!p0 $0x3  }
0xd5: {  	_ =	swait.ge @!p0 [sflag:s0], s1  }
0xd6: {  	s1 =	ssub.s32 @!p0 $0x0, s1;
	[sflag:s0] =	ssyncset.done @!p0 $0x0  }
0xd7: {  	[sflag:s0] =	ssyncadd.s32 @!p0 s1  }
0xd8: {  	[bflag:$0x3] =	sbarrier.arrive $0xFFFF  }
0xd9: {  	_ =	shalt  }

// kernel: kernel.7.cloned.1.call-start
scs
__scs_entry_jumppad:
0x0: {  	(pc) =	sbr.rel $0x88, $3  }
0x1: {  	(tag) =	ssettag $0x0;
	lr =	simm.s32 $0x1  }
0x2: {  	[smem:$0x3F97] =	sst lr;
	_ =	strace $0xD0000000  }
0x3: {  	_ = 	snop  }
0x4: {  	_ = 	snop  }
0x5: {  	_ = 	snop  }
0x6: {  	_ = 	snop  }
0x7: {  	_ = 	snop  }
__scs_overlays_trampoline_lowered:
0x8: {  	[smem:$0x3FA6] =	sst s0  }
0x9: {  	[smem:$0x3FA7] =	sst s1  }
0xa: {  	[smem:$0x3FA8] =	sst s2  }
0xb: {  	[smem:$0x3FA9] =	sst s3  }
0xc: {  	[smem:$0x3FAA] =	sst s4  }
0xd: {  	[smem:$0x3FAB] =	sst s5  }
0xe: {  	[smem:$0x3FAC] =	sst s6  }
0xf: {  	[smem:$0x3FAD] =	sst s7  }
0x10: {  	[smem:$0x3FAE] =	sst s8  }
0x11: {  	[smem:$0x3FAF] =	sst s9;
	s0 =	simm.s32 @!p0 $0x0  }
0x12: {  	s1 =	sld [smem:$0x3F95];
	s0 =	simm.s32 @p0 $0x1  }
0x13: {  	[smem:$0x3FB0] =	sst s0;
	s0 =	simm.s32 @!p1 $0x0  }
0x14: {  	s2 =	sld [smem:$0x3F94];
	s0 =	simm.s32 @p1 $0x1  }
0x15: {  	[smem:$0x3FB1] =	sst s0;
	s0 =	simm.s32 @!p2 $0x0  }
0x16: {  	s3 =	sld [smem:$0x3FDB];
	s0 =	simm.s32 @p2 $0x1  }
0x17: {  	s4 =	simm.s32 $0x1BF5;
	[smem:$0x3FB3] =	sst s0  }
0x18: {  	s0 =	sld [smem:$0x3F96];
	_ =	swait.ge [sflag:s4], $0x0  }
0x19: {  	s7 =	sld [smem:$0x3F97]  }
0x1a: {  	s8 =	sadd.s32 $0xFFFFE003, lr  }
0x1b: {  	s9 =	sadd.s32 $0xFFFFFEF7, lr;
	s5 =	simm.s32 $0xFFFFFFFF;
	p2 =	slt.u32 s8, $0xFFFFF086  }
0x1c: {  	p1 =	slt.u32 s9, $0xF7A;
	s5 =	simm.s32 @!p2 $0x0  }
0x1d: {  	s5 =	simm.s32 @p1 $0x1;
	p0 =	seq.s32 s7, s2  }
0x1e: {  	s7 =	smul.u32 @!p0 $0xF7A, s2;
	p2 =	seq.s32 @!p0 s5, $0x0  }
0x1f: {  	s9 =	smul.u32 $0xF7A, s1;
	s8 =	simm.s32 @!p0 $0x1BF5;
	p2 =	por !p2, p0  }
0x20: {  	[sflag:s8] =	ssyncset.s32 @!p0 $0xFFFFF086;
	s6 =	sadd.s32 @!p0 s3, s7;
	s7 =	simm.s32 @!p0 $0x108  }
0x21: {  	s3 =	sadd.s32 s3, s9;
	s6 =	sadd.s32 @!p0 $0x88, s6;
	s7 =	simm.s32 @p2 $0x1082  }
0x22: {  	[simem:s7], [sflag:s8] =	dma.local @!p0 [hbm:s6], $0xF7A  }
0x23: {  	s9 =	sor.u32 $0xD0000000, s2;
	s6 =	simm.s32 $0x108;
	_ =	swait.ge @!p0 [sflag:s8], $0x0  }
0x24: {  	s3 =	sadd.s32 $0x88, s3;
	s6 =	simm.s32 @!p1 $0x1082;
	[sflag:s4] =	ssyncset.s32 $0xFFFFF086  }
0x25: {  	[simem:s6], [sflag:s4] =	dma.local [hbm:s3], $0xF7A  }
0x26: {  	[smem:$0x3F97] =	sst s1;
	(tag) =	ssettag s2;
	_ =	strace s9  }
0x27: {  	s1 =	sld [smem:$0x3FA7]  }
0x28: {  	s2 =	sld [smem:$0x3FA8]  }
0x29: {  	s4 =	sld [smem:$0x3FAA]  }
0x2a: {  	p0 =	seq.s32 s5, $0x0;
	s5 =	sld [smem:$0x3FAB]  }
0x2b: {  	s6 =	sld [smem:$0x3FAC]  }
0x2c: {  	s7 =	sld [smem:$0x3FAD]  }
0x2d: {  	s3 =	simm.s32 $0x108;
	s8 =	sld [smem:$0x3FAE]  }
0x2e: {  	s3 =	simm.s32 @!p0 $0x1082;
	s9 =	sld [smem:$0x3FAF]  }
0x2f: {  	lr =	sadd.s32 s0, s3;
	s0 =	sld [smem:$0x3FA6]  }
0x30: {  	s3 =	sld [smem:$0x3FA9]  }
0x31: {  	[smem:$0x3FB2] =	sst s10  }
0x32: {  	s10 =	sld [smem:$0x3FB0];
	_ =	sdelay $0x3  }
0x33: {  	p0 =	seq.s32 s10, $0x1;
	s10 =	sld [smem:$0x3FB2];
	_ =	sdelay $0x3  }
0x34: {  	[smem:$0x3FB2] =	sst s10  }
0x35: {  	s10 =	sld [smem:$0x3FB1];
	_ =	sdelay $0x3  }
0x36: {  	p1 =	seq.s32 s10, $0x1;
	s10 =	sld [smem:$0x3FB2];
	_ =	sdelay $0x3  }
0x37: {  	[smem:$0x3FB2] =	sst s10  }
0x38: {  	s10 =	sld [smem:$0x3FB3]  }
0x39: {  	_ = 	snop;
	(pc) =	sbr.ind lr, $3  }
0x3a: {  	_ = 	snop  }
0x3b: {  	_ = 	snop  }
0x3c: {  	p2 =	seq.s32 s10, $0x1;
	s10 =	sld [smem:$0x3FB2]  }
0x3d: {  	_ =	shalt  }
0x3e: {  	_ =	shalt  }
0x3f: {  	_ =	shalt  }
0x40: {  	_ =	shalt  }
0x41: {  	_ =	shalt  }
0x42: {  	_ =	shalt  }
0x43: {  	_ =	shalt  }
0x44: {  	_ =	shalt  }
0x45: {  	_ =	shalt  }
0x46: {  	_ =	shalt  }
0x47: {  	_ =	shalt  }
0x48: {  	_ =	shalt  }
0x49: {  	_ =	shalt  }
0x4a: {  	_ =	shalt  }
0x4b: {  	_ =	shalt  }
0x4c: {  	_ =	shalt  }
0x4d: {  	_ =	shalt  }
0x4e: {  	_ =	shalt  }
0x4f: {  	_ =	shalt  }
0x50: {  	_ =	shalt  }
0x51: {  	_ =	shalt  }
0x52: {  	_ =	shalt  }
0x53: {  	_ =	shalt  }
0x54: {  	_ =	shalt  }
0x55: {  	_ =	shalt  }
0x56: {  	_ =	shalt  }
0x57: {  	_ =	shalt  }
0x58: {  	_ =	shalt  }
0x59: {  	_ =	shalt  }
0x5a: {  	_ =	shalt  }
0x5b: {  	_ =	shalt  }
0x5c: {  	_ =	shalt  }
0x5d: {  	_ =	shalt  }
0x5e: {  	_ =	shalt  }
0x5f: {  	_ =	shalt  }
0x60: {  	_ =	shalt  }
0x61: {  	_ =	shalt  }
0x62: {  	_ =	shalt  }
0x63: {  	_ =	shalt  }
0x64: {  	_ =	shalt  }
0x65: {  	_ =	shalt  }
0x66: {  	_ =	shalt  }
0x67: {  	_ =	shalt  }
0x68: {  	_ =	shalt  }
0x69: {  	_ =	shalt  }
0x6a: {  	_ =	shalt  }
0x6b: {  	_ =	shalt  }
0x6c: {  	_ =	shalt  }
0x6d: {  	_ =	shalt  }
0x6e: {  	_ =	shalt  }
0x6f: {  	_ =	shalt  }
0x70: {  	_ =	shalt  }
0x71: {  	_ =	shalt  }
0x72: {  	_ =	shalt  }
0x73: {  	_ =	shalt  }
0x74: {  	_ =	shalt  }
0x75: {  	_ =	shalt  }
0x76: {  	_ =	shalt  }
0x77: {  	_ =	shalt  }
0x78: {  	_ =	shalt  }
0x79: {  	_ =	shalt  }
0x7a: {  	_ =	shalt  }
0x7b: {  	_ =	shalt  }
0x7c: {  	_ =	shalt  }
0x7d: {  	_ =	shalt  }
0x7e: {  	_ =	shalt  }
0x7f: {  	_ =	shalt  }
0x80: {  	_ =	shalt  }
0x81: {  	_ =	shalt  }
0x82: {  	_ =	shalt  }
0x83: {  	_ =	shalt  }
0x84: {  	_ =	shalt  }
0x85: {  	_ =	shalt  }
0x86: {  	_ =	shalt  }
0x87: {  	_ =	shalt  }
.Lfunc_end0:
.L_simem_size_0:
called_computation_lowered:
.L_overlay_start_0:
0x88: {  	s2 =	sld [smem:$0x3FD9]  }
0x89: {  	s3 =	sld [smem:$0x3FFE];
	_ =	sdelay $0x1  }
0x8a: {  	s1 =	srdreg.scid  }
0x8b: {  	s0 =	sand.u32 $0x1, s1  }
0x8c: {  	s17 =	sshll.u32 s0, $0xA;
	s2 =	sadd.s32 s3, s2  }
0x8d: {  	s2 =	sadd.s32 s2, s17  }
0x8e: {  	[smem:$0x3FBE] =	sst s2  }
0x8f: {  	_ = 	snop  }
0x90: {  	s18 =	sld [smem:$0x3FD0];
	(tm) =	ssettm $0x1  }
0x91: {  	s19 =	sld [smem:$0x3FFB];
	_ =	sdelay $0x3  }
0x92: {  	_ =	strace s19  }
0x93: {  	s2 =	sld [smem:$0x3FFC];
	_ =	sdelay $0x3  }
0x94: {  	_ =	strace s2  }
0x95: {  	s2 =	sld [smem:$0x3FFD];
	_ =	sdelay $0x3  }
0x96: {  	_ =	strace s2  }
0x97: {  	_ =	strace $0x8FFFFFFF  }
0x98: {  	s20 =	sld [smem:$0x3FDB];
	_ =	sdelay $0x1  }
0x99: {  	s4 =	simm.s32 $_scs_section_size  }
0x9a: {  	s5 =	simm.s32 $_size__tile_overlayer_lowered;
	s6 =	simm.s32 $_tile_overlayer_lowered  }
0x9b: {  	s7 =	simm.s32 $0x1BFF;
	s21 =	sshll.u32 s6, $0x1;
	s4 =	sadd.s32 s4, s20  }
0x9c: {  	s22 =	simm.s32 $0x0;
	s5 =	sshll.u32 s5, $0x1;
	s6 =	sadd.s32 s21, s4  }
0x9d: {  	[timem:s22], [sflag:s7] =	dma.local [hbm:s6], s5  }
0x9e: {  	_ =	swait.ge [sflag:s7], s5  }
0x9f: {  	s5 =	ssub.s32 $0x0, s5;
	[sflag:s7] =	ssyncset.done $0x0  }
0xa0: {  	[sflag:s7] =	ssyncadd.s32 s5;
	_ =	sdelay $0x1  }
0xa1: {  	s23 =	simm.s32 $0x1B8B  }
0xa2: {  	_ =	swait.ge [sflag:s23], $0x1  }
0xa3: {  	[sflag:s23] =	ssyncset.done $0x0  }
0xa4: {  	[sflag:s23] =	ssyncadd.s32 $0xFFFFFFFF  }
0xa5: {  	s5 =	sld [smem:$0x0]  }
0xa6: {  	s6 =	sand.u32 $0xFFFFFFFE, s1  }
0xa7: {  	p0 =	sne.s32 s1, s6  }
0xa8: {  	s6 =	sshll.u32 @p0 s6, $0xE  }
0xa9: {  	s6 =	sadd.s32 @p0 $0x11B8D, s6;
	s7 =	sshll.u32 @p0 s5, $0x11  }
0xaa: {  	s6 =	sor.u32 @p0 s7, s6  }
0xab: {  	[sflag:s6] =	ssyncadd.remote.s32 @p0 $0x1;
	_ =	sdelay $0x1  }
0xac: {  	s6 =	simm.s32 @p0 $0x1B8D  }
0xad: {  	_ =	swait.eq @p0 [sflag:s6], $0x1  }
0xae: {  	[sflag:s6] =	ssyncadd.s32 @p0 $0xFFFFFFFF  }
0xaf: {  	s7 =	sshll.u32 @!p0 s1, $0xE  }
0xb0: {  	s7 =	sor.u32 @!p0 $0x4000, s7;
	s6 =	simm.s32 @!p0 $0x1B8D  }
0xb1: {  	s5 =	sshll.u32 @!p0 s5, $0x11;
	s7 =	sadd.s32 @!p0 $0x11B8D, s7;
	_ =	swait.eq @!p0 [sflag:s6], $0x1  }
0xb2: {  	s5 =	sor.u32 @!p0 s5, s7;
	[sflag:s6] =	ssyncadd.s32 @!p0 $0xFFFFFFFF  }
0xb3: {  	s25 =	simm.s32 $0x1B8E;
	s24 =	sld [smem:$0x3FFE];
	[sflag:s5] =	ssyncadd.remote.s32 @!p0 $0x1  }
0xb4: {  	s26 =	simm.s32 $execute0_lowered;
	[smem:$0x3FD2] =	sst s25  }
0xb5: {  	s6 =	sshll.u32 s26, $0x1;
	_ =	strace $0x80000049;
	[dreg:$0x1] =	wrdreg $0xFFFFFFFF  }
0xb6: {  	s28 =	simm.s32 $_size_execute0_lowered;
	s4 =	sadd.s32 s4, s6;
	[dreg:$0x0] =	wrdreg $0x0  }
0xb7: {  	s6 =	sshll.u32 s28, $0x1;
	[dreg:$0x2] =	wrdreg s4  }
0xb8: {  	[dreg:$0x3] =	wrdreg s6  }
0xb9: {  	[dreg:$0x4] =	wrdreg $0xC0  }
0xba: {  	_ =	task [dreg:s22], $0x5FFFF  }
0xbb: {  	[dreg:$0x1] =	wrdreg $0xFFFFFFFF  }
0xbc: {  	[dreg:$0x0] =	wrdreg $0x60  }
0xbd: {  	[dreg:$0x2] =	wrdreg s24  }
0xbe: {  	[dreg:$0x3] =	wrdreg s18  }
0xbf: {  	[dreg:$0x4] =	wrdreg $0x40800  }
0xc0: {  	[dreg:$0x5] =	wrdreg $0x9  }
0xc1: {  	_ =	task.clear_ibuf [dreg:s22], $0x6FFFF;
	_ =	strace $0x90000049  }
0xc2: {  	s29 =	simm.s32 $0x9;
	_ =	strace $0x8000004B  }
0xc3: {  	_ =	swait.ge [sflag:s29], $0x1  }
0xc4: {  	[sflag:s29] =	ssyncadd.s32 $0xFFFFFFFF  }
0xc5: {  	_ =	strace $0x9000004B  }
0xc6: {  	_ =	sfence  }
0xc7: {  	s30 =	sld [smem:$0x0];
	_ =	sdelay $0x2  }
0xc8: {  	s31 =	sshll.u32 s1, $0xD;
	s1 =	sshrl.u32 s1, $0x2  }
0xc9: {  	s4 =	sand.u32 $0x4000, s31;
	s1 =	sadd.s32 s1, s30  }
0xca: {  	s0 =	sor.u32 s4, s0;
	s1 =	sshll.u32 s1, $0x11  }
0xcb: {  	s0 =	sor.u32 s1, s0  }
0xcc: {  	s0 =	sadd.s32 $0x8F2B, s0  }
0xcd: {  	[sflag:s0] =	ssyncadd.remote.s32 $0x1  }
0xce: {  	_ =	sfence.sel $0xFFFF  }
0xcf: {  	[dreg:$0x0] =	wrdreg $0xFFFFFFFF;
	(pc) =	sbr.abs _section_cstart, $3  }
0xd0: {  	[dreg:$0x1] =	wrdreg $0xFFFFFFFF  }
0xd1: {  	_ =	task.clear_ibuf [dreg:s22], $0x2FFFF;
	_ =	strace $0x9FFFFFFF  }
0xd2: {  	(tm) =	ssettm $0x7FFFFFFF  }
0xd3: {  	_ =	shalt  }
tec
execute0_lowered:
.L_overlay_start_1:
0x0: {  	(tag) =	ssettag $0x1  }
0x1: {  	s6 =	rddreg [dreg:$0x0];
	s4 =	srdreg.scid  }
0x2: {  	s1 =	rddreg [dreg:$0x1];
	s5 =	sand.u32 $0x1, s4  }
0x3: {  	s2 =	rddreg [dreg:$0x2];
	s7 =	smul.u32 $0x5000, s5  }
0x4: {  	s4 =	stileid.u32;
	s8 =	smul.u32 $0x28000, s5  }
0x5: {  	s0 =	rddreg [dreg:$0x3];
	s3 =	simm.s32 $0x0;
	s9 =	smul.u32 $0x280, s4  }
0x6: {  	[smem:$0x7FF] =	sst s3;
	s10 =	smul.u32 $0x50000, s4  }
0x7: {  	_ =	strace $0x8000004A;
	s24 =	ssub.s32 $0x2, s5;
	s18 =	smul.u32 $0x2800, s4  }
0x8: {  	s5 =	sadd.s32 $0x66800, s6;
	s20 =	smul.u32 $0x500, s4;
	s25 =	sshrl.u32 s24, $0x1  }
0x9: {  	s12 =	sadd.s32 s7, s6;
	s11 =	sadd.s32 s8, s6;
	s13 =	ssub.s32 s24, s25  }
0xa: {  	s26 =	sshrl.u32 s10, $0x2;
	s14 =	sadd.s32 $0x80, s9;
	s15 =	sadd.s32 $0x100, s9  }
0xb: {  	s16 =	sadd.s32 $0x180, s9;
	s17 =	sadd.s32 $0x200, s9;
	s6 =	sadd.s32 s26, s2  }
0xc: {  	s28 =	sshll.u32 s14, $0x7;
	s29 =	sshll.u32 s15, $0x7;
	s30 =	sshll.u32 s16, $0x7  }
0xd: {  	s31 =	sshll.u32 s17, $0x7;
	s19 =	sadd.s32 $0x67000, s11;
	s21 =	sshll.u32 s14, $0x4  }
0xe: {  	s22 =	sshll.u32 s15, $0x4;
	s23 =	sshll.u32 s16, $0x4;
	s24 =	sshll.u32 s17, $0x4  }
0xf: {  	s11 =	smax.u32 s13, $0x1;
	s12 =	sadd.s32 s20, s12;
	s13 =	simm.s32 $0x80  }
0x10: {  	s14 =	simm.s32 $0x1;
	s20 =	simm.s32 $0x0;
	s7 =	sadd.s32 s28, s2  }
0x11: {  	s8 =	sadd.s32 s29, s2;
	s9 =	sadd.s32 s30, s2;
	s10 =	sadd.s32 s31, s2  }
0x12: {  	s12 =	sadd.s32 $0xC800, s12;
	s15 =	sadd.s32 s18, s19;
	s16 =	sadd.s32 s21, s19  }
0x13: {  	s17 =	sadd.s32 s22, s19;
	s18 =	sadd.s32 s23, s19;
	s19 =	sadd.s32 s24, s19  }
.LBB2_1:
0x14: {  	[tilespmem:s13], [sflag:$0x1] =	stream.linear.gather [hbm4b:s1+s3], $0x4000, $0x38;
	[tilespmem:$0x18080] =	vst v63  }
0x15: {  	_ =	swait.ge [sflag:s14], $0x4000  }
0x16: {  	[sflag:s14] =	ssyncset.done $0x0  }
0x17: {  	[sflag:s14] =	ssyncadd.s32 $0xFFFFC000  }
0x18: {  	[spmem:s6] =	stream.linear.scatter [tilespmem:s13], [sflag:$0x1], $0x4000, $0x38;
	[tilespmem:$0x18080] =	vst v63  }
0x19: {  	_ =	swait.ge [sflag:s14], $0x4000  }
0x1a: {  	[sflag:s14] =	ssyncset.done $0x0  }
0x1b: {  	[sflag:s14] =	ssyncadd.s32 $0xFFFFC000  }
0x1c: {  	[spmem:s7] =	stream.linear.scatter [tilespmem:s13], [sflag:$0x1], $0x4000, $0x38;
	[tilespmem:$0x18080] =	vst v63  }
0x1d: {  	_ =	swait.ge [sflag:s14], $0x4000  }
0x1e: {  	[sflag:s14] =	ssyncset.done $0x0  }
0x1f: {  	[sflag:s14] =	ssyncadd.s32 $0xFFFFC000  }
0x20: {  	[spmem:s8] =	stream.linear.scatter [tilespmem:s13], [sflag:$0x1], $0x4000, $0x38;
	[tilespmem:$0x18080] =	vst v63  }
0x21: {  	_ =	swait.ge [sflag:s14], $0x4000  }
0x22: {  	[sflag:s14] =	ssyncset.done $0x0  }
0x23: {  	[sflag:s14] =	ssyncadd.s32 $0xFFFFC000  }
0x24: {  	[spmem:s9] =	stream.linear.scatter [tilespmem:s13], [sflag:$0x1], $0x4000, $0x38;
	[tilespmem:$0x18080] =	vst v63  }
0x25: {  	_ =	swait.ge [sflag:s14], $0x4000  }
0x26: {  	[sflag:s14] =	ssyncset.done $0x0  }
0x27: {  	[sflag:s14] =	ssyncadd.s32 $0xFFFFC000  }
0x28: {  	[spmem:s10] =	stream.linear.scatter [tilespmem:s13], [sflag:$0x1], $0x4000, $0x38;
	[tilespmem:$0x18080] =	vst v63  }
0x29: {  	_ =	swait.ge [sflag:s14], $0x4000  }
0x2a: {  	[sflag:s14] =	ssyncset.done $0x0  }
0x2b: {  	[sflag:s14] =	ssyncadd.s32 $0xFFFFC000  }
0x2c: {  	[tilespmem:s13], [sflag:$0x1] =	stream.linear.gather [hbm4b:s5+s3], $0x4000, $0x38;
	[tilespmem:$0x18080] =	vst v63  }
0x2d: {  	_ =	swait.ge [sflag:s14], $0x4000  }
0x2e: {  	[sflag:s14] =	ssyncset.done $0x0  }
0x2f: {  	[sflag:s14] =	ssyncadd.s32 $0xFFFFC000  }
0x30: {  	s21 =	sadd.s32 $0x0, s12;
	[bflag:$0x0] =	sbarrier.arrive $0xFFFF  }
0x31: {  	[tilespmem:s3], [sflag:$0x1] =	stream.linear.gather [hbm4b:s21+s3], $0x80, $0x38;
	[tilespmem:$0x18080] =	vst v63  }
0x32: {  	_ =	swait.ge [sflag:s14], $0x80  }
0x33: {  	[sflag:s14] =	ssyncset.done $0x0  }
0x34: {  	[sflag:s14] =	ssyncadd.s32 $0xFFFFFF80  }
0x35: {  	[spmem:s2] =	stream.indirect.scatter.add.f32 [tilespmem:s13], [sflag:$0x1], $0x80, s3, s13, $0xb8;
	[tilespmem:$0x18080] =	vst v63  }
0x36: {  	_ =	swait.ge [sflag:s14], $0x4000  }
0x37: {  	s22 =	simm.s32 $0x20;
	s21 =	simm.s32 $0x10;
	[sflag:s14] =	ssyncset.done $0x0  }
.LBB2_2:
0x38: {  	s23 =	sadd.s32 s21, s12  }
0x39: {  	[sflag:s14] =	ssyncadd.s32 $0xFFFFC000;
	s21 =	smov.u32 s22;
	s24 =	sadd.s32 $0x10, s22  }
0x3a: {  	[tilespmem:s3], [sflag:$0x1] =	stream.linear.gather [hbm4b:s23+s3], $0x80, $0x38;
	[tilespmem:$0x18080] =	vst v63  }
0x3b: {  	p0 =	sne.s32 s22, $0x4F0;
	_ =	swait.ge [sflag:s14], $0x80  }
.Ltmp0:
0x3c: {  	[sflag:s14] =	ssyncset.done $0x0;
	(pc) =	sbr.rel @p0 .LBB2_2-.Ltmp0, $4  }
0x3d: {  	[sflag:s14] =	ssyncadd.s32 $0xFFFFFF80  }
0x3e: {  	[spmem:s2] =	stream.indirect.scatter.add.f32 [tilespmem:s13], [sflag:$0x1], $0x80, s3, s13, $0xb8;
	[tilespmem:$0x18080] =	vst v63  }
0x3f: {  	_ =	swait.ge [sflag:s14], $0x4000  }
0x40: {  	s22 =	smov.u32 s24;
	[sflag:s14] =	ssyncset.done $0x0  }
0x41: {  	s21 =	sadd.s32 s21, s12;
	[sflag:s14] =	ssyncadd.s32 $0xFFFFC000  }
0x42: {  	[tilespmem:s3], [sflag:$0x1] =	stream.linear.gather [hbm4b:s21+s3], $0x80, $0x38;
	[tilespmem:$0x18080] =	vst v63  }
0x43: {  	_ =	swait.ge [sflag:s14], $0x80  }
0x44: {  	[sflag:s14] =	ssyncset.done $0x0  }
0x45: {  	[sflag:s14] =	ssyncadd.s32 $0xFFFFFF80  }
0x46: {  	[spmem:s2] =	stream.indirect.scatter.add.f32 [tilespmem:s13], [sflag:$0x1], $0x80, s3, s13, $0xb8;
	[tilespmem:$0x18080] =	vst v63  }
0x47: {  	_ =	swait.ge [sflag:s14], $0x4000  }
0x48: {  	[sflag:s14] =	ssyncset.done $0x0  }
0x49: {  	[sflag:s14] =	ssyncadd.s32 $0xFFFFC000  }
0x4a: {  	[bflag:$0x0] =	sbarrier.arrive $0xFFFF  }
0x4b: {  	[tilespmem:s13], [sflag:$0x1] =	stream.linear.gather [spmem:s6], $0x4000, $0x38;
	[tilespmem:$0x18080] =	vst v63  }
0x4c: {  	_ =	swait.ge [sflag:s14], $0x4000  }
0x4d: {  	[sflag:s14] =	ssyncset.done $0x0  }
0x4e: {  	[sflag:s14] =	ssyncadd.s32 $0xFFFFC000  }
0x4f: {  	[hbm4b:s15+s3] =	stream.linear.scatter [tilespmem:s13], [sflag:$0x1], $0x4000, $0x38;
	[tilespmem:$0x18080] =	vst v63  }
0x50: {  	_ =	swait.ge [sflag:s14], $0x4000  }
0x51: {  	[sflag:s14] =	ssyncset.done $0x0  }
0x52: {  	[sflag:s14] =	ssyncadd.s32 $0xFFFFC000  }
0x53: {  	[tilespmem:s13], [sflag:$0x1] =	stream.linear.gather [spmem:s7], $0x4000, $0x38;
	[tilespmem:$0x18080] =	vst v63  }
0x54: {  	_ =	swait.ge [sflag:s14], $0x4000  }
0x55: {  	[sflag:s14] =	ssyncset.done $0x0  }
0x56: {  	[sflag:s14] =	ssyncadd.s32 $0xFFFFC000  }
0x57: {  	[hbm4b:s16+s3] =	stream.linear.scatter [tilespmem:s13], [sflag:$0x1], $0x4000, $0x38;
	[tilespmem:$0x18080] =	vst v63  }
0x58: {  	_ =	swait.ge [sflag:s14], $0x4000  }
0x59: {  	[sflag:s14] =	ssyncset.done $0x0  }
0x5a: {  	[sflag:s14] =	ssyncadd.s32 $0xFFFFC000  }
0x5b: {  	[tilespmem:s13], [sflag:$0x1] =	stream.linear.gather [spmem:s8], $0x4000, $0x38;
	[tilespmem:$0x18080] =	vst v63  }
0x5c: {  	_ =	swait.ge [sflag:s14], $0x4000  }
0x5d: {  	[sflag:s14] =	ssyncset.done $0x0  }
0x5e: {  	[sflag:s14] =	ssyncadd.s32 $0xFFFFC000  }
0x5f: {  	[hbm4b:s17+s3] =	stream.linear.scatter [tilespmem:s13], [sflag:$0x1], $0x4000, $0x38;
	[tilespmem:$0x18080] =	vst v63  }
0x60: {  	_ =	swait.ge [sflag:s14], $0x4000  }
0x61: {  	[sflag:s14] =	ssyncset.done $0x0  }
0x62: {  	[sflag:s14] =	ssyncadd.s32 $0xFFFFC000  }
0x63: {  	[tilespmem:s13], [sflag:$0x1] =	stream.linear.gather [spmem:s9], $0x4000, $0x38;
	[tilespmem:$0x18080] =	vst v63  }
0x64: {  	_ =	swait.ge [sflag:s14], $0x4000  }
0x65: {  	[sflag:s14] =	ssyncset.done $0x0  }
0x66: {  	[sflag:s14] =	ssyncadd.s32 $0xFFFFC000  }
0x67: {  	[hbm4b:s18+s3] =	stream.linear.scatter [tilespmem:s13], [sflag:$0x1], $0x4000, $0x38;
	[tilespmem:$0x18080] =	vst v63  }
0x68: {  	_ =	swait.ge [sflag:s14], $0x4000  }
0x69: {  	[sflag:s14] =	ssyncset.done $0x0  }
0x6a: {  	[sflag:s14] =	ssyncadd.s32 $0xFFFFC000  }
0x6b: {  	[tilespmem:s13], [sflag:$0x1] =	stream.linear.gather [spmem:s10], $0x4000, $0x38;
	[tilespmem:$0x18080] =	vst v63  }
0x6c: {  	s20 =	sadd.s32 $0x1, s20;
	_ =	swait.ge [sflag:s14], $0x4000  }
0x6d: {  	p0 =	sne.s32 s20, s11;
	[sflag:s14] =	ssyncset.done $0x0  }
.Ltmp1:
0x6e: {  	[sflag:s14] =	ssyncadd.s32 $0xFFFFC000;
	(pc) =	sbr.rel @p0 .LBB2_1-.Ltmp1, $4  }
0x6f: {  	[hbm4b:s19+s3] =	stream.linear.scatter [tilespmem:s13], [sflag:$0x1], $0x4000, $0x38;
	[tilespmem:$0x18080] =	vst v63  }
0x70: {  	_ =	swait.ge [sflag:s14], $0x4000  }
0x71: {  	[sflag:s14] =	ssyncset.done $0x0  }
0x72: {  	[sflag:s14] =	ssyncadd.s32 $0xFFFFC000  }
0x73: {  	_ =	sfence.sel $0x180000  }
0x74: {  	[bflag:$0x0] =	sbarrier.arrive $0xFFFF  }
0x75: {  	p0 =	sne.s32 s4, $0x0;
	_ =	strace $0x9000004A  }
0x76: {  	s0 =	sadd.s32 @!p0 $0x100000, s0;
	[bflag:$0x2] =	sbarrier.arrive $0xFFFF  }
0x77: {  	[sflag:s0] =	ssyncadd.tile.s32 @!p0 $0x1;
	_ =	shalt  }
.Lfunc_end2:
_tile_overlayer_lowered:
.L_overlay_start_2:
0x78: {  	(tag) =	ssettag $0x2  }
0x79: {  	s0 =	rddreg [dreg:$0x0];
	s2 =	stileid.u32  }
0x7a: {  	s1 =	rddreg [dreg:$0x1];
	p0 =	sne.s32 s2, $0x0  }
0x7b: {  	s3 =	rddreg [dreg:$0x2];
	[bflag:$0x3] =	sbarrier.arrive $0xFFFF;
	s2 =	simm.s32 @!p0 $0x1C01  }
0x7c: {  	[timem:s3], [sflag:s2] =	dma.local @!p0 [hbm:s0], s1  }
0x7d: {  	s0 =	simm.s32 @!p0 $0x1  }
0x7e: {  	_ =	swait.ge @!p0 [sflag:s0], s1  }
0x7f: {  	s1 =	ssub.s32 @!p0 $0x0, s1;
	[sflag:s0] =	ssyncset.done @!p0 $0x0  }
0x80: {  	[sflag:s0] =	ssyncadd.s32 @!p0 s1  }
0x81: {  	[bflag:$0x3] =	sbarrier.arrive $0xFFFF  }
0x82: {  	_ =	shalt  }

</sc_bundles>
